<compile_context>
chip_gen: v7x
topology: tpu7x:2x2x1
jax: 0.10.2.dev20260603
libtpu: 0.0.44.dev20260713+nightly
codegen_flags: <defaults>
</compile_context>

<pallas_src>
import jax
import jax.numpy as jnp
from jax import lax
from jax.experimental import pallas as pl
from jax.experimental.pallas import tpu as pltpu
from jax.experimental.pallas import tpu_sc as plsc

_N = 10000
_E = 320000
_D = 128
_NS = 16
_CHUNK = 128
_CPT = 160
_CPB = 16
_NBLK = _CPT // _CPB
_E_PAD = _CPT * _NS * _CHUNK
_N_PAD = 10240
_RPT = _N_PAD // _NS
_LANES = 16


def _sc_body(feat_u, feat_i, eb, ebb,
             acc_b, cnt_b, acc_bb, cnt_bb,
             src0, dst0, src1, dst1, rows0, rows1, ones_v, zcnt,
             acc_sh, cnt_sh, sem_g0, sem_g1, sem_s0, sem_s1, sem_i):
    c = lax.axis_index("c")
    t = lax.axis_index("s")

    def _zrow(r, carry):
        for k in range(_D // _LANES):
            rows0[r, pl.ds(k * _LANES, _LANES)] = jnp.zeros((_LANES,), jnp.float32)
        return carry
    lax.fori_loop(0, _CHUNK, _zrow, 0)

    def _zcnt(i, carry):
        zcnt[pl.ds(i * _LANES, _LANES)] = jnp.zeros((_LANES,), jnp.float32)
        return carry
    lax.fori_loop(0, _RPT // _LANES, _zcnt, 0)

    for k in range(_CHUNK // _LANES):
        ones_v[pl.ds(k * _LANES, _LANES)] = jnp.ones((_LANES,), jnp.float32)

    for j in range(_RPT // _CHUNK):
        pltpu.sync_copy(rows0, acc_sh.at[pl.ds(t * _RPT + j * _CHUNK, _CHUNK)])
    pltpu.sync_copy(zcnt, cnt_sh.at[pl.ds(t * _RPT, _RPT)])
    plsc.subcore_barrier()

    def _run(edges, feat):
        def _gather(sv, r, buf, sem):
            pltpu.async_copy(feat.at[sv.at[r]], buf, sem)

        def _gather_wait(sv, r, buf, sem):
            pltpu.make_async_copy(feat.at[sv.at[r]], buf, sem).wait()

        def _scat(dv, r, buf, sem):
            pltpu.async_copy(buf, acc_sh.at[dv.at[r]], sem, add=True)
            pltpu.async_copy(ones_v, cnt_sh.at[dv.at[r]], sem, add=True)

        def _scat_wait(dv, r, buf, sem):
            pltpu.make_async_copy(buf, acc_sh.at[dv.at[r]], sem).wait()
            pltpu.make_async_copy(ones_v, cnt_sh.at[dv.at[r]], sem).wait()

        def _idx_load(off, sv, dv):
            off = pl.multiple_of(off, 8)
            pltpu.async_copy(edges.at[0, pl.ds(off, _CPB)], sv, sem_i)
            pltpu.async_copy(edges.at[1, pl.ds(off, _CPB)], dv, sem_i)

        def _idx_wait(off, sv, dv):
            off = pl.multiple_of(off, 8)
            pltpu.make_async_copy(edges.at[0, pl.ds(off, _CPB)], sv, sem_i).wait()
            pltpu.make_async_copy(edges.at[1, pl.ds(off, _CPB)], dv, sem_i).wait()

        def _block(sv, dv, nsv, ndv, off, off_next, has_next,
                   load_next, load_next_off):
            def _pair(j, c2):
                r0 = 2 * j
                r1 = 2 * j + 1
                _gather_wait(sv, r0, rows0, sem_g0)
                _scat(dv, r0, rows0, sem_s0)
                _gather_wait(sv, r1, rows1, sem_g1)
                _scat_wait(dv, r0, rows0, sem_s0)
                _gather(sv, r0 + 2, rows0, sem_g0)
                _scat(dv, r1, rows1, sem_s1)
                _scat_wait(dv, r1, rows1, sem_s1)
                _gather(sv, r1 + 2, rows1, sem_g1)
                return c2
            lax.fori_loop(0, _CPB // 2 - 1, _pair, 0)

            r0, r1 = _CPB - 2, _CPB - 1
            _gather_wait(sv, r0, rows0, sem_g0)
            _scat(dv, r0, rows0, sem_s0)
            _gather_wait(sv, r1, rows1, sem_g1)
            _scat_wait(dv, r0, rows0, sem_s0)

            @pl.when(has_next)
            def _():
                _idx_wait(off_next, nsv, ndv)
                _gather(nsv, 0, rows0, sem_g0)

            _scat(dv, r1, rows1, sem_s1)
            _scat_wait(dv, r1, rows1, sem_s1)

            @pl.when(has_next)
            def _():
                _gather(nsv, 1, rows1, sem_g1)

            @pl.when(load_next)
            def _():
                _idx_load(load_next_off, sv, dv)

        base = t * _CPT
        pltpu.sync_copy(edges.at[0, pl.ds(base, _CPB)], src0)
        pltpu.sync_copy(edges.at[1, pl.ds(base, _CPB)], dst0)
        _idx_load(base + _CPB, src1, dst1)
        _gather(src0, 0, rows0, sem_g0)
        _gather(src0, 1, rows1, sem_g1)

        def _super(sb, carry):
            bi = 2 * sb
            off_a = base + bi * _CPB
            _block(src0, dst0, src1, dst1, off_a, off_a + _CPB,
                   jnp.bool_(True),
                   bi + 2 < _NBLK,
                   jnp.where(bi + 2 < _NBLK, off_a + 2 * _CPB, 0))
            _block(src1, dst1, src0, dst0, off_a + _CPB, off_a + 2 * _CPB,
                   bi + 2 < _NBLK,
                   bi + 3 < _NBLK,
                   jnp.where(bi + 3 < _NBLK, off_a + 3 * _CPB, 0))
            return carry
        lax.fori_loop(0, _NBLK // 2, _super, 0)

    @pl.when(c == 0)
    def _():
        _run(eb, feat_u)

    @pl.when(c == 1)
    def _():
        _run(ebb, feat_i)

    plsc.subcore_barrier()

    sl = pl.ds(t * _RPT, _RPT)

    @pl.when(c == 0)
    def _():
        pltpu.sync_copy(acc_sh.at[sl], acc_b.at[sl])
        pltpu.sync_copy(cnt_sh.at[sl], cnt_b.at[sl])

    @pl.when(c == 1)
    def _():
        pltpu.sync_copy(acc_sh.at[sl], acc_bb.at[sl])
        pltpu.sync_copy(cnt_sh.at[sl], cnt_bb.at[sl])


def _segment_sums(feat_user, feat_item, eb3, ebb3):
    mesh = plsc.VectorSubcoreMesh(core_axis_name="c", subcore_axis_name="s")
    f32 = jnp.float32
    return pl.kernel(
        _sc_body,
        out_type=[
            jax.ShapeDtypeStruct((_N_PAD, _D), f32),
            jax.ShapeDtypeStruct((_N_PAD,), f32),
            jax.ShapeDtypeStruct((_N_PAD, _D), f32),
            jax.ShapeDtypeStruct((_N_PAD,), f32),
        ],
        mesh=mesh,
        scratch_types=[
            pltpu.VMEM((_CPB, _CHUNK), jnp.int32),
            pltpu.VMEM((_CPB, _CHUNK), jnp.int32),
            pltpu.VMEM((_CPB, _CHUNK), jnp.int32),
            pltpu.VMEM((_CPB, _CHUNK), jnp.int32),
            pltpu.VMEM((_CHUNK, _D), f32),
            pltpu.VMEM((_CHUNK, _D), f32),
            pltpu.VMEM((_CHUNK,), f32),
            pltpu.VMEM((_RPT,), f32),
            pltpu.VMEM_SHARED((_N_PAD, _D), f32),
            pltpu.VMEM_SHARED((_N_PAD,), f32),
            pltpu.SemaphoreType.DMA,
            pltpu.SemaphoreType.DMA,
            pltpu.SemaphoreType.DMA,
            pltpu.SemaphoreType.DMA,
            pltpu.SemaphoreType.DMA,
        ],
        name="hgnn_segment_sum_sc",
    )(feat_user, feat_item, eb3, ebb3)


_BLK = 1000


def _tc_body(fu, fi, ab, cb, abb, cbb,
             w_b, b_b, w_bb, b_bb, wn_u, bn_u, wn_i, bn_i,
             hu, hi):
    def mm(x, w):
        return lax.dot_general(
            x, w, (((1,), (1,)), ((), ())),
            preferred_element_type=jnp.float32,
            precision=lax.Precision.HIGHEST)

    cu = cbb[...]
    zu = mm(abb[...] / jnp.maximum(cu, 1.0), w_bb[...])
    zu = zu + jnp.where(cu > 0.0, b_bb[...], 0.0)
    hu[...] = jnp.concatenate([mm(fu[...], wn_u[...]) + bn_u[...], zu], axis=1)

    ci = cb[...]
    zi = mm(ab[...] / jnp.maximum(ci, 1.0), w_b[...])
    zi = zi + jnp.where(ci > 0.0, b_b[...], 0.0)
    hi[...] = jnp.concatenate([mm(fi[...], wn_i[...]) + bn_i[...], zi], axis=1)


def _combine(feat_user, feat_item, acc_b, cnt_b, acc_bb, cnt_bb,
             W_buys, b_buys, W_bought_by, b_bought_by,
             Wn_user, bn_user, Wn_item, bn_item):
    f32 = jnp.float32
    grid = _N // _BLK
    row_blk = pl.BlockSpec((_BLK, _D), lambda i: (i, 0))
    cnt_blk = pl.BlockSpec((_BLK, 1), lambda i: (i, 0))
    full_w = pl.BlockSpec((_D, _D), lambda i: (0, 0))
    full_b = pl.BlockSpec((1, _D), lambda i: (0, 0))
    return pl.pallas_call(
        _tc_body,
        grid=(grid,),
        in_specs=[row_blk, row_blk, row_blk, cnt_blk, row_blk, cnt_blk,
                  full_w, full_b, full_w, full_b, full_w, full_b, full_w, full_b],
        out_specs=[pl.BlockSpec((_BLK, 2 * _D), lambda i: (i, 0)),
                   pl.BlockSpec((_BLK, 2 * _D), lambda i: (i, 0))],
        out_shape=[jax.ShapeDtypeStruct((_N, 2 * _D), f32),
                   jax.ShapeDtypeStruct((_N, 2 * _D), f32)],
        name="hgnn_linear_tc",
    )(feat_user, feat_item, acc_b, cnt_b.reshape(_N_PAD, 1),
      acc_bb, cnt_bb.reshape(_N_PAD, 1),
      W_buys, b_buys.reshape(1, _D), W_bought_by, b_bought_by.reshape(1, _D),
      Wn_user, bn_user.reshape(1, _D), Wn_item, bn_item.reshape(1, _D))


def kernel(feat_user, feat_item, edge_buys, edge_bought_by,
           W_buys, b_buys, W_bought_by, b_bought_by,
           Wn_user, bn_user, Wn_item, bn_item):
    pad = jnp.broadcast_to(jnp.array([[0], [_N]], jnp.int32), (2, _E_PAD - _E))
    eb3 = jnp.concatenate([edge_buys, pad], axis=1).reshape(2, _CPT * _NS, _CHUNK)
    ebb3 = jnp.concatenate([edge_bought_by, pad], axis=1).reshape(2, _CPT * _NS, _CHUNK)

    acc_b, cnt_b, acc_bb, cnt_bb = _segment_sums(feat_user, feat_item, eb3, ebb3)

    return _combine(feat_user, feat_item, acc_b, cnt_b, acc_bb, cnt_bb,
                    W_buys, b_buys, W_bought_by, b_bought_by,
                    Wn_user, bn_user, Wn_item, bn_item)

# --- scband reference (transcript-rebuilt; emitter-appended) ---
"""Pipeline reference for scband-hgnn-layer-64725157151123 (READ-ONLY COPY).

The authoritative reference and input builder live on the scoring server;
editing this copy changes nothing except your own understanding.
"""

import jax, jax.numpy as jnp
import numpy as np

N_USER = 10000
N_ITEM = 10000
E = 320000
D_IN = 128
D_OUT = 128


def setup_inputs(seed: int = 0) -> dict:
    key = jax.random.key(seed)
    ks = jax.random.split(key, 14)
    feat_user = jax.random.normal(ks[0], (N_USER, D_IN), dtype=jnp.float32)
    feat_item = jax.random.normal(ks[1], (N_ITEM, D_IN), dtype=jnp.float32)
    # edge_index rows: [src, dst]. buys: user -> item; bought_by: item -> user
    edge_buys = jax.random.randint(ks[2], (2, E), 0, N_USER, dtype=jnp.int32)
    edge_bought_by = jax.random.randint(ks[3], (2, E), 0, N_ITEM, dtype=jnp.int32)
    s = 0.02
    W_buys = jax.random.normal(ks[4], (D_OUT, D_IN), dtype=jnp.float32) * s
    b_buys = jnp.zeros((D_OUT,), dtype=jnp.float32)
    W_bought_by = jax.random.normal(ks[5], (D_OUT, D_IN), dtype=jnp.float32) * s
    b_bought_by = jnp.zeros((D_OUT,), dtype=jnp.float32)
    Wn_user = jax.random.normal(ks[6], (D_OUT, D_IN), dtype=jnp.float32) * s
    bn_user = jnp.zeros((D_OUT,), dtype=jnp.float32)
    Wn_item = jax.random.normal(ks[7], (D_OUT, D_IN), dtype=jnp.float32) * s
    bn_item = jnp.zeros((D_OUT,), dtype=jnp.float32)
    return {
        "feat_user": feat_user, "feat_item": feat_item,
        "edge_buys": edge_buys, "edge_bought_by": edge_bought_by,
        "W_buys": W_buys, "b_buys": b_buys,
        "W_bought_by": W_bought_by, "b_bought_by": b_bought_by,
        "Wn_user": Wn_user, "bn_user": bn_user,
        "Wn_item": Wn_item, "bn_item": bn_item,
    }


def _linear(x, W, b):
    return x @ W.T + b


def _segment_mean(msgs, dst, num_segments):
    # DGL mean reducer: mean over incoming messages; isolated nodes get 0.
    s = jax.ops.segment_sum(msgs, dst, num_segments=num_segments)
    c = jax.ops.segment_sum(jnp.ones((msgs.shape[0], 1), dtype=msgs.dtype), dst, num_segments=num_segments)
    return s / jnp.maximum(c, 1.0)


def reference(feat_user, feat_item, edge_buys, edge_bought_by,
              W_buys, b_buys, W_bought_by, b_bought_by,
              Wn_user, bn_user, Wn_item, bn_item):
    # relation (user, buys, item): Wh on src, copy_u message, mean reduce at dst
    Wh_buys = _linear(feat_user, W_buys, b_buys)
    m_buys = jnp.take(Wh_buys, edge_buys[0], axis=0)
    z_item = _segment_mean(m_buys, edge_buys[1], N_ITEM)
    # relation (item, bought_by, user)
    Wh_bb = _linear(feat_item, W_bought_by, b_bought_by)
    m_bb = jnp.take(Wh_bb, edge_bought_by[0], axis=0)
    z_user = _segment_mean(m_bb, edge_bought_by[1], N_USER)
    # cross-etype 'mean' reducer: each ntype has exactly one incoming etype, so identity.
    h_user = jnp.hstack([_linear(feat_user, Wn_user, bn_user), z_user])
    h_item = jnp.hstack([_linear(feat_item, Wn_item, bn_item), z_item])
    return h_user, h_item

if __name__ == "__main__":
    import jax
    _d = setup_inputs()
    print(jax.jit(kernel)(*tuple(_d.values())))

</pallas_src>

<mosaic_0001>
#map = affine_map<(d0, d1) -> (0, 0)>
#map1 = affine_map<(d0, d1) -> (0, 0, 0)>
#map2 = affine_map<(d0, d1) -> (0)>
module attributes {stable_mosaic.version = 14 : i64} {
  func.func @hgnn_segment_sum_sc(%arg0: i32, %arg1: i32, %arg2: memref<10000x128xf32, #tpu.memory_space<hbm>>, %arg3: memref<10000x128xf32, #tpu.memory_space<hbm>>, %arg4: memref<2x2560x128xi32, #tpu.memory_space<hbm>>, %arg5: memref<2x2560x128xi32, #tpu.memory_space<hbm>>, %arg6: memref<10240x128xf32, #tpu.memory_space<hbm>>, %arg7: memref<10240xf32, #tpu.memory_space<hbm>>, %arg8: memref<10240x128xf32, #tpu.memory_space<hbm>>, %arg9: memref<10240xf32, #tpu.memory_space<hbm>>, %arg10: memref<16x128xi32, #tpu.memory_space<vmem>>, %arg11: memref<16x128xi32, #tpu.memory_space<vmem>>, %arg12: memref<16x128xi32, #tpu.memory_space<vmem>>, %arg13: memref<16x128xi32, #tpu.memory_space<vmem>>, %arg14: memref<128x128xf32, #tpu.memory_space<vmem>>, %arg15: memref<128x128xf32, #tpu.memory_space<vmem>>, %arg16: memref<128xf32, #tpu.memory_space<vmem>>, %arg17: memref<640xf32, #tpu.memory_space<vmem>>, %arg18: memref<10240x128xf32, #tpu.memory_space<vmem_shared>>, %arg19: memref<10240xf32, #tpu.memory_space<vmem_shared>>, %arg20: memref<!tpu.dma_semaphore, #tpu.memory_space<semaphore_mem>>, %arg21: memref<!tpu.dma_semaphore, #tpu.memory_space<semaphore_mem>>, %arg22: memref<!tpu.dma_semaphore, #tpu.memory_space<semaphore_mem>>, %arg23: memref<!tpu.dma_semaphore, #tpu.memory_space<semaphore_mem>>, %arg24: memref<!tpu.dma_semaphore, #tpu.memory_space<semaphore_mem>>) attributes {dimension_semantics = [#tpu.dimension_semantics<core_parallel>, #tpu.dimension_semantics<subcore_parallel>], iteration_bounds = array<i64: 2, 16>, scalar_prefetch = 0 : i64, scratch_operands = 15 : i64, tpu.core_type = #tpu.core_type<sc_vector_subcore>, window_params = [{transform_indices = #map}, {transform_indices = #map}, {transform_indices = #map1}, {transform_indices = #map1}, {transform_indices = #map}, {transform_indices = #map2}, {transform_indices = #map}, {transform_indices = #map2}]} {
    %scan3A = arith.constant 0 : i32
    %scan3A_0 = arith.constant 0 : i32
    %scan3A_1 = arith.constant 128 : i32
    %scan3A_2 = arith.addi %scan3A_0, %scan3A_1 : i32
    %scan3A_3 = arith.constant 1 : i32
    scf.for %scan3A_97 = %scan3A_0 to %scan3A_2 step %scan3A_3  : i32 {
      %broadcast_in_dim3A_98 = arith.constant 0.000000e+00 : f32
      %broadcast_in_dim3A_99 = vector.broadcast %broadcast_in_dim3A_98 : f32 to vector<16xf32>
      %swap3A_100 = arith.index_cast %scan3A_97 : i32 to index
      %swap3A_101 = arith.constant 0 : index
      %swap3A_102 = tpu.vector_load %arg14[%swap3A_100, %swap3A_101] {strides = array<i32>} : memref<128x128xf32, #tpu.memory_space<vmem>>, vector<1x16xf32>,
      %swap3A_103 = vector.shape_cast %swap3A_102 : vector<1x16xf32> to vector<16xf32>
      %swap3A_104 = vector.shape_cast %broadcast_in_dim3A_99 : vector<16xf32> to vector<1x16xf32>
      tpu.vector_store %arg14[%swap3A_100, %swap3A_101], %swap3A_104 {strides = array<i32>} : memref<128x128xf32, #tpu.memory_space<vmem>>, vector<1x16xf32>,
      %broadcast_in_dim3A_105 = arith.constant 0.000000e+00 : f32
      %broadcast_in_dim3A_106 = vector.broadcast %broadcast_in_dim3A_105 : f32 to vector<16xf32>
      %swap3A_107 = arith.index_cast %scan3A_97 : i32 to index
      %swap3A_108 = arith.constant 16 : index
      %swap3A_109 = tpu.vector_load %arg14[%swap3A_107, %swap3A_108] {strides = array<i32>} : memref<128x128xf32, #tpu.memory_space<vmem>>, vector<1x16xf32>,
      %swap3A_110 = vector.shape_cast %swap3A_109 : vector<1x16xf32> to vector<16xf32>
      %swap3A_111 = vector.shape_cast %broadcast_in_dim3A_106 : vector<16xf32> to vector<1x16xf32>
      tpu.vector_store %arg14[%swap3A_107, %swap3A_108], %swap3A_111 {strides = array<i32>} : memref<128x128xf32, #tpu.memory_space<vmem>>, vector<1x16xf32>,
      %broadcast_in_dim3A_112 = arith.constant 0.000000e+00 : f32
      %broadcast_in_dim3A_113 = vector.broadcast %broadcast_in_dim3A_112 : f32 to vector<16xf32>
      %swap3A_114 = arith.index_cast %scan3A_97 : i32 to index
      %swap3A_115 = arith.constant 32 : index
      %swap3A_116 = tpu.vector_load %arg14[%swap3A_114, %swap3A_115] {strides = array<i32>} : memref<128x128xf32, #tpu.memory_space<vmem>>, vector<1x16xf32>,
      %swap3A_117 = vector.shape_cast %swap3A_116 : vector<1x16xf32> to vector<16xf32>
      %swap3A_118 = vector.shape_cast %broadcast_in_dim3A_113 : vector<16xf32> to vector<1x16xf32>
      tpu.vector_store %arg14[%swap3A_114, %swap3A_115], %swap3A_118 {strides = array<i32>} : memref<128x128xf32, #tpu.memory_space<vmem>>, vector<1x16xf32>,
      %broadcast_in_dim3A_119 = arith.constant 0.000000e+00 : f32
      %broadcast_in_dim3A_120 = vector.broadcast %broadcast_in_dim3A_119 : f32 to vector<16xf32>
      %swap3A_121 = arith.index_cast %scan3A_97 : i32 to index
      %swap3A_122 = arith.constant 48 : index
      %swap3A_123 = tpu.vector_load %arg14[%swap3A_121, %swap3A_122] {strides = array<i32>} : memref<128x128xf32, #tpu.memory_space<vmem>>, vector<1x16xf32>,
      %swap3A_124 = vector.shape_cast %swap3A_123 : vector<1x16xf32> to vector<16xf32>
      %swap3A_125 = vector.shape_cast %broadcast_in_dim3A_120 : vector<16xf32> to vector<1x16xf32>
      tpu.vector_store %arg14[%swap3A_121, %swap3A_122], %swap3A_125 {strides = array<i32>} : memref<128x128xf32, #tpu.memory_space<vmem>>, vector<1x16xf32>,
      %broadcast_in_dim3A_126 = arith.constant 0.000000e+00 : f32
      %broadcast_in_dim3A_127 = vector.broadcast %broadcast_in_dim3A_126 : f32 to vector<16xf32>
      %swap3A_128 = arith.index_cast %scan3A_97 : i32 to index
      %swap3A_129 = arith.constant 64 : index
      %swap3A_130 = tpu.vector_load %arg14[%swap3A_128, %swap3A_129] {strides = array<i32>} : memref<128x128xf32, #tpu.memory_space<vmem>>, vector<1x16xf32>,
      %swap3A_131 = vector.shape_cast %swap3A_130 : vector<1x16xf32> to vector<16xf32>
      %swap3A_132 = vector.shape_cast %broadcast_in_dim3A_127 : vector<16xf32> to vector<1x16xf32>
      tpu.vector_store %arg14[%swap3A_128, %swap3A_129], %swap3A_132 {strides = array<i32>} : memref<128x128xf32, #tpu.memory_space<vmem>>, vector<1x16xf32>,
      %broadcast_in_dim3A_133 = arith.constant 0.000000e+00 : f32
      %broadcast_in_dim3A_134 = vector.broadcast %broadcast_in_dim3A_133 : f32 to vector<16xf32>
      %swap3A_135 = arith.index_cast %scan3A_97 : i32 to index
      %swap3A_136 = arith.constant 80 : index
      %swap3A_137 = tpu.vector_load %arg14[%swap3A_135, %swap3A_136] {strides = array<i32>} : memref<128x128xf32, #tpu.memory_space<vmem>>, vector<1x16xf32>,
      %swap3A_138 = vector.shape_cast %swap3A_137 : vector<1x16xf32> to vector<16xf32>
      %swap3A_139 = vector.shape_cast %broadcast_in_dim3A_134 : vector<16xf32> to vector<1x16xf32>
      tpu.vector_store %arg14[%swap3A_135, %swap3A_136], %swap3A_139 {strides = array<i32>} : memref<128x128xf32, #tpu.memory_space<vmem>>, vector<1x16xf32>,
      %broadcast_in_dim3A_140 = arith.constant 0.000000e+00 : f32
      %broadcast_in_dim3A_141 = vector.broadcast %broadcast_in_dim3A_140 : f32 to vector<16xf32>
      %swap3A_142 = arith.index_cast %scan3A_97 : i32 to index
      %swap3A_143 = arith.constant 96 : index
      %swap3A_144 = tpu.vector_load %arg14[%swap3A_142, %swap3A_143] {strides = array<i32>} : memref<128x128xf32, #tpu.memory_space<vmem>>, vector<1x16xf32>,
      %swap3A_145 = vector.shape_cast %swap3A_144 : vector<1x16xf32> to vector<16xf32>
      %swap3A_146 = vector.shape_cast %broadcast_in_dim3A_141 : vector<16xf32> to vector<1x16xf32>
      tpu.vector_store %arg14[%swap3A_142, %swap3A_143], %swap3A_146 {strides = array<i32>} : memref<128x128xf32, #tpu.memory_space<vmem>>, vector<1x16xf32>,
      %broadcast_in_dim3A_147 = arith.constant 0.000000e+00 : f32
      %broadcast_in_dim3A_148 = vector.broadcast %broadcast_in_dim3A_147 : f32 to vector<16xf32>
      %swap3A_149 = arith.index_cast %scan3A_97 : i32 to index
      %swap3A_150 = arith.constant 112 : index
      %swap3A_151 = tpu.vector_load %arg14[%swap3A_149, %swap3A_150] {strides = array<i32>} : memref<128x128xf32, #tpu.memory_space<vmem>>, vector<1x16xf32>,
      %swap3A_152 = vector.shape_cast %swap3A_151 : vector<1x16xf32> to vector<16xf32>
      %swap3A_153 = vector.shape_cast %broadcast_in_dim3A_148 : vector<16xf32> to vector<1x16xf32>
      tpu.vector_store %arg14[%swap3A_149, %swap3A_150], %swap3A_153 {strides = array<i32>} : memref<128x128xf32, #tpu.memory_space<vmem>>, vector<1x16xf32>,
    }
    %scan3A_4 = arith.constant 128 : i32
    %scan3A_5 = arith.constant 0 : i32
    %scan3A_6 = arith.constant 0 : i32
    %scan3A_7 = arith.constant 40 : i32
    %scan3A_8 = arith.addi %scan3A_6, %scan3A_7 : i32
    %scan3A_9 = arith.constant 1 : i32
    scf.for %scan3A_97 = %scan3A_6 to %scan3A_8 step %scan3A_9  : i32 {
      %broadcast_in_dim3A_98 = arith.constant 0.000000e+00 : f32
      %broadcast_in_dim3A_99 = vector.broadcast %broadcast_in_dim3A_98 : f32 to vector<16xf32>
      %mul3A_100 = arith.constant 16 : i32
      %mul3A_101 = arith.muli %scan3A_97, %mul3A_100 : i32
      %swap3A_102 = arith.index_cast %mul3A_101 : i32 to index
      %swap3A_103 = tpu.vector_load %arg17[%swap3A_102] {strides = array<i32>} : memref<640xf32, #tpu.memory_space<vmem>>, vector<16xf32>,
      %swap3A_104 = vector.shape_cast %swap3A_103 : vector<16xf32> to vector<16xf32>
      %swap3A_105 = vector.shape_cast %broadcast_in_dim3A_99 : vector<16xf32> to vector<16xf32>
      tpu.vector_store %arg17[%swap3A_102], %swap3A_105 {strides = array<i32>} : memref<640xf32, #tpu.memory_space<vmem>>, vector<16xf32>,
    }
    %scan3A_10 = arith.constant 40 : i32
    %broadcast_in_dim3A = arith.constant 1.000000e+00 : f32
    %broadcast_in_dim3A_11 = vector.broadcast %broadcast_in_dim3A : f32 to vector<16xf32>
    %swap3A = arith.constant 0 : index
    %swap3A_12 = tpu.vector_load %arg16[%swap3A] {strides = array<i32>} : memref<128xf32, #tpu.memory_space<vmem>>, vector<16xf32>,
    %swap3A_13 = vector.shape_cast %swap3A_12 : vector<16xf32> to vector<16xf32>
    %swap3A_14 = vector.shape_cast %broadcast_in_dim3A_11 : vector<16xf32> to vector<16xf32>
    tpu.vector_store %arg16[%swap3A], %swap3A_14 {strides = array<i32>} : memref<128xf32, #tpu.memory_space<vmem>>, vector<16xf32>,
    %broadcast_in_dim3A_15 = arith.constant 1.000000e+00 : f32
    %broadcast_in_dim3A_16 = vector.broadcast %broadcast_in_dim3A_15 : f32 to vector<16xf32>
    %swap3A_17 = arith.constant 16 : index
    %swap3A_18 = tpu.vector_load %arg16[%swap3A_17] {strides = array<i32>} : memref<128xf32, #tpu.memory_space<vmem>>, vector<16xf32>,
    %swap3A_19 = vector.shape_cast %swap3A_18 : vector<16xf32> to vector<16xf32>
    %swap3A_20 = vector.shape_cast %broadcast_in_dim3A_16 : vector<16xf32> to vector<16xf32>
    tpu.vector_store %arg16[%swap3A_17], %swap3A_20 {strides = array<i32>} : memref<128xf32, #tpu.memory_space<vmem>>, vector<16xf32>,
    %broadcast_in_dim3A_21 = arith.constant 1.000000e+00 : f32
    %broadcast_in_dim3A_22 = vector.broadcast %broadcast_in_dim3A_21 : f32 to vector<16xf32>
    %swap3A_23 = arith.constant 32 : index
    %swap3A_24 = tpu.vector_load %arg16[%swap3A_23] {strides = array<i32>} : memref<128xf32, #tpu.memory_space<vmem>>, vector<16xf32>,
    %swap3A_25 = vector.shape_cast %swap3A_24 : vector<16xf32> to vector<16xf32>
    %swap3A_26 = vector.shape_cast %broadcast_in_dim3A_22 : vector<16xf32> to vector<16xf32>
    tpu.vector_store %arg16[%swap3A_23], %swap3A_26 {strides = array<i32>} : memref<128xf32, #tpu.memory_space<vmem>>, vector<16xf32>,
    %broadcast_in_dim3A_27 = arith.constant 1.000000e+00 : f32
    %broadcast_in_dim3A_28 = vector.broadcast %broadcast_in_dim3A_27 : f32 to vector<16xf32>
    %swap3A_29 = arith.constant 48 : index
    %swap3A_30 = tpu.vector_load %arg16[%swap3A_29] {strides = array<i32>} : memref<128xf32, #tpu.memory_space<vmem>>, vector<16xf32>,
    %swap3A_31 = vector.shape_cast %swap3A_30 : vector<16xf32> to vector<16xf32>
    %swap3A_32 = vector.shape_cast %broadcast_in_dim3A_28 : vector<16xf32> to vector<16xf32>
    tpu.vector_store %arg16[%swap3A_29], %swap3A_32 {strides = array<i32>} : memref<128xf32, #tpu.memory_space<vmem>>, vector<16xf32>,
    %broadcast_in_dim3A_33 = arith.constant 1.000000e+00 : f32
    %broadcast_in_dim3A_34 = vector.broadcast %broadcast_in_dim3A_33 : f32 to vector<16xf32>
    %swap3A_35 = arith.constant 64 : index
    %swap3A_36 = tpu.vector_load %arg16[%swap3A_35] {strides = array<i32>} : memref<128xf32, #tpu.memory_space<vmem>>, vector<16xf32>,
    %swap3A_37 = vector.shape_cast %swap3A_36 : vector<16xf32> to vector<16xf32>
    %swap3A_38 = vector.shape_cast %broadcast_in_dim3A_34 : vector<16xf32> to vector<16xf32>
    tpu.vector_store %arg16[%swap3A_35], %swap3A_38 {strides = array<i32>} : memref<128xf32, #tpu.memory_space<vmem>>, vector<16xf32>,
    %broadcast_in_dim3A_39 = arith.constant 1.000000e+00 : f32
    %broadcast_in_dim3A_40 = vector.broadcast %broadcast_in_dim3A_39 : f32 to vector<16xf32>
    %swap3A_41 = arith.constant 80 : index
    %swap3A_42 = tpu.vector_load %arg16[%swap3A_41] {strides = array<i32>} : memref<128xf32, #tpu.memory_space<vmem>>, vector<16xf32>,
    %swap3A_43 = vector.shape_cast %swap3A_42 : vector<16xf32> to vector<16xf32>
    %swap3A_44 = vector.shape_cast %broadcast_in_dim3A_40 : vector<16xf32> to vector<16xf32>
    tpu.vector_store %arg16[%swap3A_41], %swap3A_44 {strides = array<i32>} : memref<128xf32, #tpu.memory_space<vmem>>, vector<16xf32>,
    %broadcast_in_dim3A_45 = arith.constant 1.000000e+00 : f32
    %broadcast_in_dim3A_46 = vector.broadcast %broadcast_in_dim3A_45 : f32 to vector<16xf32>
    %swap3A_47 = arith.constant 96 : index
    %swap3A_48 = tpu.vector_load %arg16[%swap3A_47] {strides = array<i32>} : memref<128xf32, #tpu.memory_space<vmem>>, vector<16xf32>,
    %swap3A_49 = vector.shape_cast %swap3A_48 : vector<16xf32> to vector<16xf32>
    %swap3A_50 = vector.shape_cast %broadcast_in_dim3A_46 : vector<16xf32> to vector<16xf32>
    tpu.vector_store %arg16[%swap3A_47], %swap3A_50 {strides = array<i32>} : memref<128xf32, #tpu.memory_space<vmem>>, vector<16xf32>,
    %broadcast_in_dim3A_51 = arith.constant 1.000000e+00 : f32
    %broadcast_in_dim3A_52 = vector.broadcast %broadcast_in_dim3A_51 : f32 to vector<16xf32>
    %swap3A_53 = arith.constant 112 : index
    %swap3A_54 = tpu.vector_load %arg16[%swap3A_53] {strides = array<i32>} : memref<128xf32, #tpu.memory_space<vmem>>, vector<16xf32>,
    %swap3A_55 = vector.shape_cast %swap3A_54 : vector<16xf32> to vector<16xf32>
    %swap3A_56 = vector.shape_cast %broadcast_in_dim3A_52 : vector<16xf32> to vector<16xf32>
    tpu.vector_store %arg16[%swap3A_53], %swap3A_56 {strides = array<i32>} : memref<128xf32, #tpu.memory_space<vmem>>, vector<16xf32>,
    %mul3A = arith.constant 640 : i32
    %mul3A_57 = arith.muli %arg1, %mul3A : i32
    %add3A = arith.constant 0 : i32
    %add3A_58 = arith.addi %mul3A_57, %add3A : i32
    "tpu.region"() ({
      %run_scoped3A = tpu.sem_alloc : memref<!tpu.dma_semaphore, #tpu.memory_space<semaphore_mem>>
      %dma_start3A = arith.constant 0 : i32
      %dma_start3A_97 = tpu.memref_slice %arg18[%add3A_58, %dma_start3A] : memref<10240x128xf32, #tpu.memory_space<vmem_shared>> -> memref<128x128xf32, #tpu.memory_space<vmem_shared>>
      %dma_start3A_98 = arith.constant 0 : i32
      %dma_start3A_99 = tpu.memref_slice %arg18[%add3A_58, %dma_start3A_98] : memref<10240x128xf32, #tpu.memory_space<vmem_shared>> -> memref<128x128xf32, #tpu.memory_space<vmem_shared>>
      tpu.enqueue_dma source(%arg14 : memref<128x128xf32, #tpu.memory_space<vmem>>) target(%dma_start3A_99 : memref<128x128xf32, #tpu.memory_space<vmem_shared>>) target_semaphore(%run_scoped3A : memref<!tpu.dma_semaphore, #tpu.memory_space<semaphore_mem>>)
      %dma_wait3A = arith.constant 0 : i32
      %dma_wait3A_100 = tpu.memref_slice %arg18[%add3A_58, %dma_wait3A] : memref<10240x128xf32, #tpu.memory_space<vmem_shared>> -> memref<128x128xf32, #tpu.memory_space<vmem_shared>>
      %dma_wait3A_101 = arith.constant 0 : i32
      %dma_wait3A_102 = tpu.memref_slice %arg18[%add3A_58, %dma_wait3A_101] : memref<10240x128xf32, #tpu.memory_space<vmem_shared>> -> memref<128x128xf32, #tpu.memory_space<vmem_shared>>
      tpu.wait_dma2 semaphore(%run_scoped3A : memref<!tpu.dma_semaphore, #tpu.memory_space<semaphore_mem>>) src(%arg14 : memref<128x128xf32, #tpu.memory_space<vmem>>) dst(%dma_wait3A_102 : memref<128x128xf32, #tpu.memory_space<vmem_shared>>)
      tpu.yield
    }) : () -> ()
    %mul3A_59 = arith.constant 640 : i32
    %mul3A_60 = arith.muli %arg1, %mul3A_59 : i32
    %add3A_61 = arith.constant 128 : i32
    %add3A_62 = arith.addi %mul3A_60, %add3A_61 : i32
    "tpu.region"() ({
      %run_scoped3A = tpu.sem_alloc : memref<!tpu.dma_semaphore, #tpu.memory_space<semaphore_mem>>
      %dma_start3A = arith.constant 0 : i32
      %dma_start3A_97 = tpu.memref_slice %arg18[%add3A_62, %dma_start3A] : memref<10240x128xf32, #tpu.memory_space<vmem_shared>> -> memref<128x128xf32, #tpu.memory_space<vmem_shared>>
      %dma_start3A_98 = arith.constant 0 : i32
      %dma_start3A_99 = tpu.memref_slice %arg18[%add3A_62, %dma_start3A_98] : memref<10240x128xf32, #tpu.memory_space<vmem_shared>> -> memref<128x128xf32, #tpu.memory_space<vmem_shared>>
      tpu.enqueue_dma source(%arg14 : memref<128x128xf32, #tpu.memory_space<vmem>>) target(%dma_start3A_99 : memref<128x128xf32, #tpu.memory_space<vmem_shared>>) target_semaphore(%run_scoped3A : memref<!tpu.dma_semaphore, #tpu.memory_space<semaphore_mem>>)
      %dma_wait3A = arith.constant 0 : i32
      %dma_wait3A_100 = tpu.memref_slice %arg18[%add3A_62, %dma_wait3A] : memref<10240x128xf32, #tpu.memory_space<vmem_shared>> -> memref<128x128xf32, #tpu.memory_space<vmem_shared>>
      %dma_wait3A_101 = arith.constant 0 : i32
      %dma_wait3A_102 = tpu.memref_slice %arg18[%add3A_62, %dma_wait3A_101] : memref<10240x128xf32, #tpu.memory_space<vmem_shared>> -> memref<128x128xf32, #tpu.memory_space<vmem_shared>>
      tpu.wait_dma2 semaphore(%run_scoped3A : memref<!tpu.dma_semaphore, #tpu.memory_space<semaphore_mem>>) src(%arg14 : memref<128x128xf32, #tpu.memory_space<vmem>>) dst(%dma_wait3A_102 : memref<128x128xf32, #tpu.memory_space<vmem_shared>>)
      tpu.yield
    }) : () -> ()
    %mul3A_63 = arith.constant 640 : i32
    %mul3A_64 = arith.muli %arg1, %mul3A_63 : i32
    %add3A_65 = arith.constant 256 : i32
    %add3A_66 = arith.addi %mul3A_64, %add3A_65 : i32
    "tpu.region"() ({
      %run_scoped3A = tpu.sem_alloc : memref<!tpu.dma_semaphore, #tpu.memory_space<semaphore_mem>>
      %dma_start3A = arith.constant 0 : i32
      %dma_start3A_97 = tpu.memref_slice %arg18[%add3A_66, %dma_start3A] : memref<10240x128xf32, #tpu.memory_space<vmem_shared>> -> memref<128x128xf32, #tpu.memory_space<vmem_shared>>
      %dma_start3A_98 = arith.constant 0 : i32
      %dma_start3A_99 = tpu.memref_slice %arg18[%add3A_66, %dma_start3A_98] : memref<10240x128xf32, #tpu.memory_space<vmem_shared>> -> memref<128x128xf32, #tpu.memory_space<vmem_shared>>
      tpu.enqueue_dma source(%arg14 : memref<128x128xf32, #tpu.memory_space<vmem>>) target(%dma_start3A_99 : memref<128x128xf32, #tpu.memory_space<vmem_shared>>) target_semaphore(%run_scoped3A : memref<!tpu.dma_semaphore, #tpu.memory_space<semaphore_mem>>)
      %dma_wait3A = arith.constant 0 : i32
      %dma_wait3A_100 = tpu.memref_slice %arg18[%add3A_66, %dma_wait3A] : memref<10240x128xf32, #tpu.memory_space<vmem_shared>> -> memref<128x128xf32, #tpu.memory_space<vmem_shared>>
      %dma_wait3A_101 = arith.constant 0 : i32
      %dma_wait3A_102 = tpu.memref_slice %arg18[%add3A_66, %dma_wait3A_101] : memref<10240x128xf32, #tpu.memory_space<vmem_shared>> -> memref<128x128xf32, #tpu.memory_space<vmem_shared>>
      tpu.wait_dma2 semaphore(%run_scoped3A : memref<!tpu.dma_semaphore, #tpu.memory_space<semaphore_mem>>) src(%arg14 : memref<128x128xf32, #tpu.memory_space<vmem>>) dst(%dma_wait3A_102 : memref<128x128xf32, #tpu.memory_space<vmem_shared>>)
      tpu.yield
    }) : () -> ()
    %mul3A_67 = arith.constant 640 : i32
    %mul3A_68 = arith.muli %arg1, %mul3A_67 : i32
    %add3A_69 = arith.constant 384 : i32
    %add3A_70 = arith.addi %mul3A_68, %add3A_69 : i32
    "tpu.region"() ({
      %run_scoped3A = tpu.sem_alloc : memref<!tpu.dma_semaphore, #tpu.memory_space<semaphore_mem>>
      %dma_start3A = arith.constant 0 : i32
      %dma_start3A_97 = tpu.memref_slice %arg18[%add3A_70, %dma_start3A] : memref<10240x128xf32, #tpu.memory_space<vmem_shared>> -> memref<128x128xf32, #tpu.memory_space<vmem_shared>>
      %dma_start3A_98 = arith.constant 0 : i32
      %dma_start3A_99 = tpu.memref_slice %arg18[%add3A_70, %dma_start3A_98] : memref<10240x128xf32, #tpu.memory_space<vmem_shared>> -> memref<128x128xf32, #tpu.memory_space<vmem_shared>>
      tpu.enqueue_dma source(%arg14 : memref<128x128xf32, #tpu.memory_space<vmem>>) target(%dma_start3A_99 : memref<128x128xf32, #tpu.memory_space<vmem_shared>>) target_semaphore(%run_scoped3A : memref<!tpu.dma_semaphore, #tpu.memory_space<semaphore_mem>>)
      %dma_wait3A = arith.constant 0 : i32
      %dma_wait3A_100 = tpu.memref_slice %arg18[%add3A_70, %dma_wait3A] : memref<10240x128xf32, #tpu.memory_space<vmem_shared>> -> memref<128x128xf32, #tpu.memory_space<vmem_shared>>
      %dma_wait3A_101 = arith.constant 0 : i32
      %dma_wait3A_102 = tpu.memref_slice %arg18[%add3A_70, %dma_wait3A_101] : memref<10240x128xf32, #tpu.memory_space<vmem_shared>> -> memref<128x128xf32, #tpu.memory_space<vmem_shared>>
      tpu.wait_dma2 semaphore(%run_scoped3A : memref<!tpu.dma_semaphore, #tpu.memory_space<semaphore_mem>>) src(%arg14 : memref<128x128xf32, #tpu.memory_space<vmem>>) dst(%dma_wait3A_102 : memref<128x128xf32, #tpu.memory_space<vmem_shared>>)
      tpu.yield
    }) : () -> ()
    %mul3A_71 = arith.constant 640 : i32
    %mul3A_72 = arith.muli %arg1, %mul3A_71 : i32
    %add3A_73 = arith.constant 512 : i32
    %add3A_74 = arith.addi %mul3A_72, %add3A_73 : i32
    "tpu.region"() ({
      %run_scoped3A = tpu.sem_alloc : memref<!tpu.dma_semaphore, #tpu.memory_space<semaphore_mem>>
      %dma_start3A = arith.constant 0 : i32
      %dma_start3A_97 = tpu.memref_slice %arg18[%add3A_74, %dma_start3A] : memref<10240x128xf32, #tpu.memory_space<vmem_shared>> -> memref<128x128xf32, #tpu.memory_space<vmem_shared>>
      %dma_start3A_98 = arith.constant 0 : i32
      %dma_start3A_99 = tpu.memref_slice %arg18[%add3A_74, %dma_start3A_98] : memref<10240x128xf32, #tpu.memory_space<vmem_shared>> -> memref<128x128xf32, #tpu.memory_space<vmem_shared>>
      tpu.enqueue_dma source(%arg14 : memref<128x128xf32, #tpu.memory_space<vmem>>) target(%dma_start3A_99 : memref<128x128xf32, #tpu.memory_space<vmem_shared>>) target_semaphore(%run_scoped3A : memref<!tpu.dma_semaphore, #tpu.memory_space<semaphore_mem>>)
      %dma_wait3A = arith.constant 0 : i32
      %dma_wait3A_100 = tpu.memref_slice %arg18[%add3A_74, %dma_wait3A] : memref<10240x128xf32, #tpu.memory_space<vmem_shared>> -> memref<128x128xf32, #tpu.memory_space<vmem_shared>>
      %dma_wait3A_101 = arith.constant 0 : i32
      %dma_wait3A_102 = tpu.memref_slice %arg18[%add3A_74, %dma_wait3A_101] : memref<10240x128xf32, #tpu.memory_space<vmem_shared>> -> memref<128x128xf32, #tpu.memory_space<vmem_shared>>
      tpu.wait_dma2 semaphore(%run_scoped3A : memref<!tpu.dma_semaphore, #tpu.memory_space<semaphore_mem>>) src(%arg14 : memref<128x128xf32, #tpu.memory_space<vmem>>) dst(%dma_wait3A_102 : memref<128x128xf32, #tpu.memory_space<vmem_shared>>)
      tpu.yield
    }) : () -> ()
    %mul3A_75 = arith.constant 640 : i32
    %mul3A_76 = arith.muli %arg1, %mul3A_75 : i32
    "tpu.region"() ({
      %run_scoped3A = tpu.sem_alloc : memref<!tpu.dma_semaphore, #tpu.memory_space<semaphore_mem>>
      %dma_start3A = tpu.memref_slice %arg19[%mul3A_76] : memref<10240xf32, #tpu.memory_space<vmem_shared>> -> memref<640xf32, #tpu.memory_space<vmem_shared>>
      %dma_start3A_97 = tpu.memref_slice %arg19[%mul3A_76] : memref<10240xf32, #tpu.memory_space<vmem_shared>> -> memref<640xf32, #tpu.memory_space<vmem_shared>>
      tpu.enqueue_dma source(%arg17 : memref<640xf32, #tpu.memory_space<vmem>>) target(%dma_start3A_97 : memref<640xf32, #tpu.memory_space<vmem_shared>>) target_semaphore(%run_scoped3A : memref<!tpu.dma_semaphore, #tpu.memory_space<semaphore_mem>>)
      %dma_wait3A = tpu.memref_slice %arg19[%mul3A_76] : memref<10240xf32, #tpu.memory_space<vmem_shared>> -> memref<640xf32, #tpu.memory_space<vmem_shared>>
      %dma_wait3A_98 = tpu.memref_slice %arg19[%mul3A_76] : memref<10240xf32, #tpu.memory_space<vmem_shared>> -> memref<640xf32, #tpu.memory_space<vmem_shared>>
      tpu.wait_dma2 semaphore(%run_scoped3A : memref<!tpu.dma_semaphore, #tpu.memory_space<semaphore_mem>>) src(%arg17 : memref<640xf32, #tpu.memory_space<vmem>>) dst(%dma_wait3A_98 : memref<640xf32, #tpu.memory_space<vmem_shared>>)
      tpu.yield
    }) : () -> ()
    %barrier3A = arith.constant 0 : index
    tpu.barrier barrier_id(%barrier3A)
    %eq3A = arith.constant 0 : i32
    %eq3A_77 = arith.cmpi eq, %arg0, %eq3A : i32
    %convert_element_type3A = arith.extui %eq3A_77 : i1 to i32
    %cond3A = arith.constant 0 : i32
    %cond3A_78 = arith.cmpi ne, %convert_element_type3A, %cond3A : i32
    scf.if %cond3A_78 {
      %mul3A_97 = arith.constant 160 : i32
      %mul3A_98 = arith.muli %arg1, %mul3A_97 : i32
      %run_scoped3A = arith.constant 0 : i32
      "tpu.region"() ({
        %run_scoped3A_135 = tpu.sem_alloc : memref<!tpu.dma_semaphore, #tpu.memory_space<semaphore_mem>>
        %dma_start3A_136 = arith.constant 0 : i32
        %dma_start3A_137 = tpu.memref_slice %arg4[%run_scoped3A, %mul3A_98, %dma_start3A_136] : memref<2x2560x128xi32, #tpu.memory_space<hbm>> -> memref<1x16x128xi32, #tpu.memory_space<hbm>>
        %dma_start3A_138 = tpu.memref_squeeze %dma_start3A_137 : memref<1x16x128xi32, #tpu.memory_space<hbm>> -> memref<16x128xi32, #tpu.memory_space<hbm>>
        %dma_start3A_139 = arith.constant 0 : i32
        %dma_start3A_140 = tpu.memref_slice %arg4[%run_scoped3A, %mul3A_98, %dma_start3A_139] : memref<2x2560x128xi32, #tpu.memory_space<hbm>> -> memref<1x16x128xi32, #tpu.memory_space<hbm>>
        %dma_start3A_141 = tpu.memref_squeeze %dma_start3A_140 : memref<1x16x128xi32, #tpu.memory_space<hbm>> -> memref<16x128xi32, #tpu.memory_space<hbm>>
        tpu.enqueue_dma source(%dma_start3A_141 : memref<16x128xi32, #tpu.memory_space<hbm>>) target(%arg10 : memref<16x128xi32, #tpu.memory_space<vmem>>) target_semaphore(%run_scoped3A_135 : memref<!tpu.dma_semaphore, #tpu.memory_space<semaphore_mem>>)
        %dma_wait3A = arith.constant 0 : i32
        %dma_wait3A_142 = tpu.memref_slice %arg4[%run_scoped3A, %mul3A_98, %dma_wait3A] : memref<2x2560x128xi32, #tpu.memory_space<hbm>> -> memref<1x16x128xi32, #tpu.memory_space<hbm>>
        %dma_wait3A_143 = tpu.memref_squeeze %dma_wait3A_142 : memref<1x16x128xi32, #tpu.memory_space<hbm>> -> memref<16x128xi32, #tpu.memory_space<hbm>>
        %dma_wait3A_144 = arith.constant 0 : i32
        %dma_wait3A_145 = tpu.memref_slice %arg4[%run_scoped3A, %mul3A_98, %dma_wait3A_144] : memref<2x2560x128xi32, #tpu.memory_space<hbm>> -> memref<1x16x128xi32, #tpu.memory_space<hbm>>
        %dma_wait3A_146 = tpu.memref_squeeze %dma_wait3A_145 : memref<1x16x128xi32, #tpu.memory_space<hbm>> -> memref<16x128xi32, #tpu.memory_space<hbm>>
        tpu.wait_dma2 semaphore(%run_scoped3A_135 : memref<!tpu.dma_semaphore, #tpu.memory_space<semaphore_mem>>) src(%dma_wait3A_146 : memref<16x128xi32, #tpu.memory_space<hbm>>) dst(%arg10 : memref<16x128xi32, #tpu.memory_space<vmem>>)
        tpu.yield
      }) : () -> ()
      %run_scoped3A_99 = arith.constant 1 : i32
      "tpu.region"() ({
        %run_scoped3A_135 = tpu.sem_alloc : memref<!tpu.dma_semaphore, #tpu.memory_space<semaphore_mem>>
        %dma_start3A_136 = arith.constant 0 : i32
        %dma_start3A_137 = tpu.memref_slice %arg4[%run_scoped3A_99, %mul3A_98, %dma_start3A_136] : memref<2x2560x128xi32, #tpu.memory_space<hbm>> -> memref<1x16x128xi32, #tpu.memory_space<hbm>>
        %dma_start3A_138 = tpu.memref_squeeze %dma_start3A_137 : memref<1x16x128xi32, #tpu.memory_space<hbm>> -> memref<16x128xi32, #tpu.memory_space<hbm>>
        %dma_start3A_139 = arith.constant 0 : i32
        %dma_start3A_140 = tpu.memref_slice %arg4[%run_scoped3A_99, %mul3A_98, %dma_start3A_139] : memref<2x2560x128xi32, #tpu.memory_space<hbm>> -> memref<1x16x128xi32, #tpu.memory_space<hbm>>
        %dma_start3A_141 = tpu.memref_squeeze %dma_start3A_140 : memref<1x16x128xi32, #tpu.memory_space<hbm>> -> memref<16x128xi32, #tpu.memory_space<hbm>>
        tpu.enqueue_dma source(%dma_start3A_141 : memref<16x128xi32, #tpu.memory_space<hbm>>) target(%arg11 : memref<16x128xi32, #tpu.memory_space<vmem>>) target_semaphore(%run_scoped3A_135 : memref<!tpu.dma_semaphore, #tpu.memory_space<semaphore_mem>>)
        %dma_wait3A = arith.constant 0 : i32
        %dma_wait3A_142 = tpu.memref_slice %arg4[%run_scoped3A_99, %mul3A_98, %dma_wait3A] : memref<2x2560x128xi32, #tpu.memory_space<hbm>> -> memref<1x16x128xi32, #tpu.memory_space<hbm>>
        %dma_wait3A_143 = tpu.memref_squeeze %dma_wait3A_142 : memref<1x16x128xi32, #tpu.memory_space<hbm>> -> memref<16x128xi32, #tpu.memory_space<hbm>>
        %dma_wait3A_144 = arith.constant 0 : i32
        %dma_wait3A_145 = tpu.memref_slice %arg4[%run_scoped3A_99, %mul3A_98, %dma_wait3A_144] : memref<2x2560x128xi32, #tpu.memory_space<hbm>> -> memref<1x16x128xi32, #tpu.memory_space<hbm>>
        %dma_wait3A_146 = tpu.memref_squeeze %dma_wait3A_145 : memref<1x16x128xi32, #tpu.memory_space<hbm>> -> memref<16x128xi32, #tpu.memory_space<hbm>>
        tpu.wait_dma2 semaphore(%run_scoped3A_135 : memref<!tpu.dma_semaphore, #tpu.memory_space<semaphore_mem>>) src(%dma_wait3A_146 : memref<16x128xi32, #tpu.memory_space<hbm>>) dst(%arg11 : memref<16x128xi32, #tpu.memory_space<vmem>>)
        tpu.yield
      }) : () -> ()
      %add3A_100 = arith.constant 16 : i32
      %add3A_101 = arith.addi %mul3A_98, %add3A_100 : i32
      %multiple_of3A = tpu.assume_multiple %add3A_101, 8 : i32
      %dma_start3A = arith.constant 0 : i32
      %dma_start3A_102 = arith.constant 0 : i32
      %dma_start3A_103 = tpu.memref_slice %arg4[%dma_start3A, %multiple_of3A, %dma_start3A_102] : memref<2x2560x128xi32, #tpu.memory_space<hbm>> -> memref<1x16x128xi32, #tpu.memory_space<hbm>>
      %dma_start3A_104 = tpu.memref_squeeze %dma_start3A_103 : memref<1x16x128xi32, #tpu.memory_space<hbm>> -> memref<16x128xi32, #tpu.memory_space<hbm>>
      %dma_start3A_105 = arith.constant 0 : i32
      %dma_start3A_106 = tpu.memref_slice %arg4[%dma_start3A, %multiple_of3A, %dma_start3A_105] : memref<2x2560x128xi32, #tpu.memory_space<hbm>> -> memref<1x16x128xi32, #tpu.memory_space<hbm>>
      %dma_start3A_107 = tpu.memref_squeeze %dma_start3A_106 : memref<1x16x128xi32, #tpu.memory_space<hbm>> -> memref<16x128xi32, #tpu.memory_space<hbm>>
      tpu.enqueue_dma source(%dma_start3A_107 : memref<16x128xi32, #tpu.memory_space<hbm>>) target(%arg12 : memref<16x128xi32, #tpu.memory_space<vmem>>) target_semaphore(%arg24 : memref<!tpu.dma_semaphore, #tpu.memory_space<semaphore_mem>>)
      %dma_start3A_108 = arith.constant 1 : i32
      %dma_start3A_109 = arith.constant 0 : i32
      %dma_start3A_110 = tpu.memref_slice %arg4[%dma_start3A_108, %multiple_of3A, %dma_start3A_109] : memref<2x2560x128xi32, #tpu.memory_space<hbm>> -> memref<1x16x128xi32, #tpu.memory_space<hbm>>
      %dma_start3A_111 = tpu.memref_squeeze %dma_start3A_110 : memref<1x16x128xi32, #tpu.memory_space<hbm>> -> memref<16x128xi32, #tpu.memory_space<hbm>>
      %dma_start3A_112 = arith.constant 0 : i32
      %dma_start3A_113 = tpu.memref_slice %arg4[%dma_start3A_108, %multiple_of3A, %dma_start3A_112] : memref<2x2560x128xi32, #tpu.memory_space<hbm>> -> memref<1x16x128xi32, #tpu.memory_space<hbm>>
      %dma_start3A_114 = tpu.memref_squeeze %dma_start3A_113 : memref<1x16x128xi32, #tpu.memory_space<hbm>> -> memref<16x128xi32, #tpu.memory_space<hbm>>
      tpu.enqueue_dma source(%dma_start3A_114 : memref<16x128xi32, #tpu.memory_space<hbm>>) target(%arg13 : memref<16x128xi32, #tpu.memory_space<vmem>>) target_semaphore(%arg24 : memref<!tpu.dma_semaphore, #tpu.memory_space<semaphore_mem>>)
      %dma_start3A_115 = arith.constant 0 : i32
      %dma_start3A_116 = arith.constant 0 : i32
      %dma_start3A_117 = tpu.memref_slice %arg10[%dma_start3A_115, %dma_start3A_116] : memref<16x128xi32, #tpu.memory_space<vmem>> -> memref<1x128xi32, #tpu.memory_space<vmem>>
      %dma_start3A_118 = tpu.memref_squeeze %dma_start3A_117 : memref<1x128xi32, #tpu.memory_space<vmem>> -> memref<128xi32, #tpu.memory_space<vmem>>
      %dma_start3A_119 = arith.constant 0 : i32
      %dma_start3A_120 = arith.constant 0 : i32
      %dma_start3A_121 = tpu.memref_slice %arg2[%dma_start3A_119, %dma_start3A_120] : memref<10000x128xf32, #tpu.memory_space<hbm>> -> memref<10000x128xf32, #tpu.memory_space<hbm>>
      tpu.enqueue_indirect_dma source(%dma_start3A_121 : memref<10000x128xf32, #tpu.memory_space<hbm>>) target(%arg14 : memref<128x128xf32, #tpu.memory_space<vmem>>) offsets(%dma_start3A_118 : memref<128xi32, #tpu.memory_space<vmem>>) semaphore(%arg20 : memref<!tpu.dma_semaphore, #tpu.memory_space<semaphore_mem>>)
      %dma_start3A_122 = arith.constant 1 : i32
      %dma_start3A_123 = arith.constant 0 : i32
      %dma_start3A_124 = tpu.memref_slice %arg10[%dma_start3A_122, %dma_start3A_123] : memref<16x128xi32, #tpu.memory_space<vmem>> -> memref<1x128xi32, #tpu.memory_space<vmem>>
      %dma_start3A_125 = tpu.memref_squeeze %dma_start3A_124 : memref<1x128xi32, #tpu.memory_space<vmem>> -> memref<128xi32, #tpu.memory_space<vmem>>
      %dma_start3A_126 = arith.constant 0 : i32
      %dma_start3A_127 = arith.constant 0 : i32
      %dma_start3A_128 = tpu.memref_slice %arg2[%dma_start3A_126, %dma_start3A_127] : memref<10000x128xf32, #tpu.memory_space<hbm>> -> memref<10000x128xf32, #tpu.memory_space<hbm>>
      tpu.enqueue_indirect_dma source(%dma_start3A_128 : memref<10000x128xf32, #tpu.memory_space<hbm>>) target(%arg15 : memref<128x128xf32, #tpu.memory_space<vmem>>) offsets(%dma_start3A_125 : memref<128xi32, #tpu.memory_space<vmem>>) semaphore(%arg21 : memref<!tpu.dma_semaphore, #tpu.memory_space<semaphore_mem>>)
      %scan3A_129 = arith.constant 0 : i32
      %scan3A_130 = arith.constant 0 : i32
      %scan3A_131 = arith.constant 5 : i32
      %scan3A_132 = arith.addi %scan3A_130, %scan3A_131 : i32
      %scan3A_133 = arith.constant 1 : i32
      scf.for %scan3A_135 = %scan3A_130 to %scan3A_132 step %scan3A_133  : i32 {
        %mul3A_136 = arith.constant 2 : i32
        %mul3A_137 = arith.muli %mul3A_136, %scan3A_135 : i32
        %mul3A_138 = arith.constant 16 : i32
        %mul3A_139 = arith.muli %mul3A_137, %mul3A_138 : i32
        %add3A_140 = arith.addi %mul3A_98, %mul3A_139 : i32
        %add3A_141 = arith.constant 16 : i32
        %add3A_142 = arith.addi %add3A_140, %add3A_141 : i32
        %add3A_143 = arith.constant 2 : i32
        %add3A_144 = arith.addi %mul3A_137, %add3A_143 : i32
        %lt3A = arith.constant 10 : i32
        %lt3A_145 = arith.cmpi slt, %add3A_144, %lt3A : i32
        %add3A_146 = arith.constant 2 : i32
        %add3A_147 = arith.addi %mul3A_137, %add3A_146 : i32
        %lt3A_148 = arith.constant 10 : i32
        %lt3A_149 = arith.cmpi slt, %add3A_147, %lt3A_148 : i32
        %add3A_150 = arith.constant 32 : i32
        %add3A_151 = arith.addi %add3A_140, %add3A_150 : i32
        %jit3A = arith.constant 0 : i32
        %select_n3A = arith.select %lt3A_149, %add3A_151, %jit3A : i32
        %scan3A_152 = arith.constant 0 : i32
        %scan3A_153 = arith.constant 0 : i32
        %scan3A_154 = arith.constant 7 : i32
        %scan3A_155 = arith.addi %scan3A_153, %scan3A_154 : i32
        %scan3A_156 = arith.constant 1 : i32
        scf.for %scan3A_358 = %scan3A_153 to %scan3A_155 step %scan3A_156  : i32 {
          %mul3A_359 = arith.constant 2 : i32
          %mul3A_360 = arith.muli %mul3A_359, %scan3A_358 : i32
          %mul3A_361 = arith.constant 2 : i32
          %mul3A_362 = arith.muli %mul3A_361, %scan3A_358 : i32
          %add3A_363 = arith.constant 1 : i32
          %add3A_364 = arith.addi %mul3A_362, %add3A_363 : i32
          %dma_wait3A_365 = arith.constant 0 : i32
          %dma_wait3A_366 = tpu.memref_slice %arg10[%mul3A_360, %dma_wait3A_365] : memref<16x128xi32, #tpu.memory_space<vmem>> -> memref<1x128xi32, #tpu.memory_space<vmem>>
          %dma_wait3A_367 = tpu.memref_squeeze %dma_wait3A_366 : memref<1x128xi32, #tpu.memory_space<vmem>> -> memref<128xi32, #tpu.memory_space<vmem>>
          %dma_wait3A_368 = arith.constant 0 : i32
          %dma_wait3A_369 = arith.constant 0 : i32
          %dma_wait3A_370 = tpu.memref_slice %arg2[%dma_wait3A_368, %dma_wait3A_369] : memref<10000x128xf32, #tpu.memory_space<hbm>> -> memref<10000x128xf32, #tpu.memory_space<hbm>>
          tpu.wait_indirect_dma semaphore(%arg20 : memref<!tpu.dma_semaphore, #tpu.memory_space<semaphore_mem>>) src(%dma_wait3A_370 : memref<10000x128xf32, #tpu.memory_space<hbm>>) dst(%arg14 : memref<128x128xf32, #tpu.memory_space<vmem>>)
          %dma_start3A_371 = arith.constant 0 : i32
          %dma_start3A_372 = tpu.memref_slice %arg11[%mul3A_360, %dma_start3A_371] : memref<16x128xi32, #tpu.memory_space<vmem>> -> memref<1x128xi32, #tpu.memory_space<vmem>>
          %dma_start3A_373 = tpu.memref_squeeze %dma_start3A_372 : memref<1x128xi32, #tpu.memory_space<vmem>> -> memref<128xi32, #tpu.memory_space<vmem>>
          %dma_start3A_374 = arith.constant 0 : i32
          %dma_start3A_375 = arith.constant 0 : i32
          %dma_start3A_376 = tpu.memref_slice %arg18[%dma_start3A_374, %dma_start3A_375] : memref<10240x128xf32, #tpu.memory_space<vmem_shared>> -> memref<10240x128xf32, #tpu.memory_space<vmem_shared>>
          tpu.enqueue_indirect_dma source(%arg14 : memref<128x128xf32, #tpu.memory_space<vmem>>) target(%dma_start3A_376 : memref<10240x128xf32, #tpu.memory_space<vmem_shared>>) offsets(%dma_start3A_373 : memref<128xi32, #tpu.memory_space<vmem>>) semaphore(%arg22 : memref<!tpu.dma_semaphore, #tpu.memory_space<semaphore_mem>>) {add = true}
          %dma_start3A_377 = arith.constant 0 : i32
          %dma_start3A_378 = tpu.memref_slice %arg11[%mul3A_360, %dma_start3A_377] : memref<16x128xi32, #tpu.memory_space<vmem>> -> memref<1x128xi32, #tpu.memory_space<vmem>>
          %dma_start3A_379 = tpu.memref_squeeze %dma_start3A_378 : memref<1x128xi32, #tpu.memory_space<vmem>> -> memref<128xi32, #tpu.memory_space<vmem>>
          %dma_start3A_380 = arith.constant 0 : i32
          %dma_start3A_381 = tpu.memref_slice %arg19[%dma_start3A_380] : memref<10240xf32, #tpu.memory_space<vmem_shared>> -> memref<10240xf32, #tpu.memory_space<vmem_shared>>
          tpu.enqueue_indirect_dma source(%arg16 : memref<128xf32, #tpu.memory_space<vmem>>) target(%dma_start3A_381 : memref<10240xf32, #tpu.memory_space<vmem_shared>>) offsets(%dma_start3A_379 : memref<128xi32, #tpu.memory_space<vmem>>) semaphore(%arg22 : memref<!tpu.dma_semaphore, #tpu.memory_space<semaphore_mem>>) {add = true}
          %dma_wait3A_382 = arith.constant 0 : i32
          %dma_wait3A_383 = tpu.memref_slice %arg10[%add3A_364, %dma_wait3A_382] : memref<16x128xi32, #tpu.memory_space<vmem>> -> memref<1x128xi32, #tpu.memory_space<vmem>>
          %dma_wait3A_384 = tpu.memref_squeeze %dma_wait3A_383 : memref<1x128xi32, #tpu.memory_space<vmem>> -> memref<128xi32, #tpu.memory_space<vmem>>
          %dma_wait3A_385 = arith.constant 0 : i32
          %dma_wait3A_386 = arith.constant 0 : i32
          %dma_wait3A_387 = tpu.memref_slice %arg2[%dma_wait3A_385, %dma_wait3A_386] : memref<10000x128xf32, #tpu.memory_space<hbm>> -> memref<10000x128xf32, #tpu.memory_space<hbm>>
          tpu.wait_indirect_dma semaphore(%arg21 : memref<!tpu.dma_semaphore, #tpu.memory_space<semaphore_mem>>) src(%dma_wait3A_387 : memref<10000x128xf32, #tpu.memory_space<hbm>>) dst(%arg15 : memref<128x128xf32, #tpu.memory_space<vmem>>)
          %dma_wait3A_388 = arith.constant 0 : i32
          %dma_wait3A_389 = tpu.memref_slice %arg11[%mul3A_360, %dma_wait3A_388] : memref<16x128xi32, #tpu.memory_space<vmem>> -> memref<1x128xi32, #tpu.memory_space<vmem>>
          %dma_wait3A_390 = tpu.memref_squeeze %dma_wait3A_389 : memref<1x128xi32, #tpu.memory_space<vmem>> -> memref<128xi32, #tpu.memory_space<vmem>>
          %dma_wait3A_391 = arith.constant 0 : i32
          %dma_wait3A_392 = arith.constant 0 : i32
          %dma_wait3A_393 = tpu.memref_slice %arg18[%dma_wait3A_391, %dma_wait3A_392] : memref<10240x128xf32, #tpu.memory_space<vmem_shared>> -> memref<10240x128xf32, #tpu.memory_space<vmem_shared>>
          tpu.wait_indirect_dma semaphore(%arg22 : memref<!tpu.dma_semaphore, #tpu.memory_space<semaphore_mem>>) src(%arg14 : memref<128x128xf32, #tpu.memory_space<vmem>>) dst(%dma_wait3A_393 : memref<10240x128xf32, #tpu.memory_space<vmem_shared>>)
          %dma_wait3A_394 = arith.constant 0 : i32
          %dma_wait3A_395 = tpu.memref_slice %arg11[%mul3A_360, %dma_wait3A_394] : memref<16x128xi32, #tpu.memory_space<vmem>> -> memref<1x128xi32, #tpu.memory_space<vmem>>
          %dma_wait3A_396 = tpu.memref_squeeze %dma_wait3A_395 : memref<1x128xi32, #tpu.memory_space<vmem>> -> memref<128xi32, #tpu.memory_space<vmem>>
          %dma_wait3A_397 = arith.constant 0 : i32
          %dma_wait3A_398 = tpu.memref_slice %arg19[%dma_wait3A_397] : memref<10240xf32, #tpu.memory_space<vmem_shared>> -> memref<10240xf32, #tpu.memory_space<vmem_shared>>
          tpu.wait_indirect_dma semaphore(%arg22 : memref<!tpu.dma_semaphore, #tpu.memory_space<semaphore_mem>>) src(%arg16 : memref<128xf32, #tpu.memory_space<vmem>>) dst(%dma_wait3A_398 : memref<10240xf32, #tpu.memory_space<vmem_shared>>)
          %add3A_399 = arith.constant 2 : i32
          %add3A_400 = arith.addi %mul3A_360, %add3A_399 : i32
          %dma_start3A_401 = arith.constant 0 : i32
          %dma_start3A_402 = tpu.memref_slice %arg10[%add3A_400, %dma_start3A_401] : memref<16x128xi32, #tpu.memory_space<vmem>> -> memref<1x128xi32, #tpu.memory_space<vmem>>
          %dma_start3A_403 = tpu.memref_squeeze %dma_start3A_402 : memref<1x128xi32, #tpu.memory_space<vmem>> -> memref<128xi32, #tpu.memory_space<vmem>>
          %dma_start3A_404 = arith.constant 0 : i32
          %dma_start3A_405 = arith.constant 0 : i32
          %dma_start3A_406 = tpu.memref_slice %arg2[%dma_start3A_404, %dma_start3A_405] : memref<10000x128xf32, #tpu.memory_space<hbm>> -> memref<10000x128xf32, #tpu.memory_space<hbm>>
          tpu.enqueue_indirect_dma source(%dma_start3A_406 : memref<10000x128xf32, #tpu.memory_space<hbm>>) target(%arg14 : memref<128x128xf32, #tpu.memory_space<vmem>>) offsets(%dma_start3A_403 : memref<128xi32, #tpu.memory_space<vmem>>) semaphore(%arg20 : memref<!tpu.dma_semaphore, #tpu.memory_space<semaphore_mem>>)
          %dma_start3A_407 = arith.constant 0 : i32
          %dma_start3A_408 = tpu.memref_slice %arg11[%add3A_364, %dma_start3A_407] : memref<16x128xi32, #tpu.memory_space<vmem>> -> memref<1x128xi32, #tpu.memory_space<vmem>>
          %dma_start3A_409 = tpu.memref_squeeze %dma_start3A_408 : memref<1x128xi32, #tpu.memory_space<vmem>> -> memref<128xi32, #tpu.memory_space<vmem>>
          %dma_start3A_410 = arith.constant 0 : i32
          %dma_start3A_411 = arith.constant 0 : i32
          %dma_start3A_412 = tpu.memref_slice %arg18[%dma_start3A_410, %dma_start3A_411] : memref<10240x128xf32, #tpu.memory_space<vmem_shared>> -> memref<10240x128xf32, #tpu.memory_space<vmem_shared>>
          tpu.enqueue_indirect_dma source(%arg15 : memref<128x128xf32, #tpu.memory_space<vmem>>) target(%dma_start3A_412 : memref<10240x128xf32, #tpu.memory_space<vmem_shared>>) offsets(%dma_start3A_409 : memref<128xi32, #tpu.memory_space<vmem>>) semaphore(%arg23 : memref<!tpu.dma_semaphore, #tpu.memory_space<semaphore_mem>>) {add = true}
          %dma_start3A_413 = arith.constant 0 : i32
          %dma_start3A_414 = tpu.memref_slice %arg11[%add3A_364, %dma_start3A_413] : memref<16x128xi32, #tpu.memory_space<vmem>> -> memref<1x128xi32, #tpu.memory_space<vmem>>
          %dma_start3A_415 = tpu.memref_squeeze %dma_start3A_414 : memref<1x128xi32, #tpu.memory_space<vmem>> -> memref<128xi32, #tpu.memory_space<vmem>>
          %dma_start3A_416 = arith.constant 0 : i32
          %dma_start3A_417 = tpu.memref_slice %arg19[%dma_start3A_416] : memref<10240xf32, #tpu.memory_space<vmem_shared>> -> memref<10240xf32, #tpu.memory_space<vmem_shared>>
          tpu.enqueue_indirect_dma source(%arg16 : memref<128xf32, #tpu.memory_space<vmem>>) target(%dma_start3A_417 : memref<10240xf32, #tpu.memory_space<vmem_shared>>) offsets(%dma_start3A_415 : memref<128xi32, #tpu.memory_space<vmem>>) semaphore(%arg23 : memref<!tpu.dma_semaphore, #tpu.memory_space<semaphore_mem>>) {add = true}
          %dma_wait3A_418 = arith.constant 0 : i32
          %dma_wait3A_419 = tpu.memref_slice %arg11[%add3A_364, %dma_wait3A_418] : memref<16x128xi32, #tpu.memory_space<vmem>> -> memref<1x128xi32, #tpu.memory_space<vmem>>
          %dma_wait3A_420 = tpu.memref_squeeze %dma_wait3A_419 : memref<1x128xi32, #tpu.memory_space<vmem>> -> memref<128xi32, #tpu.memory_space<vmem>>
          %dma_wait3A_421 = arith.constant 0 : i32
          %dma_wait3A_422 = arith.constant 0 : i32
          %dma_wait3A_423 = tpu.memref_slice %arg18[%dma_wait3A_421, %dma_wait3A_422] : memref<10240x128xf32, #tpu.memory_space<vmem_shared>> -> memref<10240x128xf32, #tpu.memory_space<vmem_shared>>
          tpu.wait_indirect_dma semaphore(%arg23 : memref<!tpu.dma_semaphore, #tpu.memory_space<semaphore_mem>>) src(%arg15 : memref<128x128xf32, #tpu.memory_space<vmem>>) dst(%dma_wait3A_423 : memref<10240x128xf32, #tpu.memory_space<vmem_shared>>)
          %dma_wait3A_424 = arith.constant 0 : i32
          %dma_wait3A_425 = tpu.memref_slice %arg11[%add3A_364, %dma_wait3A_424] : memref<16x128xi32, #tpu.memory_space<vmem>> -> memref<1x128xi32, #tpu.memory_space<vmem>>
          %dma_wait3A_426 = tpu.memref_squeeze %dma_wait3A_425 : memref<1x128xi32, #tpu.memory_space<vmem>> -> memref<128xi32, #tpu.memory_space<vmem>>
          %dma_wait3A_427 = arith.constant 0 : i32
          %dma_wait3A_428 = tpu.memref_slice %arg19[%dma_wait3A_427] : memref<10240xf32, #tpu.memory_space<vmem_shared>> -> memref<10240xf32, #tpu.memory_space<vmem_shared>>
          tpu.wait_indirect_dma semaphore(%arg23 : memref<!tpu.dma_semaphore, #tpu.memory_space<semaphore_mem>>) src(%arg16 : memref<128xf32, #tpu.memory_space<vmem>>) dst(%dma_wait3A_428 : memref<10240xf32, #tpu.memory_space<vmem_shared>>)
          %add3A_429 = arith.constant 2 : i32
          %add3A_430 = arith.addi %add3A_364, %add3A_429 : i32
          %dma_start3A_431 = arith.constant 0 : i32
          %dma_start3A_432 = tpu.memref_slice %arg10[%add3A_430, %dma_start3A_431] : memref<16x128xi32, #tpu.memory_space<vmem>> -> memref<1x128xi32, #tpu.memory_space<vmem>>
          %dma_start3A_433 = tpu.memref_squeeze %dma_start3A_432 : memref<1x128xi32, #tpu.memory_space<vmem>> -> memref<128xi32, #tpu.memory_space<vmem>>
          %dma_start3A_434 = arith.constant 0 : i32
          %dma_start3A_435 = arith.constant 0 : i32
          %dma_start3A_436 = tpu.memref_slice %arg2[%dma_start3A_434, %dma_start3A_435] : memref<10000x128xf32, #tpu.memory_space<hbm>> -> memref<10000x128xf32, #tpu.memory_space<hbm>>
          tpu.enqueue_indirect_dma source(%dma_start3A_436 : memref<10000x128xf32, #tpu.memory_space<hbm>>) target(%arg15 : memref<128x128xf32, #tpu.memory_space<vmem>>) offsets(%dma_start3A_433 : memref<128xi32, #tpu.memory_space<vmem>>) semaphore(%arg21 : memref<!tpu.dma_semaphore, #tpu.memory_space<semaphore_mem>>)
        }
        %scan3A_157 = arith.constant 7 : i32
        %dma_wait3A = arith.constant 14 : i32
        %dma_wait3A_158 = arith.constant 0 : i32
        %dma_wait3A_159 = tpu.memref_slice %arg10[%dma_wait3A, %dma_wait3A_158] : memref<16x128xi32, #tpu.memory_space<vmem>> -> memref<1x128xi32, #tpu.memory_space<vmem>>
        %dma_wait3A_160 = tpu.memref_squeeze %dma_wait3A_159 : memref<1x128xi32, #tpu.memory_space<vmem>> -> memref<128xi32, #tpu.memory_space<vmem>>
        %dma_wait3A_161 = arith.constant 0 : i32
        %dma_wait3A_162 = arith.constant 0 : i32
        %dma_wait3A_163 = tpu.memref_slice %arg2[%dma_wait3A_161, %dma_wait3A_162] : memref<10000x128xf32, #tpu.memory_space<hbm>> -> memref<10000x128xf32, #tpu.memory_space<hbm>>
        tpu.wait_indirect_dma semaphore(%arg20 : memref<!tpu.dma_semaphore, #tpu.memory_space<semaphore_mem>>) src(%dma_wait3A_163 : memref<10000x128xf32, #tpu.memory_space<hbm>>) dst(%arg14 : memref<128x128xf32, #tpu.memory_space<vmem>>)
        %dma_start3A_164 = arith.constant 14 : i32
        %dma_start3A_165 = arith.constant 0 : i32
        %dma_start3A_166 = tpu.memref_slice %arg11[%dma_start3A_164, %dma_start3A_165] : memref<16x128xi32, #tpu.memory_space<vmem>> -> memref<1x128xi32, #tpu.memory_space<vmem>>
        %dma_start3A_167 = tpu.memref_squeeze %dma_start3A_166 : memref<1x128xi32, #tpu.memory_space<vmem>> -> memref<128xi32, #tpu.memory_space<vmem>>
        %dma_start3A_168 = arith.constant 0 : i32
        %dma_start3A_169 = arith.constant 0 : i32
        %dma_start3A_170 = tpu.memref_slice %arg18[%dma_start3A_168, %dma_start3A_169] : memref<10240x128xf32, #tpu.memory_space<vmem_shared>> -> memref<10240x128xf32, #tpu.memory_space<vmem_shared>>
        tpu.enqueue_indirect_dma source(%arg14 : memref<128x128xf32, #tpu.memory_space<vmem>>) target(%dma_start3A_170 : memref<10240x128xf32, #tpu.memory_space<vmem_shared>>) offsets(%dma_start3A_167 : memref<128xi32, #tpu.memory_space<vmem>>) semaphore(%arg22 : memref<!tpu.dma_semaphore, #tpu.memory_space<semaphore_mem>>) {add = true}
        %dma_start3A_171 = arith.constant 14 : i32
        %dma_start3A_172 = arith.constant 0 : i32
        %dma_start3A_173 = tpu.memref_slice %arg11[%dma_start3A_171, %dma_start3A_172] : memref<16x128xi32, #tpu.memory_space<vmem>> -> memref<1x128xi32, #tpu.memory_space<vmem>>
        %dma_start3A_174 = tpu.memref_squeeze %dma_start3A_173 : memref<1x128xi32, #tpu.memory_space<vmem>> -> memref<128xi32, #tpu.memory_space<vmem>>
        %dma_start3A_175 = arith.constant 0 : i32
        %dma_start3A_176 = tpu.memref_slice %arg19[%dma_start3A_175] : memref<10240xf32, #tpu.memory_space<vmem_shared>> -> memref<10240xf32, #tpu.memory_space<vmem_shared>>
        tpu.enqueue_indirect_dma source(%arg16 : memref<128xf32, #tpu.memory_space<vmem>>) target(%dma_start3A_176 : memref<10240xf32, #tpu.memory_space<vmem_shared>>) offsets(%dma_start3A_174 : memref<128xi32, #tpu.memory_space<vmem>>) semaphore(%arg22 : memref<!tpu.dma_semaphore, #tpu.memory_space<semaphore_mem>>) {add = true}
        %dma_wait3A_177 = arith.constant 15 : i32
        %dma_wait3A_178 = arith.constant 0 : i32
        %dma_wait3A_179 = tpu.memref_slice %arg10[%dma_wait3A_177, %dma_wait3A_178] : memref<16x128xi32, #tpu.memory_space<vmem>> -> memref<1x128xi32, #tpu.memory_space<vmem>>
        %dma_wait3A_180 = tpu.memref_squeeze %dma_wait3A_179 : memref<1x128xi32, #tpu.memory_space<vmem>> -> memref<128xi32, #tpu.memory_space<vmem>>
        %dma_wait3A_181 = arith.constant 0 : i32
        %dma_wait3A_182 = arith.constant 0 : i32
        %dma_wait3A_183 = tpu.memref_slice %arg2[%dma_wait3A_181, %dma_wait3A_182] : memref<10000x128xf32, #tpu.memory_space<hbm>> -> memref<10000x128xf32, #tpu.memory_space<hbm>>
        tpu.wait_indirect_dma semaphore(%arg21 : memref<!tpu.dma_semaphore, #tpu.memory_space<semaphore_mem>>) src(%dma_wait3A_183 : memref<10000x128xf32, #tpu.memory_space<hbm>>) dst(%arg15 : memref<128x128xf32, #tpu.memory_space<vmem>>)
        %dma_wait3A_184 = arith.constant 14 : i32
        %dma_wait3A_185 = arith.constant 0 : i32
        %dma_wait3A_186 = tpu.memref_slice %arg11[%dma_wait3A_184, %dma_wait3A_185] : memref<16x128xi32, #tpu.memory_space<vmem>> -> memref<1x128xi32, #tpu.memory_space<vmem>>
        %dma_wait3A_187 = tpu.memref_squeeze %dma_wait3A_186 : memref<1x128xi32, #tpu.memory_space<vmem>> -> memref<128xi32, #tpu.memory_space<vmem>>
        %dma_wait3A_188 = arith.constant 0 : i32
        %dma_wait3A_189 = arith.constant 0 : i32
        %dma_wait3A_190 = tpu.memref_slice %arg18[%dma_wait3A_188, %dma_wait3A_189] : memref<10240x128xf32, #tpu.memory_space<vmem_shared>> -> memref<10240x128xf32, #tpu.memory_space<vmem_shared>>
        tpu.wait_indirect_dma semaphore(%arg22 : memref<!tpu.dma_semaphore, #tpu.memory_space<semaphore_mem>>) src(%arg14 : memref<128x128xf32, #tpu.memory_space<vmem>>) dst(%dma_wait3A_190 : memref<10240x128xf32, #tpu.memory_space<vmem_shared>>)
        %dma_wait3A_191 = arith.constant 14 : i32
        %dma_wait3A_192 = arith.constant 0 : i32
        %dma_wait3A_193 = tpu.memref_slice %arg11[%dma_wait3A_191, %dma_wait3A_192] : memref<16x128xi32, #tpu.memory_space<vmem>> -> memref<1x128xi32, #tpu.memory_space<vmem>>
        %dma_wait3A_194 = tpu.memref_squeeze %dma_wait3A_193 : memref<1x128xi32, #tpu.memory_space<vmem>> -> memref<128xi32, #tpu.memory_space<vmem>>
        %dma_wait3A_195 = arith.constant 0 : i32
        %dma_wait3A_196 = tpu.memref_slice %arg19[%dma_wait3A_195] : memref<10240xf32, #tpu.memory_space<vmem_shared>> -> memref<10240xf32, #tpu.memory_space<vmem_shared>>
        tpu.wait_indirect_dma semaphore(%arg22 : memref<!tpu.dma_semaphore, #tpu.memory_space<semaphore_mem>>) src(%arg16 : memref<128xf32, #tpu.memory_space<vmem>>) dst(%dma_wait3A_196 : memref<10240xf32, #tpu.memory_space<vmem_shared>>)
        %cond3A_197 = arith.constant 1 : i32
        %multiple_of3A_198 = tpu.assume_multiple %add3A_142, 8 : i32
        %dma_wait3A_199 = arith.constant 0 : i32
        %dma_wait3A_200 = arith.constant 0 : i32
        %dma_wait3A_201 = tpu.memref_slice %arg4[%dma_wait3A_199, %multiple_of3A_198, %dma_wait3A_200] : memref<2x2560x128xi32, #tpu.memory_space<hbm>> -> memref<1x16x128xi32, #tpu.memory_space<hbm>>
        %dma_wait3A_202 = tpu.memref_squeeze %dma_wait3A_201 : memref<1x16x128xi32, #tpu.memory_space<hbm>> -> memref<16x128xi32, #tpu.memory_space<hbm>>
        %dma_wait3A_203 = arith.constant 0 : i32
        %dma_wait3A_204 = tpu.memref_slice %arg4[%dma_wait3A_199, %multiple_of3A_198, %dma_wait3A_203] : memref<2x2560x128xi32, #tpu.memory_space<hbm>> -> memref<1x16x128xi32, #tpu.memory_space<hbm>>
        %dma_wait3A_205 = tpu.memref_squeeze %dma_wait3A_204 : memref<1x16x128xi32, #tpu.memory_space<hbm>> -> memref<16x128xi32, #tpu.memory_space<hbm>>
        tpu.wait_dma2 semaphore(%arg24 : memref<!tpu.dma_semaphore, #tpu.memory_space<semaphore_mem>>) src(%dma_wait3A_205 : memref<16x128xi32, #tpu.memory_space<hbm>>) dst(%arg12 : memref<16x128xi32, #tpu.memory_space<vmem>>)
        %dma_wait3A_206 = arith.constant 1 : i32
        %dma_wait3A_207 = arith.constant 0 : i32
        %dma_wait3A_208 = tpu.memref_slice %arg4[%dma_wait3A_206, %multiple_of3A_198, %dma_wait3A_207] : memref<2x2560x128xi32, #tpu.memory_space<hbm>> -> memref<1x16x128xi32, #tpu.memory_space<hbm>>
        %dma_wait3A_209 = tpu.memref_squeeze %dma_wait3A_208 : memref<1x16x128xi32, #tpu.memory_space<hbm>> -> memref<16x128xi32, #tpu.memory_space<hbm>>
        %dma_wait3A_210 = arith.constant 0 : i32
        %dma_wait3A_211 = tpu.memref_slice %arg4[%dma_wait3A_206, %multiple_of3A_198, %dma_wait3A_210] : memref<2x2560x128xi32, #tpu.memory_space<hbm>> -> memref<1x16x128xi32, #tpu.memory_space<hbm>>
        %dma_wait3A_212 = tpu.memref_squeeze %dma_wait3A_211 : memref<1x16x128xi32, #tpu.memory_space<hbm>> -> memref<16x128xi32, #tpu.memory_space<hbm>>
        tpu.wait_dma2 semaphore(%arg24 : memref<!tpu.dma_semaphore, #tpu.memory_space<semaphore_mem>>) src(%dma_wait3A_212 : memref<16x128xi32, #tpu.memory_space<hbm>>) dst(%arg13 : memref<16x128xi32, #tpu.memory_space<vmem>>)
        %dma_start3A_213 = arith.constant 0 : i32
        %dma_start3A_214 = arith.constant 0 : i32
        %dma_start3A_215 = tpu.memref_slice %arg12[%dma_start3A_213, %dma_start3A_214] : memref<16x128xi32, #tpu.memory_space<vmem>> -> memref<1x128xi32, #tpu.memory_space<vmem>>
        %dma_start3A_216 = tpu.memref_squeeze %dma_start3A_215 : memref<1x128xi32, #tpu.memory_space<vmem>> -> memref<128xi32, #tpu.memory_space<vmem>>
        %dma_start3A_217 = arith.constant 0 : i32
        %dma_start3A_218 = arith.constant 0 : i32
        %dma_start3A_219 = tpu.memref_slice %arg2[%dma_start3A_217, %dma_start3A_218] : memref<10000x128xf32, #tpu.memory_space<hbm>> -> memref<10000x128xf32, #tpu.memory_space<hbm>>
        tpu.enqueue_indirect_dma source(%dma_start3A_219 : memref<10000x128xf32, #tpu.memory_space<hbm>>) target(%arg14 : memref<128x128xf32, #tpu.memory_space<vmem>>) offsets(%dma_start3A_216 : memref<128xi32, #tpu.memory_space<vmem>>) semaphore(%arg20 : memref<!tpu.dma_semaphore, #tpu.memory_space<semaphore_mem>>)
        %dma_start3A_220 = arith.constant 15 : i32
        %dma_start3A_221 = arith.constant 0 : i32
        %dma_start3A_222 = tpu.memref_slice %arg11[%dma_start3A_220, %dma_start3A_221] : memref<16x128xi32, #tpu.memory_space<vmem>> -> memref<1x128xi32, #tpu.memory_space<vmem>>
        %dma_start3A_223 = tpu.memref_squeeze %dma_start3A_222 : memref<1x128xi32, #tpu.memory_space<vmem>> -> memref<128xi32, #tpu.memory_space<vmem>>
        %dma_start3A_224 = arith.constant 0 : i32
        %dma_start3A_225 = arith.constant 0 : i32
        %dma_start3A_226 = tpu.memref_slice %arg18[%dma_start3A_224, %dma_start3A_225] : memref<10240x128xf32, #tpu.memory_space<vmem_shared>> -> memref<10240x128xf32, #tpu.memory_space<vmem_shared>>
        tpu.enqueue_indirect_dma source(%arg15 : memref<128x128xf32, #tpu.memory_space<vmem>>) target(%dma_start3A_226 : memref<10240x128xf32, #tpu.memory_space<vmem_shared>>) offsets(%dma_start3A_223 : memref<128xi32, #tpu.memory_space<vmem>>) semaphore(%arg23 : memref<!tpu.dma_semaphore, #tpu.memory_space<semaphore_mem>>) {add = true}
        %dma_start3A_227 = arith.constant 15 : i32
        %dma_start3A_228 = arith.constant 0 : i32
        %dma_start3A_229 = tpu.memref_slice %arg11[%dma_start3A_227, %dma_start3A_228] : memref<16x128xi32, #tpu.memory_space<vmem>> -> memref<1x128xi32, #tpu.memory_space<vmem>>
        %dma_start3A_230 = tpu.memref_squeeze %dma_start3A_229 : memref<1x128xi32, #tpu.memory_space<vmem>> -> memref<128xi32, #tpu.memory_space<vmem>>
        %dma_start3A_231 = arith.constant 0 : i32
        %dma_start3A_232 = tpu.memref_slice %arg19[%dma_start3A_231] : memref<10240xf32, #tpu.memory_space<vmem_shared>> -> memref<10240xf32, #tpu.memory_space<vmem_shared>>
        tpu.enqueue_indirect_dma source(%arg16 : memref<128xf32, #tpu.memory_space<vmem>>) target(%dma_start3A_232 : memref<10240xf32, #tpu.memory_space<vmem_shared>>) offsets(%dma_start3A_230 : memref<128xi32, #tpu.memory_space<vmem>>) semaphore(%arg23 : memref<!tpu.dma_semaphore, #tpu.memory_space<semaphore_mem>>) {add = true}
        %dma_wait3A_233 = arith.constant 15 : i32
        %dma_wait3A_234 = arith.constant 0 : i32
        %dma_wait3A_235 = tpu.memref_slice %arg11[%dma_wait3A_233, %dma_wait3A_234] : memref<16x128xi32, #tpu.memory_space<vmem>> -> memref<1x128xi32, #tpu.memory_space<vmem>>
        %dma_wait3A_236 = tpu.memref_squeeze %dma_wait3A_235 : memref<1x128xi32, #tpu.memory_space<vmem>> -> memref<128xi32, #tpu.memory_space<vmem>>
        %dma_wait3A_237 = arith.constant 0 : i32
        %dma_wait3A_238 = arith.constant 0 : i32
        %dma_wait3A_239 = tpu.memref_slice %arg18[%dma_wait3A_237, %dma_wait3A_238] : memref<10240x128xf32, #tpu.memory_space<vmem_shared>> -> memref<10240x128xf32, #tpu.memory_space<vmem_shared>>
        tpu.wait_indirect_dma semaphore(%arg23 : memref<!tpu.dma_semaphore, #tpu.memory_space<semaphore_mem>>) src(%arg15 : memref<128x128xf32, #tpu.memory_space<vmem>>) dst(%dma_wait3A_239 : memref<10240x128xf32, #tpu.memory_space<vmem_shared>>)
        %dma_wait3A_240 = arith.constant 15 : i32
        %dma_wait3A_241 = arith.constant 0 : i32
        %dma_wait3A_242 = tpu.memref_slice %arg11[%dma_wait3A_240, %dma_wait3A_241] : memref<16x128xi32, #tpu.memory_space<vmem>> -> memref<1x128xi32, #tpu.memory_space<vmem>>
        %dma_wait3A_243 = tpu.memref_squeeze %dma_wait3A_242 : memref<1x128xi32, #tpu.memory_space<vmem>> -> memref<128xi32, #tpu.memory_space<vmem>>
        %dma_wait3A_244 = arith.constant 0 : i32
        %dma_wait3A_245 = tpu.memref_slice %arg19[%dma_wait3A_244] : memref<10240xf32, #tpu.memory_space<vmem_shared>> -> memref<10240xf32, #tpu.memory_space<vmem_shared>>
        tpu.wait_indirect_dma semaphore(%arg23 : memref<!tpu.dma_semaphore, #tpu.memory_space<semaphore_mem>>) src(%arg16 : memref<128xf32, #tpu.memory_space<vmem>>) dst(%dma_wait3A_245 : memref<10240xf32, #tpu.memory_space<vmem_shared>>)
        %cond3A_246 = arith.constant 1 : i32
        %dma_start3A_247 = arith.constant 1 : i32
        %dma_start3A_248 = arith.constant 0 : i32
        %dma_start3A_249 = tpu.memref_slice %arg12[%dma_start3A_247, %dma_start3A_248] : memref<16x128xi32, #tpu.memory_space<vmem>> -> memref<1x128xi32, #tpu.memory_space<vmem>>
        %dma_start3A_250 = tpu.memref_squeeze %dma_start3A_249 : memref<1x128xi32, #tpu.memory_space<vmem>> -> memref<128xi32, #tpu.memory_space<vmem>>
        %dma_start3A_251 = arith.constant 0 : i32
        %dma_start3A_252 = arith.constant 0 : i32
        %dma_start3A_253 = tpu.memref_slice %arg2[%dma_start3A_251, %dma_start3A_252] : memref<10000x128xf32, #tpu.memory_space<hbm>> -> memref<10000x128xf32, #tpu.memory_space<hbm>>
        tpu.enqueue_indirect_dma source(%dma_start3A_253 : memref<10000x128xf32, #tpu.memory_space<hbm>>) target(%arg15 : memref<128x128xf32, #tpu.memory_space<vmem>>) offsets(%dma_start3A_250 : memref<128xi32, #tpu.memory_space<vmem>>) semaphore(%arg21 : memref<!tpu.dma_semaphore, #tpu.memory_space<semaphore_mem>>)
        %convert_element_type3A_254 = arith.extui %lt3A_145 : i1 to i32
        %cond3A_255 = arith.constant 0 : i32
        %cond3A_256 = arith.cmpi ne, %convert_element_type3A_254, %cond3A_255 : i32
        scf.if %cond3A_256 {
          %multiple_of3A_358 = tpu.assume_multiple %select_n3A, 8 : i32
          %dma_start3A_359 = arith.constant 0 : i32
          %dma_start3A_360 = arith.constant 0 : i32
          %dma_start3A_361 = tpu.memref_slice %arg4[%dma_start3A_359, %multiple_of3A_358, %dma_start3A_360] : memref<2x2560x128xi32, #tpu.memory_space<hbm>> -> memref<1x16x128xi32, #tpu.memory_space<hbm>>
          %dma_start3A_362 = tpu.memref_squeeze %dma_start3A_361 : memref<1x16x128xi32, #tpu.memory_space<hbm>> -> memref<16x128xi32, #tpu.memory_space<hbm>>
          %dma_start3A_363 = arith.constant 0 : i32
          %dma_start3A_364 = tpu.memref_slice %arg4[%dma_start3A_359, %multiple_of3A_358, %dma_start3A_363] : memref<2x2560x128xi32, #tpu.memory_space<hbm>> -> memref<1x16x128xi32, #tpu.memory_space<hbm>>
          %dma_start3A_365 = tpu.memref_squeeze %dma_start3A_364 : memref<1x16x128xi32, #tpu.memory_space<hbm>> -> memref<16x128xi32, #tpu.memory_space<hbm>>
          tpu.enqueue_dma source(%dma_start3A_365 : memref<16x128xi32, #tpu.memory_space<hbm>>) target(%arg10 : memref<16x128xi32, #tpu.memory_space<vmem>>) target_semaphore(%arg24 : memref<!tpu.dma_semaphore, #tpu.memory_space<semaphore_mem>>)
          %dma_start3A_366 = arith.constant 1 : i32
          %dma_start3A_367 = arith.constant 0 : i32
          %dma_start3A_368 = tpu.memref_slice %arg4[%dma_start3A_366, %multiple_of3A_358, %dma_start3A_367] : memref<2x2560x128xi32, #tpu.memory_space<hbm>> -> memref<1x16x128xi32, #tpu.memory_space<hbm>>
          %dma_start3A_369 = tpu.memref_squeeze %dma_start3A_368 : memref<1x16x128xi32, #tpu.memory_space<hbm>> -> memref<16x128xi32, #tpu.memory_space<hbm>>
          %dma_start3A_370 = arith.constant 0 : i32
          %dma_start3A_371 = tpu.memref_slice %arg4[%dma_start3A_366, %multiple_of3A_358, %dma_start3A_370] : memref<2x2560x128xi32, #tpu.memory_space<hbm>> -> memref<1x16x128xi32, #tpu.memory_space<hbm>>
          %dma_start3A_372 = tpu.memref_squeeze %dma_start3A_371 : memref<1x16x128xi32, #tpu.memory_space<hbm>> -> memref<16x128xi32, #tpu.memory_space<hbm>>
          tpu.enqueue_dma source(%dma_start3A_372 : memref<16x128xi32, #tpu.memory_space<hbm>>) target(%arg11 : memref<16x128xi32, #tpu.memory_space<vmem>>) target_semaphore(%arg24 : memref<!tpu.dma_semaphore, #tpu.memory_space<semaphore_mem>>)
        } else {
        }
        %add3A_257 = arith.constant 16 : i32
        %add3A_258 = arith.addi %add3A_140, %add3A_257 : i32
        %add3A_259 = arith.constant 32 : i32
        %add3A_260 = arith.addi %add3A_140, %add3A_259 : i32
        %add3A_261 = arith.constant 2 : i32
        %add3A_262 = arith.addi %mul3A_137, %add3A_261 : i32
        %lt3A_263 = arith.constant 10 : i32
        %lt3A_264 = arith.cmpi slt, %add3A_262, %lt3A_263 : i32
        %add3A_265 = arith.constant 3 : i32
        %add3A_266 = arith.addi %mul3A_137, %add3A_265 : i32
        %lt3A_267 = arith.constant 10 : i32
        %lt3A_268 = arith.cmpi slt, %add3A_266, %lt3A_267 : i32
        %add3A_269 = arith.constant 3 : i32
        %add3A_270 = arith.addi %mul3A_137, %add3A_269 : i32
        %lt3A_271 = arith.constant 10 : i32
        %lt3A_272 = arith.cmpi slt, %add3A_270, %lt3A_271 : i32
        %add3A_273 = arith.constant 48 : i32
        %add3A_274 = arith.addi %add3A_140, %add3A_273 : i32
        %jit3A_275 = arith.constant 0 : i32
        %select_n3A_276 = arith.select %lt3A_272, %add3A_274, %jit3A_275 : i32
        %scan3A_277 = arith.constant 0 : i32
        %scan3A_278 = arith.constant 0 : i32
        %scan3A_279 = arith.constant 7 : i32
        %scan3A_280 = arith.addi %scan3A_278, %scan3A_279 : i32
        %scan3A_281 = arith.constant 1 : i32
        scf.for %scan3A_358 = %scan3A_278 to %scan3A_280 step %scan3A_281  : i32 {
          %mul3A_359 = arith.constant 2 : i32
          %mul3A_360 = arith.muli %mul3A_359, %scan3A_358 : i32
          %mul3A_361 = arith.constant 2 : i32
          %mul3A_362 = arith.muli %mul3A_361, %scan3A_358 : i32
          %add3A_363 = arith.constant 1 : i32
          %add3A_364 = arith.addi %mul3A_362, %add3A_363 : i32
          %dma_wait3A_365 = arith.constant 0 : i32
          %dma_wait3A_366 = tpu.memref_slice %arg12[%mul3A_360, %dma_wait3A_365] : memref<16x128xi32, #tpu.memory_space<vmem>> -> memref<1x128xi32, #tpu.memory_space<vmem>>
          %dma_wait3A_367 = tpu.memref_squeeze %dma_wait3A_366 : memref<1x128xi32, #tpu.memory_space<vmem>> -> memref<128xi32, #tpu.memory_space<vmem>>
          %dma_wait3A_368 = arith.constant 0 : i32
          %dma_wait3A_369 = arith.constant 0 : i32
          %dma_wait3A_370 = tpu.memref_slice %arg2[%dma_wait3A_368, %dma_wait3A_369] : memref<10000x128xf32, #tpu.memory_space<hbm>> -> memref<10000x128xf32, #tpu.memory_space<hbm>>
          tpu.wait_indirect_dma semaphore(%arg20 : memref<!tpu.dma_semaphore, #tpu.memory_space<semaphore_mem>>) src(%dma_wait3A_370 : memref<10000x128xf32, #tpu.memory_space<hbm>>) dst(%arg14 : memref<128x128xf32, #tpu.memory_space<vmem>>)
          %dma_start3A_371 = arith.constant 0 : i32
          %dma_start3A_372 = tpu.memref_slice %arg13[%mul3A_360, %dma_start3A_371] : memref<16x128xi32, #tpu.memory_space<vmem>> -> memref<1x128xi32, #tpu.memory_space<vmem>>
          %dma_start3A_373 = tpu.memref_squeeze %dma_start3A_372 : memref<1x128xi32, #tpu.memory_space<vmem>> -> memref<128xi32, #tpu.memory_space<vmem>>
          %dma_start3A_374 = arith.constant 0 : i32
          %dma_start3A_375 = arith.constant 0 : i32
          %dma_start3A_376 = tpu.memref_slice %arg18[%dma_start3A_374, %dma_start3A_375] : memref<10240x128xf32, #tpu.memory_space<vmem_shared>> -> memref<10240x128xf32, #tpu.memory_space<vmem_shared>>
          tpu.enqueue_indirect_dma source(%arg14 : memref<128x128xf32, #tpu.memory_space<vmem>>) target(%dma_start3A_376 : memref<10240x128xf32, #tpu.memory_space<vmem_shared>>) offsets(%dma_start3A_373 : memref<128xi32, #tpu.memory_space<vmem>>) semaphore(%arg22 : memref<!tpu.dma_semaphore, #tpu.memory_space<semaphore_mem>>) {add = true}
          %dma_start3A_377 = arith.constant 0 : i32
          %dma_start3A_378 = tpu.memref_slice %arg13[%mul3A_360, %dma_start3A_377] : memref<16x128xi32, #tpu.memory_space<vmem>> -> memref<1x128xi32, #tpu.memory_space<vmem>>
          %dma_start3A_379 = tpu.memref_squeeze %dma_start3A_378 : memref<1x128xi32, #tpu.memory_space<vmem>> -> memref<128xi32, #tpu.memory_space<vmem>>
          %dma_start3A_380 = arith.constant 0 : i32
          %dma_start3A_381 = tpu.memref_slice %arg19[%dma_start3A_380] : memref<10240xf32, #tpu.memory_space<vmem_shared>> -> memref<10240xf32, #tpu.memory_space<vmem_shared>>
          tpu.enqueue_indirect_dma source(%arg16 : memref<128xf32, #tpu.memory_space<vmem>>) target(%dma_start3A_381 : memref<10240xf32, #tpu.memory_space<vmem_shared>>) offsets(%dma_start3A_379 : memref<128xi32, #tpu.memory_space<vmem>>) semaphore(%arg22 : memref<!tpu.dma_semaphore, #tpu.memory_space<semaphore_mem>>) {add = true}
          %dma_wait3A_382 = arith.constant 0 : i32
          %dma_wait3A_383 = tpu.memref_slice %arg12[%add3A_364, %dma_wait3A_382] : memref<16x128xi32, #tpu.memory_space<vmem>> -> memref<1x128xi32, #tpu.memory_space<vmem>>
          %dma_wait3A_384 = tpu.memref_squeeze %dma_wait3A_383 : memref<1x128xi32, #tpu.memory_space<vmem>> -> memref<128xi32, #tpu.memory_space<vmem>>
          %dma_wait3A_385 = arith.constant 0 : i32
          %dma_wait3A_386 = arith.constant 0 : i32
          %dma_wait3A_387 = tpu.memref_slice %arg2[%dma_wait3A_385, %dma_wait3A_386] : memref<10000x128xf32, #tpu.memory_space<hbm>> -> memref<10000x128xf32, #tpu.memory_space<hbm>>
          tpu.wait_indirect_dma semaphore(%arg21 : memref<!tpu.dma_semaphore, #tpu.memory_space<semaphore_mem>>) src(%dma_wait3A_387 : memref<10000x128xf32, #tpu.memory_space<hbm>>) dst(%arg15 : memref<128x128xf32, #tpu.memory_space<vmem>>)
          %dma_wait3A_388 = arith.constant 0 : i32
          %dma_wait3A_389 = tpu.memref_slice %arg13[%mul3A_360, %dma_wait3A_388] : memref<16x128xi32, #tpu.memory_space<vmem>> -> memref<1x128xi32, #tpu.memory_space<vmem>>
          %dma_wait3A_390 = tpu.memref_squeeze %dma_wait3A_389 : memref<1x128xi32, #tpu.memory_space<vmem>> -> memref<128xi32, #tpu.memory_space<vmem>>
          %dma_wait3A_391 = arith.constant 0 : i32
          %dma_wait3A_392 = arith.constant 0 : i32
          %dma_wait3A_393 = tpu.memref_slice %arg18[%dma_wait3A_391, %dma_wait3A_392] : memref<10240x128xf32, #tpu.memory_space<vmem_shared>> -> memref<10240x128xf32, #tpu.memory_space<vmem_shared>>
          tpu.wait_indirect_dma semaphore(%arg22 : memref<!tpu.dma_semaphore, #tpu.memory_space<semaphore_mem>>) src(%arg14 : memref<128x128xf32, #tpu.memory_space<vmem>>) dst(%dma_wait3A_393 : memref<10240x128xf32, #tpu.memory_space<vmem_shared>>)
          %dma_wait3A_394 = arith.constant 0 : i32
          %dma_wait3A_395 = tpu.memref_slice %arg13[%mul3A_360, %dma_wait3A_394] : memref<16x128xi32, #tpu.memory_space<vmem>> -> memref<1x128xi32, #tpu.memory_space<vmem>>
          %dma_wait3A_396 = tpu.memref_squeeze %dma_wait3A_395 : memref<1x128xi32, #tpu.memory_space<vmem>> -> memref<128xi32, #tpu.memory_space<vmem>>
          %dma_wait3A_397 = arith.constant 0 : i32
          %dma_wait3A_398 = tpu.memref_slice %arg19[%dma_wait3A_397] : memref<10240xf32, #tpu.memory_space<vmem_shared>> -> memref<10240xf32, #tpu.memory_space<vmem_shared>>
          tpu.wait_indirect_dma semaphore(%arg22 : memref<!tpu.dma_semaphore, #tpu.memory_space<semaphore_mem>>) src(%arg16 : memref<128xf32, #tpu.memory_space<vmem>>) dst(%dma_wait3A_398 : memref<10240xf32, #tpu.memory_space<vmem_shared>>)
          %add3A_399 = arith.constant 2 : i32
          %add3A_400 = arith.addi %mul3A_360, %add3A_399 : i32
          %dma_start3A_401 = arith.constant 0 : i32
          %dma_start3A_402 = tpu.memref_slice %arg12[%add3A_400, %dma_start3A_401] : memref<16x128xi32, #tpu.memory_space<vmem>> -> memref<1x128xi32, #tpu.memory_space<vmem>>
          %dma_start3A_403 = tpu.memref_squeeze %dma_start3A_402 : memref<1x128xi32, #tpu.memory_space<vmem>> -> memref<128xi32, #tpu.memory_space<vmem>>
          %dma_start3A_404 = arith.constant 0 : i32
          %dma_start3A_405 = arith.constant 0 : i32
          %dma_start3A_406 = tpu.memref_slice %arg2[%dma_start3A_404, %dma_start3A_405] : memref<10000x128xf32, #tpu.memory_space<hbm>> -> memref<10000x128xf32, #tpu.memory_space<hbm>>
          tpu.enqueue_indirect_dma source(%dma_start3A_406 : memref<10000x128xf32, #tpu.memory_space<hbm>>) target(%arg14 : memref<128x128xf32, #tpu.memory_space<vmem>>) offsets(%dma_start3A_403 : memref<128xi32, #tpu.memory_space<vmem>>) semaphore(%arg20 : memref<!tpu.dma_semaphore, #tpu.memory_space<semaphore_mem>>)
          %dma_start3A_407 = arith.constant 0 : i32
          %dma_start3A_408 = tpu.memref_slice %arg13[%add3A_364, %dma_start3A_407] : memref<16x128xi32, #tpu.memory_space<vmem>> -> memref<1x128xi32, #tpu.memory_space<vmem>>
          %dma_start3A_409 = tpu.memref_squeeze %dma_start3A_408 : memref<1x128xi32, #tpu.memory_space<vmem>> -> memref<128xi32, #tpu.memory_space<vmem>>
          %dma_start3A_410 = arith.constant 0 : i32
          %dma_start3A_411 = arith.constant 0 : i32
          %dma_start3A_412 = tpu.memref_slice %arg18[%dma_start3A_410, %dma_start3A_411] : memref<10240x128xf32, #tpu.memory_space<vmem_shared>> -> memref<10240x128xf32, #tpu.memory_space<vmem_shared>>
          tpu.enqueue_indirect_dma source(%arg15 : memref<128x128xf32, #tpu.memory_space<vmem>>) target(%dma_start3A_412 : memref<10240x128xf32, #tpu.memory_space<vmem_shared>>) offsets(%dma_start3A_409 : memref<128xi32, #tpu.memory_space<vmem>>) semaphore(%arg23 : memref<!tpu.dma_semaphore, #tpu.memory_space<semaphore_mem>>) {add = true}
          %dma_start3A_413 = arith.constant 0 : i32
          %dma_start3A_414 = tpu.memref_slice %arg13[%add3A_364, %dma_start3A_413] : memref<16x128xi32, #tpu.memory_space<vmem>> -> memref<1x128xi32, #tpu.memory_space<vmem>>
          %dma_start3A_415 = tpu.memref_squeeze %dma_start3A_414 : memref<1x128xi32, #tpu.memory_space<vmem>> -> memref<128xi32, #tpu.memory_space<vmem>>
          %dma_start3A_416 = arith.constant 0 : i32
          %dma_start3A_417 = tpu.memref_slice %arg19[%dma_start3A_416] : memref<10240xf32, #tpu.memory_space<vmem_shared>> -> memref<10240xf32, #tpu.memory_space<vmem_shared>>
          tpu.enqueue_indirect_dma source(%arg16 : memref<128xf32, #tpu.memory_space<vmem>>) target(%dma_start3A_417 : memref<10240xf32, #tpu.memory_space<vmem_shared>>) offsets(%dma_start3A_415 : memref<128xi32, #tpu.memory_space<vmem>>) semaphore(%arg23 : memref<!tpu.dma_semaphore, #tpu.memory_space<semaphore_mem>>) {add = true}
          %dma_wait3A_418 = arith.constant 0 : i32
          %dma_wait3A_419 = tpu.memref_slice %arg13[%add3A_364, %dma_wait3A_418] : memref<16x128xi32, #tpu.memory_space<vmem>> -> memref<1x128xi32, #tpu.memory_space<vmem>>
          %dma_wait3A_420 = tpu.memref_squeeze %dma_wait3A_419 : memref<1x128xi32, #tpu.memory_space<vmem>> -> memref<128xi32, #tpu.memory_space<vmem>>
          %dma_wait3A_421 = arith.constant 0 : i32
          %dma_wait3A_422 = arith.constant 0 : i32
          %dma_wait3A_423 = tpu.memref_slice %arg18[%dma_wait3A_421, %dma_wait3A_422] : memref<10240x128xf32, #tpu.memory_space<vmem_shared>> -> memref<10240x128xf32, #tpu.memory_space<vmem_shared>>
          tpu.wait_indirect_dma semaphore(%arg23 : memref<!tpu.dma_semaphore, #tpu.memory_space<semaphore_mem>>) src(%arg15 : memref<128x128xf32, #tpu.memory_space<vmem>>) dst(%dma_wait3A_423 : memref<10240x128xf32, #tpu.memory_space<vmem_shared>>)
          %dma_wait3A_424 = arith.constant 0 : i32
          %dma_wait3A_425 = tpu.memref_slice %arg13[%add3A_364, %dma_wait3A_424] : memref<16x128xi32, #tpu.memory_space<vmem>> -> memref<1x128xi32, #tpu.memory_space<vmem>>
          %dma_wait3A_426 = tpu.memref_squeeze %dma_wait3A_425 : memref<1x128xi32, #tpu.memory_space<vmem>> -> memref<128xi32, #tpu.memory_space<vmem>>
          %dma_wait3A_427 = arith.constant 0 : i32
          %dma_wait3A_428 = tpu.memref_slice %arg19[%dma_wait3A_427] : memref<10240xf32, #tpu.memory_space<vmem_shared>> -> memref<10240xf32, #tpu.memory_space<vmem_shared>>
          tpu.wait_indirect_dma semaphore(%arg23 : memref<!tpu.dma_semaphore, #tpu.memory_space<semaphore_mem>>) src(%arg16 : memref<128xf32, #tpu.memory_space<vmem>>) dst(%dma_wait3A_428 : memref<10240xf32, #tpu.memory_space<vmem_shared>>)
          %add3A_429 = arith.constant 2 : i32
          %add3A_430 = arith.addi %add3A_364, %add3A_429 : i32
          %dma_start3A_431 = arith.constant 0 : i32
          %dma_start3A_432 = tpu.memref_slice %arg12[%add3A_430, %dma_start3A_431] : memref<16x128xi32, #tpu.memory_space<vmem>> -> memref<1x128xi32, #tpu.memory_space<vmem>>
          %dma_start3A_433 = tpu.memref_squeeze %dma_start3A_432 : memref<1x128xi32, #tpu.memory_space<vmem>> -> memref<128xi32, #tpu.memory_space<vmem>>
          %dma_start3A_434 = arith.constant 0 : i32
          %dma_start3A_435 = arith.constant 0 : i32
          %dma_start3A_436 = tpu.memref_slice %arg2[%dma_start3A_434, %dma_start3A_435] : memref<10000x128xf32, #tpu.memory_space<hbm>> -> memref<10000x128xf32, #tpu.memory_space<hbm>>
          tpu.enqueue_indirect_dma source(%dma_start3A_436 : memref<10000x128xf32, #tpu.memory_space<hbm>>) target(%arg15 : memref<128x128xf32, #tpu.memory_space<vmem>>) offsets(%dma_start3A_433 : memref<128xi32, #tpu.memory_space<vmem>>) semaphore(%arg21 : memref<!tpu.dma_semaphore, #tpu.memory_space<semaphore_mem>>)
        }
        %scan3A_282 = arith.constant 7 : i32
        %dma_wait3A_283 = arith.constant 14 : i32
        %dma_wait3A_284 = arith.constant 0 : i32
        %dma_wait3A_285 = tpu.memref_slice %arg12[%dma_wait3A_283, %dma_wait3A_284] : memref<16x128xi32, #tpu.memory_space<vmem>> -> memref<1x128xi32, #tpu.memory_space<vmem>>
        %dma_wait3A_286 = tpu.memref_squeeze %dma_wait3A_285 : memref<1x128xi32, #tpu.memory_space<vmem>> -> memref<128xi32, #tpu.memory_space<vmem>>
        %dma_wait3A_287 = arith.constant 0 : i32
        %dma_wait3A_288 = arith.constant 0 : i32
        %dma_wait3A_289 = tpu.memref_slice %arg2[%dma_wait3A_287, %dma_wait3A_288] : memref<10000x128xf32, #tpu.memory_space<hbm>> -> memref<10000x128xf32, #tpu.memory_space<hbm>>
        tpu.wait_indirect_dma semaphore(%arg20 : memref<!tpu.dma_semaphore, #tpu.memory_space<semaphore_mem>>) src(%dma_wait3A_289 : memref<10000x128xf32, #tpu.memory_space<hbm>>) dst(%arg14 : memref<128x128xf32, #tpu.memory_space<vmem>>)
        %dma_start3A_290 = arith.constant 14 : i32
        %dma_start3A_291 = arith.constant 0 : i32
        %dma_start3A_292 = tpu.memref_slice %arg13[%dma_start3A_290, %dma_start3A_291] : memref<16x128xi32, #tpu.memory_space<vmem>> -> memref<1x128xi32, #tpu.memory_space<vmem>>
        %dma_start3A_293 = tpu.memref_squeeze %dma_start3A_292 : memref<1x128xi32, #tpu.memory_space<vmem>> -> memref<128xi32, #tpu.memory_space<vmem>>
        %dma_start3A_294 = arith.constant 0 : i32
        %dma_start3A_295 = arith.constant 0 : i32
        %dma_start3A_296 = tpu.memref_slice %arg18[%dma_start3A_294, %dma_start3A_295] : memref<10240x128xf32, #tpu.memory_space<vmem_shared>> -> memref<10240x128xf32, #tpu.memory_space<vmem_shared>>
        tpu.enqueue_indirect_dma source(%arg14 : memref<128x128xf32, #tpu.memory_space<vmem>>) target(%dma_start3A_296 : memref<10240x128xf32, #tpu.memory_space<vmem_shared>>) offsets(%dma_start3A_293 : memref<128xi32, #tpu.memory_space<vmem>>) semaphore(%arg22 : memref<!tpu.dma_semaphore, #tpu.memory_space<semaphore_mem>>) {add = true}
        %dma_start3A_297 = arith.constant 14 : i32
        %dma_start3A_298 = arith.constant 0 : i32
        %dma_start3A_299 = tpu.memref_slice %arg13[%dma_start3A_297, %dma_start3A_298] : memref<16x128xi32, #tpu.memory_space<vmem>> -> memref<1x128xi32, #tpu.memory_space<vmem>>
        %dma_start3A_300 = tpu.memref_squeeze %dma_start3A_299 : memref<1x128xi32, #tpu.memory_space<vmem>> -> memref<128xi32, #tpu.memory_space<vmem>>
        %dma_start3A_301 = arith.constant 0 : i32
        %dma_start3A_302 = tpu.memref_slice %arg19[%dma_start3A_301] : memref<10240xf32, #tpu.memory_space<vmem_shared>> -> memref<10240xf32, #tpu.memory_space<vmem_shared>>
        tpu.enqueue_indirect_dma source(%arg16 : memref<128xf32, #tpu.memory_space<vmem>>) target(%dma_start3A_302 : memref<10240xf32, #tpu.memory_space<vmem_shared>>) offsets(%dma_start3A_300 : memref<128xi32, #tpu.memory_space<vmem>>) semaphore(%arg22 : memref<!tpu.dma_semaphore, #tpu.memory_space<semaphore_mem>>) {add = true}
        %dma_wait3A_303 = arith.constant 15 : i32
        %dma_wait3A_304 = arith.constant 0 : i32
        %dma_wait3A_305 = tpu.memref_slice %arg12[%dma_wait3A_303, %dma_wait3A_304] : memref<16x128xi32, #tpu.memory_space<vmem>> -> memref<1x128xi32, #tpu.memory_space<vmem>>
        %dma_wait3A_306 = tpu.memref_squeeze %dma_wait3A_305 : memref<1x128xi32, #tpu.memory_space<vmem>> -> memref<128xi32, #tpu.memory_space<vmem>>
        %dma_wait3A_307 = arith.constant 0 : i32
        %dma_wait3A_308 = arith.constant 0 : i32
        %dma_wait3A_309 = tpu.memref_slice %arg2[%dma_wait3A_307, %dma_wait3A_308] : memref<10000x128xf32, #tpu.memory_space<hbm>> -> memref<10000x128xf32, #tpu.memory_space<hbm>>
        tpu.wait_indirect_dma semaphore(%arg21 : memref<!tpu.dma_semaphore, #tpu.memory_space<semaphore_mem>>) src(%dma_wait3A_309 : memref<10000x128xf32, #tpu.memory_space<hbm>>) dst(%arg15 : memref<128x128xf32, #tpu.memory_space<vmem>>)
        %dma_wait3A_310 = arith.constant 14 : i32
        %dma_wait3A_311 = arith.constant 0 : i32
        %dma_wait3A_312 = tpu.memref_slice %arg13[%dma_wait3A_310, %dma_wait3A_311] : memref<16x128xi32, #tpu.memory_space<vmem>> -> memref<1x128xi32, #tpu.memory_space<vmem>>
        %dma_wait3A_313 = tpu.memref_squeeze %dma_wait3A_312 : memref<1x128xi32, #tpu.memory_space<vmem>> -> memref<128xi32, #tpu.memory_space<vmem>>
        %dma_wait3A_314 = arith.constant 0 : i32
        %dma_wait3A_315 = arith.constant 0 : i32
        %dma_wait3A_316 = tpu.memref_slice %arg18[%dma_wait3A_314, %dma_wait3A_315] : memref<10240x128xf32, #tpu.memory_space<vmem_shared>> -> memref<10240x128xf32, #tpu.memory_space<vmem_shared>>
        tpu.wait_indirect_dma semaphore(%arg22 : memref<!tpu.dma_semaphore, #tpu.memory_space<semaphore_mem>>) src(%arg14 : memref<128x128xf32, #tpu.memory_space<vmem>>) dst(%dma_wait3A_316 : memref<10240x128xf32, #tpu.memory_space<vmem_shared>>)
        %dma_wait3A_317 = arith.constant 14 : i32
        %dma_wait3A_318 = arith.constant 0 : i32
        %dma_wait3A_319 = tpu.memref_slice %arg13[%dma_wait3A_317, %dma_wait3A_318] : memref<16x128xi32, #tpu.memory_space<vmem>> -> memref<1x128xi32, #tpu.memory_space<vmem>>
        %dma_wait3A_320 = tpu.memref_squeeze %dma_wait3A_319 : memref<1x128xi32, #tpu.memory_space<vmem>> -> memref<128xi32, #tpu.memory_space<vmem>>
        %dma_wait3A_321 = arith.constant 0 : i32
        %dma_wait3A_322 = tpu.memref_slice %arg19[%dma_wait3A_321] : memref<10240xf32, #tpu.memory_space<vmem_shared>> -> memref<10240xf32, #tpu.memory_space<vmem_shared>>
        tpu.wait_indirect_dma semaphore(%arg22 : memref<!tpu.dma_semaphore, #tpu.memory_space<semaphore_mem>>) src(%arg16 : memref<128xf32, #tpu.memory_space<vmem>>) dst(%dma_wait3A_322 : memref<10240xf32, #tpu.memory_space<vmem_shared>>)
        %convert_element_type3A_323 = arith.extui %lt3A_264 : i1 to i32
        %cond3A_324 = arith.constant 0 : i32
        %cond3A_325 = arith.cmpi ne, %convert_element_type3A_323, %cond3A_324 : i32
        scf.if %cond3A_325 {
          %multiple_of3A_358 = tpu.assume_multiple %add3A_260, 8 : i32
          %dma_wait3A_359 = arith.constant 0 : i32
          %dma_wait3A_360 = arith.constant 0 : i32
          %dma_wait3A_361 = tpu.memref_slice %arg4[%dma_wait3A_359, %multiple_of3A_358, %dma_wait3A_360] : memref<2x2560x128xi32, #tpu.memory_space<hbm>> -> memref<1x16x128xi32, #tpu.memory_space<hbm>>
          %dma_wait3A_362 = tpu.memref_squeeze %dma_wait3A_361 : memref<1x16x128xi32, #tpu.memory_space<hbm>> -> memref<16x128xi32, #tpu.memory_space<hbm>>
          %dma_wait3A_363 = arith.constant 0 : i32
          %dma_wait3A_364 = tpu.memref_slice %arg4[%dma_wait3A_359, %multiple_of3A_358, %dma_wait3A_363] : memref<2x2560x128xi32, #tpu.memory_space<hbm>> -> memref<1x16x128xi32, #tpu.memory_space<hbm>>
          %dma_wait3A_365 = tpu.memref_squeeze %dma_wait3A_364 : memref<1x16x128xi32, #tpu.memory_space<hbm>> -> memref<16x128xi32, #tpu.memory_space<hbm>>
          tpu.wait_dma2 semaphore(%arg24 : memref<!tpu.dma_semaphore, #tpu.memory_space<semaphore_mem>>) src(%dma_wait3A_365 : memref<16x128xi32, #tpu.memory_space<hbm>>) dst(%arg10 : memref<16x128xi32, #tpu.memory_space<vmem>>)
          %dma_wait3A_366 = arith.constant 1 : i32
          %dma_wait3A_367 = arith.constant 0 : i32
          %dma_wait3A_368 = tpu.memref_slice %arg4[%dma_wait3A_366, %multiple_of3A_358, %dma_wait3A_367] : memref<2x2560x128xi32, #tpu.memory_space<hbm>> -> memref<1x16x128xi32, #tpu.memory_space<hbm>>
          %dma_wait3A_369 = tpu.memref_squeeze %dma_wait3A_368 : memref<1x16x128xi32, #tpu.memory_space<hbm>> -> memref<16x128xi32, #tpu.memory_space<hbm>>
          %dma_wait3A_370 = arith.constant 0 : i32
          %dma_wait3A_371 = tpu.memref_slice %arg4[%dma_wait3A_366, %multiple_of3A_358, %dma_wait3A_370] : memref<2x2560x128xi32, #tpu.memory_space<hbm>> -> memref<1x16x128xi32, #tpu.memory_space<hbm>>
          %dma_wait3A_372 = tpu.memref_squeeze %dma_wait3A_371 : memref<1x16x128xi32, #tpu.memory_space<hbm>> -> memref<16x128xi32, #tpu.memory_space<hbm>>
          tpu.wait_dma2 semaphore(%arg24 : memref<!tpu.dma_semaphore, #tpu.memory_space<semaphore_mem>>) src(%dma_wait3A_372 : memref<16x128xi32, #tpu.memory_space<hbm>>) dst(%arg11 : memref<16x128xi32, #tpu.memory_space<vmem>>)
          %dma_start3A_373 = arith.constant 0 : i32
          %dma_start3A_374 = arith.constant 0 : i32
          %dma_start3A_375 = tpu.memref_slice %arg10[%dma_start3A_373, %dma_start3A_374] : memref<16x128xi32, #tpu.memory_space<vmem>> -> memref<1x128xi32, #tpu.memory_space<vmem>>
          %dma_start3A_376 = tpu.memref_squeeze %dma_start3A_375 : memref<1x128xi32, #tpu.memory_space<vmem>> -> memref<128xi32, #tpu.memory_space<vmem>>
          %dma_start3A_377 = arith.constant 0 : i32
          %dma_start3A_378 = arith.constant 0 : i32
          %dma_start3A_379 = tpu.memref_slice %arg2[%dma_start3A_377, %dma_start3A_378] : memref<10000x128xf32, #tpu.memory_space<hbm>> -> memref<10000x128xf32, #tpu.memory_space<hbm>>
          tpu.enqueue_indirect_dma source(%dma_start3A_379 : memref<10000x128xf32, #tpu.memory_space<hbm>>) target(%arg14 : memref<128x128xf32, #tpu.memory_space<vmem>>) offsets(%dma_start3A_376 : memref<128xi32, #tpu.memory_space<vmem>>) semaphore(%arg20 : memref<!tpu.dma_semaphore, #tpu.memory_space<semaphore_mem>>)
        } else {
        }
        %dma_start3A_326 = arith.constant 15 : i32
        %dma_start3A_327 = arith.constant 0 : i32
        %dma_start3A_328 = tpu.memref_slice %arg13[%dma_start3A_326, %dma_start3A_327] : memref<16x128xi32, #tpu.memory_space<vmem>> -> memref<1x128xi32, #tpu.memory_space<vmem>>
        %dma_start3A_329 = tpu.memref_squeeze %dma_start3A_328 : memref<1x128xi32, #tpu.memory_space<vmem>> -> memref<128xi32, #tpu.memory_space<vmem>>
        %dma_start3A_330 = arith.constant 0 : i32
        %dma_start3A_331 = arith.constant 0 : i32
        %dma_start3A_332 = tpu.memref_slice %arg18[%dma_start3A_330, %dma_start3A_331] : memref<10240x128xf32, #tpu.memory_space<vmem_shared>> -> memref<10240x128xf32, #tpu.memory_space<vmem_shared>>
        tpu.enqueue_indirect_dma source(%arg15 : memref<128x128xf32, #tpu.memory_space<vmem>>) target(%dma_start3A_332 : memref<10240x128xf32, #tpu.memory_space<vmem_shared>>) offsets(%dma_start3A_329 : memref<128xi32, #tpu.memory_space<vmem>>) semaphore(%arg23 : memref<!tpu.dma_semaphore, #tpu.memory_space<semaphore_mem>>) {add = true}
        %dma_start3A_333 = arith.constant 15 : i32
        %dma_start3A_334 = arith.constant 0 : i32
        %dma_start3A_335 = tpu.memref_slice %arg13[%dma_start3A_333, %dma_start3A_334] : memref<16x128xi32, #tpu.memory_space<vmem>> -> memref<1x128xi32, #tpu.memory_space<vmem>>
        %dma_start3A_336 = tpu.memref_squeeze %dma_start3A_335 : memref<1x128xi32, #tpu.memory_space<vmem>> -> memref<128xi32, #tpu.memory_space<vmem>>
        %dma_start3A_337 = arith.constant 0 : i32
        %dma_start3A_338 = tpu.memref_slice %arg19[%dma_start3A_337] : memref<10240xf32, #tpu.memory_space<vmem_shared>> -> memref<10240xf32, #tpu.memory_space<vmem_shared>>
        tpu.enqueue_indirect_dma source(%arg16 : memref<128xf32, #tpu.memory_space<vmem>>) target(%dma_start3A_338 : memref<10240xf32, #tpu.memory_space<vmem_shared>>) offsets(%dma_start3A_336 : memref<128xi32, #tpu.memory_space<vmem>>) semaphore(%arg23 : memref<!tpu.dma_semaphore, #tpu.memory_space<semaphore_mem>>) {add = true}
        %dma_wait3A_339 = arith.constant 15 : i32
        %dma_wait3A_340 = arith.constant 0 : i32
        %dma_wait3A_341 = tpu.memref_slice %arg13[%dma_wait3A_339, %dma_wait3A_340] : memref<16x128xi32, #tpu.memory_space<vmem>> -> memref<1x128xi32, #tpu.memory_space<vmem>>
        %dma_wait3A_342 = tpu.memref_squeeze %dma_wait3A_341 : memref<1x128xi32, #tpu.memory_space<vmem>> -> memref<128xi32, #tpu.memory_space<vmem>>
        %dma_wait3A_343 = arith.constant 0 : i32
        %dma_wait3A_344 = arith.constant 0 : i32
        %dma_wait3A_345 = tpu.memref_slice %arg18[%dma_wait3A_343, %dma_wait3A_344] : memref<10240x128xf32, #tpu.memory_space<vmem_shared>> -> memref<10240x128xf32, #tpu.memory_space<vmem_shared>>
        tpu.wait_indirect_dma semaphore(%arg23 : memref<!tpu.dma_semaphore, #tpu.memory_space<semaphore_mem>>) src(%arg15 : memref<128x128xf32, #tpu.memory_space<vmem>>) dst(%dma_wait3A_345 : memref<10240x128xf32, #tpu.memory_space<vmem_shared>>)
        %dma_wait3A_346 = arith.constant 15 : i32
        %dma_wait3A_347 = arith.constant 0 : i32
        %dma_wait3A_348 = tpu.memref_slice %arg13[%dma_wait3A_346, %dma_wait3A_347] : memref<16x128xi32, #tpu.memory_space<vmem>> -> memref<1x128xi32, #tpu.memory_space<vmem>>
        %dma_wait3A_349 = tpu.memref_squeeze %dma_wait3A_348 : memref<1x128xi32, #tpu.memory_space<vmem>> -> memref<128xi32, #tpu.memory_space<vmem>>
        %dma_wait3A_350 = arith.constant 0 : i32
        %dma_wait3A_351 = tpu.memref_slice %arg19[%dma_wait3A_350] : memref<10240xf32, #tpu.memory_space<vmem_shared>> -> memref<10240xf32, #tpu.memory_space<vmem_shared>>
        tpu.wait_indirect_dma semaphore(%arg23 : memref<!tpu.dma_semaphore, #tpu.memory_space<semaphore_mem>>) src(%arg16 : memref<128xf32, #tpu.memory_space<vmem>>) dst(%dma_wait3A_351 : memref<10240xf32, #tpu.memory_space<vmem_shared>>)
        %convert_element_type3A_352 = arith.extui %lt3A_264 : i1 to i32
        %cond3A_353 = arith.constant 0 : i32
        %cond3A_354 = arith.cmpi ne, %convert_element_type3A_352, %cond3A_353 : i32
        scf.if %cond3A_354 {
          %dma_start3A_358 = arith.constant 1 : i32
          %dma_start3A_359 = arith.constant 0 : i32
          %dma_start3A_360 = tpu.memref_slice %arg10[%dma_start3A_358, %dma_start3A_359] : memref<16x128xi32, #tpu.memory_space<vmem>> -> memref<1x128xi32, #tpu.memory_space<vmem>>
          %dma_start3A_361 = tpu.memref_squeeze %dma_start3A_360 : memref<1x128xi32, #tpu.memory_space<vmem>> -> memref<128xi32, #tpu.memory_space<vmem>>
          %dma_start3A_362 = arith.constant 0 : i32
          %dma_start3A_363 = arith.constant 0 : i32
          %dma_start3A_364 = tpu.memref_slice %arg2[%dma_start3A_362, %dma_start3A_363] : memref<10000x128xf32, #tpu.memory_space<hbm>> -> memref<10000x128xf32, #tpu.memory_space<hbm>>
          tpu.enqueue_indirect_dma source(%dma_start3A_364 : memref<10000x128xf32, #tpu.memory_space<hbm>>) target(%arg15 : memref<128x128xf32, #tpu.memory_space<vmem>>) offsets(%dma_start3A_361 : memref<128xi32, #tpu.memory_space<vmem>>) semaphore(%arg21 : memref<!tpu.dma_semaphore, #tpu.memory_space<semaphore_mem>>)
        } else {
        }
        %convert_element_type3A_355 = arith.extui %lt3A_268 : i1 to i32
        %cond3A_356 = arith.constant 0 : i32
        %cond3A_357 = arith.cmpi ne, %convert_element_type3A_355, %cond3A_356 : i32
        scf.if %cond3A_357 {
          %multiple_of3A_358 = tpu.assume_multiple %select_n3A_276, 8 : i32
          %dma_start3A_359 = arith.constant 0 : i32
          %dma_start3A_360 = arith.constant 0 : i32
          %dma_start3A_361 = tpu.memref_slice %arg4[%dma_start3A_359, %multiple_of3A_358, %dma_start3A_360] : memref<2x2560x128xi32, #tpu.memory_space<hbm>> -> memref<1x16x128xi32, #tpu.memory_space<hbm>>
          %dma_start3A_362 = tpu.memref_squeeze %dma_start3A_361 : memref<1x16x128xi32, #tpu.memory_space<hbm>> -> memref<16x128xi32, #tpu.memory_space<hbm>>
          %dma_start3A_363 = arith.constant 0 : i32
          %dma_start3A_364 = tpu.memref_slice %arg4[%dma_start3A_359, %multiple_of3A_358, %dma_start3A_363] : memref<2x2560x128xi32, #tpu.memory_space<hbm>> -> memref<1x16x128xi32, #tpu.memory_space<hbm>>
          %dma_start3A_365 = tpu.memref_squeeze %dma_start3A_364 : memref<1x16x128xi32, #tpu.memory_space<hbm>> -> memref<16x128xi32, #tpu.memory_space<hbm>>
          tpu.enqueue_dma source(%dma_start3A_365 : memref<16x128xi32, #tpu.memory_space<hbm>>) target(%arg12 : memref<16x128xi32, #tpu.memory_space<vmem>>) target_semaphore(%arg24 : memref<!tpu.dma_semaphore, #tpu.memory_space<semaphore_mem>>)
          %dma_start3A_366 = arith.constant 1 : i32
          %dma_start3A_367 = arith.constant 0 : i32
          %dma_start3A_368 = tpu.memref_slice %arg4[%dma_start3A_366, %multiple_of3A_358, %dma_start3A_367] : memref<2x2560x128xi32, #tpu.memory_space<hbm>> -> memref<1x16x128xi32, #tpu.memory_space<hbm>>
          %dma_start3A_369 = tpu.memref_squeeze %dma_start3A_368 : memref<1x16x128xi32, #tpu.memory_space<hbm>> -> memref<16x128xi32, #tpu.memory_space<hbm>>
          %dma_start3A_370 = arith.constant 0 : i32
          %dma_start3A_371 = tpu.memref_slice %arg4[%dma_start3A_366, %multiple_of3A_358, %dma_start3A_370] : memref<2x2560x128xi32, #tpu.memory_space<hbm>> -> memref<1x16x128xi32, #tpu.memory_space<hbm>>
          %dma_start3A_372 = tpu.memref_squeeze %dma_start3A_371 : memref<1x16x128xi32, #tpu.memory_space<hbm>> -> memref<16x128xi32, #tpu.memory_space<hbm>>
          tpu.enqueue_dma source(%dma_start3A_372 : memref<16x128xi32, #tpu.memory_space<hbm>>) target(%arg13 : memref<16x128xi32, #tpu.memory_space<vmem>>) target_semaphore(%arg24 : memref<!tpu.dma_semaphore, #tpu.memory_space<semaphore_mem>>)
        } else {
        }
      }
      %scan3A_134 = arith.constant 5 : i32
    } else {
    }
    %eq3A_79 = arith.constant 1 : i32
    %eq3A_80 = arith.cmpi eq, %arg0, %eq3A_79 : i32
    %convert_element_type3A_81 = arith.extui %eq3A_80 : i1 to i32
    %cond3A_82 = arith.constant 0 : i32
    %cond3A_83 = arith.cmpi ne, %convert_element_type3A_81, %cond3A_82 : i32
    scf.if %cond3A_83 {
      %mul3A_97 = arith.constant 160 : i32
      %mul3A_98 = arith.muli %arg1, %mul3A_97 : i32
      %run_scoped3A = arith.constant 0 : i32
      "tpu.region"() ({
        %run_scoped3A_135 = tpu.sem_alloc : memref<!tpu.dma_semaphore, #tpu.memory_space<semaphore_mem>>
        %dma_start3A_136 = arith.constant 0 : i32
        %dma_start3A_137 = tpu.memref_slice %arg5[%run_scoped3A, %mul3A_98, %dma_start3A_136] : memref<2x2560x128xi32, #tpu.memory_space<hbm>> -> memref<1x16x128xi32, #tpu.memory_space<hbm>>
        %dma_start3A_138 = tpu.memref_squeeze %dma_start3A_137 : memref<1x16x128xi32, #tpu.memory_space<hbm>> -> memref<16x128xi32, #tpu.memory_space<hbm>>
        %dma_start3A_139 = arith.constant 0 : i32
        %dma_start3A_140 = tpu.memref_slice %arg5[%run_scoped3A, %mul3A_98, %dma_start3A_139] : memref<2x2560x128xi32, #tpu.memory_space<hbm>> -> memref<1x16x128xi32, #tpu.memory_space<hbm>>
        %dma_start3A_141 = tpu.memref_squeeze %dma_start3A_140 : memref<1x16x128xi32, #tpu.memory_space<hbm>> -> memref<16x128xi32, #tpu.memory_space<hbm>>
        tpu.enqueue_dma source(%dma_start3A_141 : memref<16x128xi32, #tpu.memory_space<hbm>>) target(%arg10 : memref<16x128xi32, #tpu.memory_space<vmem>>) target_semaphore(%run_scoped3A_135 : memref<!tpu.dma_semaphore, #tpu.memory_space<semaphore_mem>>)
        %dma_wait3A = arith.constant 0 : i32
        %dma_wait3A_142 = tpu.memref_slice %arg5[%run_scoped3A, %mul3A_98, %dma_wait3A] : memref<2x2560x128xi32, #tpu.memory_space<hbm>> -> memref<1x16x128xi32, #tpu.memory_space<hbm>>
        %dma_wait3A_143 = tpu.memref_squeeze %dma_wait3A_142 : memref<1x16x128xi32, #tpu.memory_space<hbm>> -> memref<16x128xi32, #tpu.memory_space<hbm>>
        %dma_wait3A_144 = arith.constant 0 : i32
        %dma_wait3A_145 = tpu.memref_slice %arg5[%run_scoped3A, %mul3A_98, %dma_wait3A_144] : memref<2x2560x128xi32, #tpu.memory_space<hbm>> -> memref<1x16x128xi32, #tpu.memory_space<hbm>>
        %dma_wait3A_146 = tpu.memref_squeeze %dma_wait3A_145 : memref<1x16x128xi32, #tpu.memory_space<hbm>> -> memref<16x128xi32, #tpu.memory_space<hbm>>
        tpu.wait_dma2 semaphore(%run_scoped3A_135 : memref<!tpu.dma_semaphore, #tpu.memory_space<semaphore_mem>>) src(%dma_wait3A_146 : memref<16x128xi32, #tpu.memory_space<hbm>>) dst(%arg10 : memref<16x128xi32, #tpu.memory_space<vmem>>)
        tpu.yield
      }) : () -> ()
      %run_scoped3A_99 = arith.constant 1 : i32
      "tpu.region"() ({
        %run_scoped3A_135 = tpu.sem_alloc : memref<!tpu.dma_semaphore, #tpu.memory_space<semaphore_mem>>
        %dma_start3A_136 = arith.constant 0 : i32
        %dma_start3A_137 = tpu.memref_slice %arg5[%run_scoped3A_99, %mul3A_98, %dma_start3A_136] : memref<2x2560x128xi32, #tpu.memory_space<hbm>> -> memref<1x16x128xi32, #tpu.memory_space<hbm>>
        %dma_start3A_138 = tpu.memref_squeeze %dma_start3A_137 : memref<1x16x128xi32, #tpu.memory_space<hbm>> -> memref<16x128xi32, #tpu.memory_space<hbm>>
        %dma_start3A_139 = arith.constant 0 : i32
        %dma_start3A_140 = tpu.memref_slice %arg5[%run_scoped3A_99, %mul3A_98, %dma_start3A_139] : memref<2x2560x128xi32, #tpu.memory_space<hbm>> -> memref<1x16x128xi32, #tpu.memory_space<hbm>>
        %dma_start3A_141 = tpu.memref_squeeze %dma_start3A_140 : memref<1x16x128xi32, #tpu.memory_space<hbm>> -> memref<16x128xi32, #tpu.memory_space<hbm>>
        tpu.enqueue_dma source(%dma_start3A_141 : memref<16x128xi32, #tpu.memory_space<hbm>>) target(%arg11 : memref<16x128xi32, #tpu.memory_space<vmem>>) target_semaphore(%run_scoped3A_135 : memref<!tpu.dma_semaphore, #tpu.memory_space<semaphore_mem>>)
        %dma_wait3A = arith.constant 0 : i32
        %dma_wait3A_142 = tpu.memref_slice %arg5[%run_scoped3A_99, %mul3A_98, %dma_wait3A] : memref<2x2560x128xi32, #tpu.memory_space<hbm>> -> memref<1x16x128xi32, #tpu.memory_space<hbm>>
        %dma_wait3A_143 = tpu.memref_squeeze %dma_wait3A_142 : memref<1x16x128xi32, #tpu.memory_space<hbm>> -> memref<16x128xi32, #tpu.memory_space<hbm>>
        %dma_wait3A_144 = arith.constant 0 : i32
        %dma_wait3A_145 = tpu.memref_slice %arg5[%run_scoped3A_99, %mul3A_98, %dma_wait3A_144] : memref<2x2560x128xi32, #tpu.memory_space<hbm>> -> memref<1x16x128xi32, #tpu.memory_space<hbm>>
        %dma_wait3A_146 = tpu.memref_squeeze %dma_wait3A_145 : memref<1x16x128xi32, #tpu.memory_space<hbm>> -> memref<16x128xi32, #tpu.memory_space<hbm>>
        tpu.wait_dma2 semaphore(%run_scoped3A_135 : memref<!tpu.dma_semaphore, #tpu.memory_space<semaphore_mem>>) src(%dma_wait3A_146 : memref<16x128xi32, #tpu.memory_space<hbm>>) dst(%arg11 : memref<16x128xi32, #tpu.memory_space<vmem>>)
        tpu.yield
      }) : () -> ()
      %add3A_100 = arith.constant 16 : i32
      %add3A_101 = arith.addi %mul3A_98, %add3A_100 : i32
      %multiple_of3A = tpu.assume_multiple %add3A_101, 8 : i32
      %dma_start3A = arith.constant 0 : i32
      %dma_start3A_102 = arith.constant 0 : i32
      %dma_start3A_103 = tpu.memref_slice %arg5[%dma_start3A, %multiple_of3A, %dma_start3A_102] : memref<2x2560x128xi32, #tpu.memory_space<hbm>> -> memref<1x16x128xi32, #tpu.memory_space<hbm>>
      %dma_start3A_104 = tpu.memref_squeeze %dma_start3A_103 : memref<1x16x128xi32, #tpu.memory_space<hbm>> -> memref<16x128xi32, #tpu.memory_space<hbm>>
      %dma_start3A_105 = arith.constant 0 : i32
      %dma_start3A_106 = tpu.memref_slice %arg5[%dma_start3A, %multiple_of3A, %dma_start3A_105] : memref<2x2560x128xi32, #tpu.memory_space<hbm>> -> memref<1x16x128xi32, #tpu.memory_space<hbm>>
      %dma_start3A_107 = tpu.memref_squeeze %dma_start3A_106 : memref<1x16x128xi32, #tpu.memory_space<hbm>> -> memref<16x128xi32, #tpu.memory_space<hbm>>
      tpu.enqueue_dma source(%dma_start3A_107 : memref<16x128xi32, #tpu.memory_space<hbm>>) target(%arg12 : memref<16x128xi32, #tpu.memory_space<vmem>>) target_semaphore(%arg24 : memref<!tpu.dma_semaphore, #tpu.memory_space<semaphore_mem>>)
      %dma_start3A_108 = arith.constant 1 : i32
      %dma_start3A_109 = arith.constant 0 : i32
      %dma_start3A_110 = tpu.memref_slice %arg5[%dma_start3A_108, %multiple_of3A, %dma_start3A_109] : memref<2x2560x128xi32, #tpu.memory_space<hbm>> -> memref<1x16x128xi32, #tpu.memory_space<hbm>>
      %dma_start3A_111 = tpu.memref_squeeze %dma_start3A_110 : memref<1x16x128xi32, #tpu.memory_space<hbm>> -> memref<16x128xi32, #tpu.memory_space<hbm>>
      %dma_start3A_112 = arith.constant 0 : i32
      %dma_start3A_113 = tpu.memref_slice %arg5[%dma_start3A_108, %multiple_of3A, %dma_start3A_112] : memref<2x2560x128xi32, #tpu.memory_space<hbm>> -> memref<1x16x128xi32, #tpu.memory_space<hbm>>
      %dma_start3A_114 = tpu.memref_squeeze %dma_start3A_113 : memref<1x16x128xi32, #tpu.memory_space<hbm>> -> memref<16x128xi32, #tpu.memory_space<hbm>>
      tpu.enqueue_dma source(%dma_start3A_114 : memref<16x128xi32, #tpu.memory_space<hbm>>) target(%arg13 : memref<16x128xi32, #tpu.memory_space<vmem>>) target_semaphore(%arg24 : memref<!tpu.dma_semaphore, #tpu.memory_space<semaphore_mem>>)
      %dma_start3A_115 = arith.constant 0 : i32
      %dma_start3A_116 = arith.constant 0 : i32
      %dma_start3A_117 = tpu.memref_slice %arg10[%dma_start3A_115, %dma_start3A_116] : memref<16x128xi32, #tpu.memory_space<vmem>> -> memref<1x128xi32, #tpu.memory_space<vmem>>
      %dma_start3A_118 = tpu.memref_squeeze %dma_start3A_117 : memref<1x128xi32, #tpu.memory_space<vmem>> -> memref<128xi32, #tpu.memory_space<vmem>>
      %dma_start3A_119 = arith.constant 0 : i32
      %dma_start3A_120 = arith.constant 0 : i32
      %dma_start3A_121 = tpu.memref_slice %arg3[%dma_start3A_119, %dma_start3A_120] : memref<10000x128xf32, #tpu.memory_space<hbm>> -> memref<10000x128xf32, #tpu.memory_space<hbm>>
      tpu.enqueue_indirect_dma source(%dma_start3A_121 : memref<10000x128xf32, #tpu.memory_space<hbm>>) target(%arg14 : memref<128x128xf32, #tpu.memory_space<vmem>>) offsets(%dma_start3A_118 : memref<128xi32, #tpu.memory_space<vmem>>) semaphore(%arg20 : memref<!tpu.dma_semaphore, #tpu.memory_space<semaphore_mem>>)
      %dma_start3A_122 = arith.constant 1 : i32
      %dma_start3A_123 = arith.constant 0 : i32
      %dma_start3A_124 = tpu.memref_slice %arg10[%dma_start3A_122, %dma_start3A_123] : memref<16x128xi32, #tpu.memory_space<vmem>> -> memref<1x128xi32, #tpu.memory_space<vmem>>
      %dma_start3A_125 = tpu.memref_squeeze %dma_start3A_124 : memref<1x128xi32, #tpu.memory_space<vmem>> -> memref<128xi32, #tpu.memory_space<vmem>>
      %dma_start3A_126 = arith.constant 0 : i32
      %dma_start3A_127 = arith.constant 0 : i32
      %dma_start3A_128 = tpu.memref_slice %arg3[%dma_start3A_126, %dma_start3A_127] : memref<10000x128xf32, #tpu.memory_space<hbm>> -> memref<10000x128xf32, #tpu.memory_space<hbm>>
      tpu.enqueue_indirect_dma source(%dma_start3A_128 : memref<10000x128xf32, #tpu.memory_space<hbm>>) target(%arg15 : memref<128x128xf32, #tpu.memory_space<vmem>>) offsets(%dma_start3A_125 : memref<128xi32, #tpu.memory_space<vmem>>) semaphore(%arg21 : memref<!tpu.dma_semaphore, #tpu.memory_space<semaphore_mem>>)
      %scan3A_129 = arith.constant 0 : i32
      %scan3A_130 = arith.constant 0 : i32
      %scan3A_131 = arith.constant 5 : i32
      %scan3A_132 = arith.addi %scan3A_130, %scan3A_131 : i32
      %scan3A_133 = arith.constant 1 : i32
      scf.for %scan3A_135 = %scan3A_130 to %scan3A_132 step %scan3A_133  : i32 {
        %mul3A_136 = arith.constant 2 : i32
        %mul3A_137 = arith.muli %mul3A_136, %scan3A_135 : i32
        %mul3A_138 = arith.constant 16 : i32
        %mul3A_139 = arith.muli %mul3A_137, %mul3A_138 : i32
        %add3A_140 = arith.addi %mul3A_98, %mul3A_139 : i32
        %add3A_141 = arith.constant 16 : i32
        %add3A_142 = arith.addi %add3A_140, %add3A_141 : i32
        %add3A_143 = arith.constant 2 : i32
        %add3A_144 = arith.addi %mul3A_137, %add3A_143 : i32
        %lt3A = arith.constant 10 : i32
        %lt3A_145 = arith.cmpi slt, %add3A_144, %lt3A : i32
        %add3A_146 = arith.constant 2 : i32
        %add3A_147 = arith.addi %mul3A_137, %add3A_146 : i32
        %lt3A_148 = arith.constant 10 : i32
        %lt3A_149 = arith.cmpi slt, %add3A_147, %lt3A_148 : i32
        %add3A_150 = arith.constant 32 : i32
        %add3A_151 = arith.addi %add3A_140, %add3A_150 : i32
        %jit3A = arith.constant 0 : i32
        %select_n3A = arith.select %lt3A_149, %add3A_151, %jit3A : i32
        %scan3A_152 = arith.constant 0 : i32
        %scan3A_153 = arith.constant 0 : i32
        %scan3A_154 = arith.constant 7 : i32
        %scan3A_155 = arith.addi %scan3A_153, %scan3A_154 : i32
        %scan3A_156 = arith.constant 1 : i32
        scf.for %scan3A_358 = %scan3A_153 to %scan3A_155 step %scan3A_156  : i32 {
          %mul3A_359 = arith.constant 2 : i32
          %mul3A_360 = arith.muli %mul3A_359, %scan3A_358 : i32
          %mul3A_361 = arith.constant 2 : i32
          %mul3A_362 = arith.muli %mul3A_361, %scan3A_358 : i32
          %add3A_363 = arith.constant 1 : i32
          %add3A_364 = arith.addi %mul3A_362, %add3A_363 : i32
          %dma_wait3A_365 = arith.constant 0 : i32
          %dma_wait3A_366 = tpu.memref_slice %arg10[%mul3A_360, %dma_wait3A_365] : memref<16x128xi32, #tpu.memory_space<vmem>> -> memref<1x128xi32, #tpu.memory_space<vmem>>
          %dma_wait3A_367 = tpu.memref_squeeze %dma_wait3A_366 : memref<1x128xi32, #tpu.memory_space<vmem>> -> memref<128xi32, #tpu.memory_space<vmem>>
          %dma_wait3A_368 = arith.constant 0 : i32
          %dma_wait3A_369 = arith.constant 0 : i32
          %dma_wait3A_370 = tpu.memref_slice %arg3[%dma_wait3A_368, %dma_wait3A_369] : memref<10000x128xf32, #tpu.memory_space<hbm>> -> memref<10000x128xf32, #tpu.memory_space<hbm>>
          tpu.wait_indirect_dma semaphore(%arg20 : memref<!tpu.dma_semaphore, #tpu.memory_space<semaphore_mem>>) src(%dma_wait3A_370 : memref<10000x128xf32, #tpu.memory_space<hbm>>) dst(%arg14 : memref<128x128xf32, #tpu.memory_space<vmem>>)
          %dma_start3A_371 = arith.constant 0 : i32
          %dma_start3A_372 = tpu.memref_slice %arg11[%mul3A_360, %dma_start3A_371] : memref<16x128xi32, #tpu.memory_space<vmem>> -> memref<1x128xi32, #tpu.memory_space<vmem>>
          %dma_start3A_373 = tpu.memref_squeeze %dma_start3A_372 : memref<1x128xi32, #tpu.memory_space<vmem>> -> memref<128xi32, #tpu.memory_space<vmem>>
          %dma_start3A_374 = arith.constant 0 : i32
          %dma_start3A_375 = arith.constant 0 : i32
          %dma_start3A_376 = tpu.memref_slice %arg18[%dma_start3A_374, %dma_start3A_375] : memref<10240x128xf32, #tpu.memory_space<vmem_shared>> -> memref<10240x128xf32, #tpu.memory_space<vmem_shared>>
          tpu.enqueue_indirect_dma source(%arg14 : memref<128x128xf32, #tpu.memory_space<vmem>>) target(%dma_start3A_376 : memref<10240x128xf32, #tpu.memory_space<vmem_shared>>) offsets(%dma_start3A_373 : memref<128xi32, #tpu.memory_space<vmem>>) semaphore(%arg22 : memref<!tpu.dma_semaphore, #tpu.memory_space<semaphore_mem>>) {add = true}
          %dma_start3A_377 = arith.constant 0 : i32
          %dma_start3A_378 = tpu.memref_slice %arg11[%mul3A_360, %dma_start3A_377] : memref<16x128xi32, #tpu.memory_space<vmem>> -> memref<1x128xi32, #tpu.memory_space<vmem>>
          %dma_start3A_379 = tpu.memref_squeeze %dma_start3A_378 : memref<1x128xi32, #tpu.memory_space<vmem>> -> memref<128xi32, #tpu.memory_space<vmem>>
          %dma_start3A_380 = arith.constant 0 : i32
          %dma_start3A_381 = tpu.memref_slice %arg19[%dma_start3A_380] : memref<10240xf32, #tpu.memory_space<vmem_shared>> -> memref<10240xf32, #tpu.memory_space<vmem_shared>>
          tpu.enqueue_indirect_dma source(%arg16 : memref<128xf32, #tpu.memory_space<vmem>>) target(%dma_start3A_381 : memref<10240xf32, #tpu.memory_space<vmem_shared>>) offsets(%dma_start3A_379 : memref<128xi32, #tpu.memory_space<vmem>>) semaphore(%arg22 : memref<!tpu.dma_semaphore, #tpu.memory_space<semaphore_mem>>) {add = true}
          %dma_wait3A_382 = arith.constant 0 : i32
          %dma_wait3A_383 = tpu.memref_slice %arg10[%add3A_364, %dma_wait3A_382] : memref<16x128xi32, #tpu.memory_space<vmem>> -> memref<1x128xi32, #tpu.memory_space<vmem>>
          %dma_wait3A_384 = tpu.memref_squeeze %dma_wait3A_383 : memref<1x128xi32, #tpu.memory_space<vmem>> -> memref<128xi32, #tpu.memory_space<vmem>>
          %dma_wait3A_385 = arith.constant 0 : i32
          %dma_wait3A_386 = arith.constant 0 : i32
          %dma_wait3A_387 = tpu.memref_slice %arg3[%dma_wait3A_385, %dma_wait3A_386] : memref<10000x128xf32, #tpu.memory_space<hbm>> -> memref<10000x128xf32, #tpu.memory_space<hbm>>
          tpu.wait_indirect_dma semaphore(%arg21 : memref<!tpu.dma_semaphore, #tpu.memory_space<semaphore_mem>>) src(%dma_wait3A_387 : memref<10000x128xf32, #tpu.memory_space<hbm>>) dst(%arg15 : memref<128x128xf32, #tpu.memory_space<vmem>>)
          %dma_wait3A_388 = arith.constant 0 : i32
          %dma_wait3A_389 = tpu.memref_slice %arg11[%mul3A_360, %dma_wait3A_388] : memref<16x128xi32, #tpu.memory_space<vmem>> -> memref<1x128xi32, #tpu.memory_space<vmem>>
          %dma_wait3A_390 = tpu.memref_squeeze %dma_wait3A_389 : memref<1x128xi32, #tpu.memory_space<vmem>> -> memref<128xi32, #tpu.memory_space<vmem>>
          %dma_wait3A_391 = arith.constant 0 : i32
          %dma_wait3A_392 = arith.constant 0 : i32
          %dma_wait3A_393 = tpu.memref_slice %arg18[%dma_wait3A_391, %dma_wait3A_392] : memref<10240x128xf32, #tpu.memory_space<vmem_shared>> -> memref<10240x128xf32, #tpu.memory_space<vmem_shared>>
          tpu.wait_indirect_dma semaphore(%arg22 : memref<!tpu.dma_semaphore, #tpu.memory_space<semaphore_mem>>) src(%arg14 : memref<128x128xf32, #tpu.memory_space<vmem>>) dst(%dma_wait3A_393 : memref<10240x128xf32, #tpu.memory_space<vmem_shared>>)
          %dma_wait3A_394 = arith.constant 0 : i32
          %dma_wait3A_395 = tpu.memref_slice %arg11[%mul3A_360, %dma_wait3A_394] : memref<16x128xi32, #tpu.memory_space<vmem>> -> memref<1x128xi32, #tpu.memory_space<vmem>>
          %dma_wait3A_396 = tpu.memref_squeeze %dma_wait3A_395 : memref<1x128xi32, #tpu.memory_space<vmem>> -> memref<128xi32, #tpu.memory_space<vmem>>
          %dma_wait3A_397 = arith.constant 0 : i32
          %dma_wait3A_398 = tpu.memref_slice %arg19[%dma_wait3A_397] : memref<10240xf32, #tpu.memory_space<vmem_shared>> -> memref<10240xf32, #tpu.memory_space<vmem_shared>>
          tpu.wait_indirect_dma semaphore(%arg22 : memref<!tpu.dma_semaphore, #tpu.memory_space<semaphore_mem>>) src(%arg16 : memref<128xf32, #tpu.memory_space<vmem>>) dst(%dma_wait3A_398 : memref<10240xf32, #tpu.memory_space<vmem_shared>>)
          %add3A_399 = arith.constant 2 : i32
          %add3A_400 = arith.addi %mul3A_360, %add3A_399 : i32
          %dma_start3A_401 = arith.constant 0 : i32
          %dma_start3A_402 = tpu.memref_slice %arg10[%add3A_400, %dma_start3A_401] : memref<16x128xi32, #tpu.memory_space<vmem>> -> memref<1x128xi32, #tpu.memory_space<vmem>>
          %dma_start3A_403 = tpu.memref_squeeze %dma_start3A_402 : memref<1x128xi32, #tpu.memory_space<vmem>> -> memref<128xi32, #tpu.memory_space<vmem>>
          %dma_start3A_404 = arith.constant 0 : i32
          %dma_start3A_405 = arith.constant 0 : i32
          %dma_start3A_406 = tpu.memref_slice %arg3[%dma_start3A_404, %dma_start3A_405] : memref<10000x128xf32, #tpu.memory_space<hbm>> -> memref<10000x128xf32, #tpu.memory_space<hbm>>
          tpu.enqueue_indirect_dma source(%dma_start3A_406 : memref<10000x128xf32, #tpu.memory_space<hbm>>) target(%arg14 : memref<128x128xf32, #tpu.memory_space<vmem>>) offsets(%dma_start3A_403 : memref<128xi32, #tpu.memory_space<vmem>>) semaphore(%arg20 : memref<!tpu.dma_semaphore, #tpu.memory_space<semaphore_mem>>)
          %dma_start3A_407 = arith.constant 0 : i32
          %dma_start3A_408 = tpu.memref_slice %arg11[%add3A_364, %dma_start3A_407] : memref<16x128xi32, #tpu.memory_space<vmem>> -> memref<1x128xi32, #tpu.memory_space<vmem>>
          %dma_start3A_409 = tpu.memref_squeeze %dma_start3A_408 : memref<1x128xi32, #tpu.memory_space<vmem>> -> memref<128xi32, #tpu.memory_space<vmem>>
          %dma_start3A_410 = arith.constant 0 : i32
          %dma_start3A_411 = arith.constant 0 : i32
          %dma_start3A_412 = tpu.memref_slice %arg18[%dma_start3A_410, %dma_start3A_411] : memref<10240x128xf32, #tpu.memory_space<vmem_shared>> -> memref<10240x128xf32, #tpu.memory_space<vmem_shared>>
          tpu.enqueue_indirect_dma source(%arg15 : memref<128x128xf32, #tpu.memory_space<vmem>>) target(%dma_start3A_412 : memref<10240x128xf32, #tpu.memory_space<vmem_shared>>) offsets(%dma_start3A_409 : memref<128xi32, #tpu.memory_space<vmem>>) semaphore(%arg23 : memref<!tpu.dma_semaphore, #tpu.memory_space<semaphore_mem>>) {add = true}
          %dma_start3A_413 = arith.constant 0 : i32
          %dma_start3A_414 = tpu.memref_slice %arg11[%add3A_364, %dma_start3A_413] : memref<16x128xi32, #tpu.memory_space<vmem>> -> memref<1x128xi32, #tpu.memory_space<vmem>>
          %dma_start3A_415 = tpu.memref_squeeze %dma_start3A_414 : memref<1x128xi32, #tpu.memory_space<vmem>> -> memref<128xi32, #tpu.memory_space<vmem>>
          %dma_start3A_416 = arith.constant 0 : i32
          %dma_start3A_417 = tpu.memref_slice %arg19[%dma_start3A_416] : memref<10240xf32, #tpu.memory_space<vmem_shared>> -> memref<10240xf32, #tpu.memory_space<vmem_shared>>
          tpu.enqueue_indirect_dma source(%arg16 : memref<128xf32, #tpu.memory_space<vmem>>) target(%dma_start3A_417 : memref<10240xf32, #tpu.memory_space<vmem_shared>>) offsets(%dma_start3A_415 : memref<128xi32, #tpu.memory_space<vmem>>) semaphore(%arg23 : memref<!tpu.dma_semaphore, #tpu.memory_space<semaphore_mem>>) {add = true}
          %dma_wait3A_418 = arith.constant 0 : i32
          %dma_wait3A_419 = tpu.memref_slice %arg11[%add3A_364, %dma_wait3A_418] : memref<16x128xi32, #tpu.memory_space<vmem>> -> memref<1x128xi32, #tpu.memory_space<vmem>>
          %dma_wait3A_420 = tpu.memref_squeeze %dma_wait3A_419 : memref<1x128xi32, #tpu.memory_space<vmem>> -> memref<128xi32, #tpu.memory_space<vmem>>
          %dma_wait3A_421 = arith.constant 0 : i32
          %dma_wait3A_422 = arith.constant 0 : i32
          %dma_wait3A_423 = tpu.memref_slice %arg18[%dma_wait3A_421, %dma_wait3A_422] : memref<10240x128xf32, #tpu.memory_space<vmem_shared>> -> memref<10240x128xf32, #tpu.memory_space<vmem_shared>>
          tpu.wait_indirect_dma semaphore(%arg23 : memref<!tpu.dma_semaphore, #tpu.memory_space<semaphore_mem>>) src(%arg15 : memref<128x128xf32, #tpu.memory_space<vmem>>) dst(%dma_wait3A_423 : memref<10240x128xf32, #tpu.memory_space<vmem_shared>>)
          %dma_wait3A_424 = arith.constant 0 : i32
          %dma_wait3A_425 = tpu.memref_slice %arg11[%add3A_364, %dma_wait3A_424] : memref<16x128xi32, #tpu.memory_space<vmem>> -> memref<1x128xi32, #tpu.memory_space<vmem>>
          %dma_wait3A_426 = tpu.memref_squeeze %dma_wait3A_425 : memref<1x128xi32, #tpu.memory_space<vmem>> -> memref<128xi32, #tpu.memory_space<vmem>>
          %dma_wait3A_427 = arith.constant 0 : i32
          %dma_wait3A_428 = tpu.memref_slice %arg19[%dma_wait3A_427] : memref<10240xf32, #tpu.memory_space<vmem_shared>> -> memref<10240xf32, #tpu.memory_space<vmem_shared>>
          tpu.wait_indirect_dma semaphore(%arg23 : memref<!tpu.dma_semaphore, #tpu.memory_space<semaphore_mem>>) src(%arg16 : memref<128xf32, #tpu.memory_space<vmem>>) dst(%dma_wait3A_428 : memref<10240xf32, #tpu.memory_space<vmem_shared>>)
          %add3A_429 = arith.constant 2 : i32
          %add3A_430 = arith.addi %add3A_364, %add3A_429 : i32
          %dma_start3A_431 = arith.constant 0 : i32
          %dma_start3A_432 = tpu.memref_slice %arg10[%add3A_430, %dma_start3A_431] : memref<16x128xi32, #tpu.memory_space<vmem>> -> memref<1x128xi32, #tpu.memory_space<vmem>>
          %dma_start3A_433 = tpu.memref_squeeze %dma_start3A_432 : memref<1x128xi32, #tpu.memory_space<vmem>> -> memref<128xi32, #tpu.memory_space<vmem>>
          %dma_start3A_434 = arith.constant 0 : i32
          %dma_start3A_435 = arith.constant 0 : i32
          %dma_start3A_436 = tpu.memref_slice %arg3[%dma_start3A_434, %dma_start3A_435] : memref<10000x128xf32, #tpu.memory_space<hbm>> -> memref<10000x128xf32, #tpu.memory_space<hbm>>
          tpu.enqueue_indirect_dma source(%dma_start3A_436 : memref<10000x128xf32, #tpu.memory_space<hbm>>) target(%arg15 : memref<128x128xf32, #tpu.memory_space<vmem>>) offsets(%dma_start3A_433 : memref<128xi32, #tpu.memory_space<vmem>>) semaphore(%arg21 : memref<!tpu.dma_semaphore, #tpu.memory_space<semaphore_mem>>)
        }
        %scan3A_157 = arith.constant 7 : i32
        %dma_wait3A = arith.constant 14 : i32
        %dma_wait3A_158 = arith.constant 0 : i32
        %dma_wait3A_159 = tpu.memref_slice %arg10[%dma_wait3A, %dma_wait3A_158] : memref<16x128xi32, #tpu.memory_space<vmem>> -> memref<1x128xi32, #tpu.memory_space<vmem>>
        %dma_wait3A_160 = tpu.memref_squeeze %dma_wait3A_159 : memref<1x128xi32, #tpu.memory_space<vmem>> -> memref<128xi32, #tpu.memory_space<vmem>>
        %dma_wait3A_161 = arith.constant 0 : i32
        %dma_wait3A_162 = arith.constant 0 : i32
        %dma_wait3A_163 = tpu.memref_slice %arg3[%dma_wait3A_161, %dma_wait3A_162] : memref<10000x128xf32, #tpu.memory_space<hbm>> -> memref<10000x128xf32, #tpu.memory_space<hbm>>
        tpu.wait_indirect_dma semaphore(%arg20 : memref<!tpu.dma_semaphore, #tpu.memory_space<semaphore_mem>>) src(%dma_wait3A_163 : memref<10000x128xf32, #tpu.memory_space<hbm>>) dst(%arg14 : memref<128x128xf32, #tpu.memory_space<vmem>>)
        %dma_start3A_164 = arith.constant 14 : i32
        %dma_start3A_165 = arith.constant 0 : i32
        %dma_start3A_166 = tpu.memref_slice %arg11[%dma_start3A_164, %dma_start3A_165] : memref<16x128xi32, #tpu.memory_space<vmem>> -> memref<1x128xi32, #tpu.memory_space<vmem>>
        %dma_start3A_167 = tpu.memref_squeeze %dma_start3A_166 : memref<1x128xi32, #tpu.memory_space<vmem>> -> memref<128xi32, #tpu.memory_space<vmem>>
        %dma_start3A_168 = arith.constant 0 : i32
        %dma_start3A_169 = arith.constant 0 : i32
        %dma_start3A_170 = tpu.memref_slice %arg18[%dma_start3A_168, %dma_start3A_169] : memref<10240x128xf32, #tpu.memory_space<vmem_shared>> -> memref<10240x128xf32, #tpu.memory_space<vmem_shared>>
        tpu.enqueue_indirect_dma source(%arg14 : memref<128x128xf32, #tpu.memory_space<vmem>>) target(%dma_start3A_170 : memref<10240x128xf32, #tpu.memory_space<vmem_shared>>) offsets(%dma_start3A_167 : memref<128xi32, #tpu.memory_space<vmem>>) semaphore(%arg22 : memref<!tpu.dma_semaphore, #tpu.memory_space<semaphore_mem>>) {add = true}
        %dma_start3A_171 = arith.constant 14 : i32
        %dma_start3A_172 = arith.constant 0 : i32
        %dma_start3A_173 = tpu.memref_slice %arg11[%dma_start3A_171, %dma_start3A_172] : memref<16x128xi32, #tpu.memory_space<vmem>> -> memref<1x128xi32, #tpu.memory_space<vmem>>
        %dma_start3A_174 = tpu.memref_squeeze %dma_start3A_173 : memref<1x128xi32, #tpu.memory_space<vmem>> -> memref<128xi32, #tpu.memory_space<vmem>>
        %dma_start3A_175 = arith.constant 0 : i32
        %dma_start3A_176 = tpu.memref_slice %arg19[%dma_start3A_175] : memref<10240xf32, #tpu.memory_space<vmem_shared>> -> memref<10240xf32, #tpu.memory_space<vmem_shared>>
        tpu.enqueue_indirect_dma source(%arg16 : memref<128xf32, #tpu.memory_space<vmem>>) target(%dma_start3A_176 : memref<10240xf32, #tpu.memory_space<vmem_shared>>) offsets(%dma_start3A_174 : memref<128xi32, #tpu.memory_space<vmem>>) semaphore(%arg22 : memref<!tpu.dma_semaphore, #tpu.memory_space<semaphore_mem>>) {add = true}
        %dma_wait3A_177 = arith.constant 15 : i32
        %dma_wait3A_178 = arith.constant 0 : i32
        %dma_wait3A_179 = tpu.memref_slice %arg10[%dma_wait3A_177, %dma_wait3A_178] : memref<16x128xi32, #tpu.memory_space<vmem>> -> memref<1x128xi32, #tpu.memory_space<vmem>>
        %dma_wait3A_180 = tpu.memref_squeeze %dma_wait3A_179 : memref<1x128xi32, #tpu.memory_space<vmem>> -> memref<128xi32, #tpu.memory_space<vmem>>
        %dma_wait3A_181 = arith.constant 0 : i32
        %dma_wait3A_182 = arith.constant 0 : i32
        %dma_wait3A_183 = tpu.memref_slice %arg3[%dma_wait3A_181, %dma_wait3A_182] : memref<10000x128xf32, #tpu.memory_space<hbm>> -> memref<10000x128xf32, #tpu.memory_space<hbm>>
        tpu.wait_indirect_dma semaphore(%arg21 : memref<!tpu.dma_semaphore, #tpu.memory_space<semaphore_mem>>) src(%dma_wait3A_183 : memref<10000x128xf32, #tpu.memory_space<hbm>>) dst(%arg15 : memref<128x128xf32, #tpu.memory_space<vmem>>)
        %dma_wait3A_184 = arith.constant 14 : i32
        %dma_wait3A_185 = arith.constant 0 : i32
        %dma_wait3A_186 = tpu.memref_slice %arg11[%dma_wait3A_184, %dma_wait3A_185] : memref<16x128xi32, #tpu.memory_space<vmem>> -> memref<1x128xi32, #tpu.memory_space<vmem>>
        %dma_wait3A_187 = tpu.memref_squeeze %dma_wait3A_186 : memref<1x128xi32, #tpu.memory_space<vmem>> -> memref<128xi32, #tpu.memory_space<vmem>>
        %dma_wait3A_188 = arith.constant 0 : i32
        %dma_wait3A_189 = arith.constant 0 : i32
        %dma_wait3A_190 = tpu.memref_slice %arg18[%dma_wait3A_188, %dma_wait3A_189] : memref<10240x128xf32, #tpu.memory_space<vmem_shared>> -> memref<10240x128xf32, #tpu.memory_space<vmem_shared>>
        tpu.wait_indirect_dma semaphore(%arg22 : memref<!tpu.dma_semaphore, #tpu.memory_space<semaphore_mem>>) src(%arg14 : memref<128x128xf32, #tpu.memory_space<vmem>>) dst(%dma_wait3A_190 : memref<10240x128xf32, #tpu.memory_space<vmem_shared>>)
        %dma_wait3A_191 = arith.constant 14 : i32
        %dma_wait3A_192 = arith.constant 0 : i32
        %dma_wait3A_193 = tpu.memref_slice %arg11[%dma_wait3A_191, %dma_wait3A_192] : memref<16x128xi32, #tpu.memory_space<vmem>> -> memref<1x128xi32, #tpu.memory_space<vmem>>
        %dma_wait3A_194 = tpu.memref_squeeze %dma_wait3A_193 : memref<1x128xi32, #tpu.memory_space<vmem>> -> memref<128xi32, #tpu.memory_space<vmem>>
        %dma_wait3A_195 = arith.constant 0 : i32
        %dma_wait3A_196 = tpu.memref_slice %arg19[%dma_wait3A_195] : memref<10240xf32, #tpu.memory_space<vmem_shared>> -> memref<10240xf32, #tpu.memory_space<vmem_shared>>
        tpu.wait_indirect_dma semaphore(%arg22 : memref<!tpu.dma_semaphore, #tpu.memory_space<semaphore_mem>>) src(%arg16 : memref<128xf32, #tpu.memory_space<vmem>>) dst(%dma_wait3A_196 : memref<10240xf32, #tpu.memory_space<vmem_shared>>)
        %cond3A_197 = arith.constant 1 : i32
        %multiple_of3A_198 = tpu.assume_multiple %add3A_142, 8 : i32
        %dma_wait3A_199 = arith.constant 0 : i32
        %dma_wait3A_200 = arith.constant 0 : i32
        %dma_wait3A_201 = tpu.memref_slice %arg5[%dma_wait3A_199, %multiple_of3A_198, %dma_wait3A_200] : memref<2x2560x128xi32, #tpu.memory_space<hbm>> -> memref<1x16x128xi32, #tpu.memory_space<hbm>>
        %dma_wait3A_202 = tpu.memref_squeeze %dma_wait3A_201 : memref<1x16x128xi32, #tpu.memory_space<hbm>> -> memref<16x128xi32, #tpu.memory_space<hbm>>
        %dma_wait3A_203 = arith.constant 0 : i32
        %dma_wait3A_204 = tpu.memref_slice %arg5[%dma_wait3A_199, %multiple_of3A_198, %dma_wait3A_203] : memref<2x2560x128xi32, #tpu.memory_space<hbm>> -> memref<1x16x128xi32, #tpu.memory_space<hbm>>
        %dma_wait3A_205 = tpu.memref_squeeze %dma_wait3A_204 : memref<1x16x128xi32, #tpu.memory_space<hbm>> -> memref<16x128xi32, #tpu.memory_space<hbm>>
        tpu.wait_dma2 semaphore(%arg24 : memref<!tpu.dma_semaphore, #tpu.memory_space<semaphore_mem>>) src(%dma_wait3A_205 : memref<16x128xi32, #tpu.memory_space<hbm>>) dst(%arg12 : memref<16x128xi32, #tpu.memory_space<vmem>>)
        %dma_wait3A_206 = arith.constant 1 : i32
        %dma_wait3A_207 = arith.constant 0 : i32
        %dma_wait3A_208 = tpu.memref_slice %arg5[%dma_wait3A_206, %multiple_of3A_198, %dma_wait3A_207] : memref<2x2560x128xi32, #tpu.memory_space<hbm>> -> memref<1x16x128xi32, #tpu.memory_space<hbm>>
        %dma_wait3A_209 = tpu.memref_squeeze %dma_wait3A_208 : memref<1x16x128xi32, #tpu.memory_space<hbm>> -> memref<16x128xi32, #tpu.memory_space<hbm>>
        %dma_wait3A_210 = arith.constant 0 : i32
        %dma_wait3A_211 = tpu.memref_slice %arg5[%dma_wait3A_206, %multiple_of3A_198, %dma_wait3A_210] : memref<2x2560x128xi32, #tpu.memory_space<hbm>> -> memref<1x16x128xi32, #tpu.memory_space<hbm>>
        %dma_wait3A_212 = tpu.memref_squeeze %dma_wait3A_211 : memref<1x16x128xi32, #tpu.memory_space<hbm>> -> memref<16x128xi32, #tpu.memory_space<hbm>>
        tpu.wait_dma2 semaphore(%arg24 : memref<!tpu.dma_semaphore, #tpu.memory_space<semaphore_mem>>) src(%dma_wait3A_212 : memref<16x128xi32, #tpu.memory_space<hbm>>) dst(%arg13 : memref<16x128xi32, #tpu.memory_space<vmem>>)
        %dma_start3A_213 = arith.constant 0 : i32
        %dma_start3A_214 = arith.constant 0 : i32
        %dma_start3A_215 = tpu.memref_slice %arg12[%dma_start3A_213, %dma_start3A_214] : memref<16x128xi32, #tpu.memory_space<vmem>> -> memref<1x128xi32, #tpu.memory_space<vmem>>
        %dma_start3A_216 = tpu.memref_squeeze %dma_start3A_215 : memref<1x128xi32, #tpu.memory_space<vmem>> -> memref<128xi32, #tpu.memory_space<vmem>>
        %dma_start3A_217 = arith.constant 0 : i32
        %dma_start3A_218 = arith.constant 0 : i32
        %dma_start3A_219 = tpu.memref_slice %arg3[%dma_start3A_217, %dma_start3A_218] : memref<10000x128xf32, #tpu.memory_space<hbm>> -> memref<10000x128xf32, #tpu.memory_space<hbm>>
        tpu.enqueue_indirect_dma source(%dma_start3A_219 : memref<10000x128xf32, #tpu.memory_space<hbm>>) target(%arg14 : memref<128x128xf32, #tpu.memory_space<vmem>>) offsets(%dma_start3A_216 : memref<128xi32, #tpu.memory_space<vmem>>) semaphore(%arg20 : memref<!tpu.dma_semaphore, #tpu.memory_space<semaphore_mem>>)
        %dma_start3A_220 = arith.constant 15 : i32
        %dma_start3A_221 = arith.constant 0 : i32
        %dma_start3A_222 = tpu.memref_slice %arg11[%dma_start3A_220, %dma_start3A_221] : memref<16x128xi32, #tpu.memory_space<vmem>> -> memref<1x128xi32, #tpu.memory_space<vmem>>
        %dma_start3A_223 = tpu.memref_squeeze %dma_start3A_222 : memref<1x128xi32, #tpu.memory_space<vmem>> -> memref<128xi32, #tpu.memory_space<vmem>>
        %dma_start3A_224 = arith.constant 0 : i32
        %dma_start3A_225 = arith.constant 0 : i32
        %dma_start3A_226 = tpu.memref_slice %arg18[%dma_start3A_224, %dma_start3A_225] : memref<10240x128xf32, #tpu.memory_space<vmem_shared>> -> memref<10240x128xf32, #tpu.memory_space<vmem_shared>>
        tpu.enqueue_indirect_dma source(%arg15 : memref<128x128xf32, #tpu.memory_space<vmem>>) target(%dma_start3A_226 : memref<10240x128xf32, #tpu.memory_space<vmem_shared>>) offsets(%dma_start3A_223 : memref<128xi32, #tpu.memory_space<vmem>>) semaphore(%arg23 : memref<!tpu.dma_semaphore, #tpu.memory_space<semaphore_mem>>) {add = true}
        %dma_start3A_227 = arith.constant 15 : i32
        %dma_start3A_228 = arith.constant 0 : i32
        %dma_start3A_229 = tpu.memref_slice %arg11[%dma_start3A_227, %dma_start3A_228] : memref<16x128xi32, #tpu.memory_space<vmem>> -> memref<1x128xi32, #tpu.memory_space<vmem>>
        %dma_start3A_230 = tpu.memref_squeeze %dma_start3A_229 : memref<1x128xi32, #tpu.memory_space<vmem>> -> memref<128xi32, #tpu.memory_space<vmem>>
        %dma_start3A_231 = arith.constant 0 : i32
        %dma_start3A_232 = tpu.memref_slice %arg19[%dma_start3A_231] : memref<10240xf32, #tpu.memory_space<vmem_shared>> -> memref<10240xf32, #tpu.memory_space<vmem_shared>>
        tpu.enqueue_indirect_dma source(%arg16 : memref<128xf32, #tpu.memory_space<vmem>>) target(%dma_start3A_232 : memref<10240xf32, #tpu.memory_space<vmem_shared>>) offsets(%dma_start3A_230 : memref<128xi32, #tpu.memory_space<vmem>>) semaphore(%arg23 : memref<!tpu.dma_semaphore, #tpu.memory_space<semaphore_mem>>) {add = true}
        %dma_wait3A_233 = arith.constant 15 : i32
        %dma_wait3A_234 = arith.constant 0 : i32
        %dma_wait3A_235 = tpu.memref_slice %arg11[%dma_wait3A_233, %dma_wait3A_234] : memref<16x128xi32, #tpu.memory_space<vmem>> -> memref<1x128xi32, #tpu.memory_space<vmem>>
        %dma_wait3A_236 = tpu.memref_squeeze %dma_wait3A_235 : memref<1x128xi32, #tpu.memory_space<vmem>> -> memref<128xi32, #tpu.memory_space<vmem>>
        %dma_wait3A_237 = arith.constant 0 : i32
        %dma_wait3A_238 = arith.constant 0 : i32
        %dma_wait3A_239 = tpu.memref_slice %arg18[%dma_wait3A_237, %dma_wait3A_238] : memref<10240x128xf32, #tpu.memory_space<vmem_shared>> -> memref<10240x128xf32, #tpu.memory_space<vmem_shared>>
        tpu.wait_indirect_dma semaphore(%arg23 : memref<!tpu.dma_semaphore, #tpu.memory_space<semaphore_mem>>) src(%arg15 : memref<128x128xf32, #tpu.memory_space<vmem>>) dst(%dma_wait3A_239 : memref<10240x128xf32, #tpu.memory_space<vmem_shared>>)
        %dma_wait3A_240 = arith.constant 15 : i32
        %dma_wait3A_241 = arith.constant 0 : i32
        %dma_wait3A_242 = tpu.memref_slice %arg11[%dma_wait3A_240, %dma_wait3A_241] : memref<16x128xi32, #tpu.memory_space<vmem>> -> memref<1x128xi32, #tpu.memory_space<vmem>>
        %dma_wait3A_243 = tpu.memref_squeeze %dma_wait3A_242 : memref<1x128xi32, #tpu.memory_space<vmem>> -> memref<128xi32, #tpu.memory_space<vmem>>
        %dma_wait3A_244 = arith.constant 0 : i32
        %dma_wait3A_245 = tpu.memref_slice %arg19[%dma_wait3A_244] : memref<10240xf32, #tpu.memory_space<vmem_shared>> -> memref<10240xf32, #tpu.memory_space<vmem_shared>>
        tpu.wait_indirect_dma semaphore(%arg23 : memref<!tpu.dma_semaphore, #tpu.memory_space<semaphore_mem>>) src(%arg16 : memref<128xf32, #tpu.memory_space<vmem>>) dst(%dma_wait3A_245 : memref<10240xf32, #tpu.memory_space<vmem_shared>>)
        %cond3A_246 = arith.constant 1 : i32
        %dma_start3A_247 = arith.constant 1 : i32
        %dma_start3A_248 = arith.constant 0 : i32
        %dma_start3A_249 = tpu.memref_slice %arg12[%dma_start3A_247, %dma_start3A_248] : memref<16x128xi32, #tpu.memory_space<vmem>> -> memref<1x128xi32, #tpu.memory_space<vmem>>
        %dma_start3A_250 = tpu.memref_squeeze %dma_start3A_249 : memref<1x128xi32, #tpu.memory_space<vmem>> -> memref<128xi32, #tpu.memory_space<vmem>>
        %dma_start3A_251 = arith.constant 0 : i32
        %dma_start3A_252 = arith.constant 0 : i32
        %dma_start3A_253 = tpu.memref_slice %arg3[%dma_start3A_251, %dma_start3A_252] : memref<10000x128xf32, #tpu.memory_space<hbm>> -> memref<10000x128xf32, #tpu.memory_space<hbm>>
        tpu.enqueue_indirect_dma source(%dma_start3A_253 : memref<10000x128xf32, #tpu.memory_space<hbm>>) target(%arg15 : memref<128x128xf32, #tpu.memory_space<vmem>>) offsets(%dma_start3A_250 : memref<128xi32, #tpu.memory_space<vmem>>) semaphore(%arg21 : memref<!tpu.dma_semaphore, #tpu.memory_space<semaphore_mem>>)
        %convert_element_type3A_254 = arith.extui %lt3A_145 : i1 to i32
        %cond3A_255 = arith.constant 0 : i32
        %cond3A_256 = arith.cmpi ne, %convert_element_type3A_254, %cond3A_255 : i32
        scf.if %cond3A_256 {
          %multiple_of3A_358 = tpu.assume_multiple %select_n3A, 8 : i32
          %dma_start3A_359 = arith.constant 0 : i32
          %dma_start3A_360 = arith.constant 0 : i32
          %dma_start3A_361 = tpu.memref_slice %arg5[%dma_start3A_359, %multiple_of3A_358, %dma_start3A_360] : memref<2x2560x128xi32, #tpu.memory_space<hbm>> -> memref<1x16x128xi32, #tpu.memory_space<hbm>>
          %dma_start3A_362 = tpu.memref_squeeze %dma_start3A_361 : memref<1x16x128xi32, #tpu.memory_space<hbm>> -> memref<16x128xi32, #tpu.memory_space<hbm>>
          %dma_start3A_363 = arith.constant 0 : i32
          %dma_start3A_364 = tpu.memref_slice %arg5[%dma_start3A_359, %multiple_of3A_358, %dma_start3A_363] : memref<2x2560x128xi32, #tpu.memory_space<hbm>> -> memref<1x16x128xi32, #tpu.memory_space<hbm>>
          %dma_start3A_365 = tpu.memref_squeeze %dma_start3A_364 : memref<1x16x128xi32, #tpu.memory_space<hbm>> -> memref<16x128xi32, #tpu.memory_space<hbm>>
          tpu.enqueue_dma source(%dma_start3A_365 : memref<16x128xi32, #tpu.memory_space<hbm>>) target(%arg10 : memref<16x128xi32, #tpu.memory_space<vmem>>) target_semaphore(%arg24 : memref<!tpu.dma_semaphore, #tpu.memory_space<semaphore_mem>>)
          %dma_start3A_366 = arith.constant 1 : i32
          %dma_start3A_367 = arith.constant 0 : i32
          %dma_start3A_368 = tpu.memref_slice %arg5[%dma_start3A_366, %multiple_of3A_358, %dma_start3A_367] : memref<2x2560x128xi32, #tpu.memory_space<hbm>> -> memref<1x16x128xi32, #tpu.memory_space<hbm>>
          %dma_start3A_369 = tpu.memref_squeeze %dma_start3A_368 : memref<1x16x128xi32, #tpu.memory_space<hbm>> -> memref<16x128xi32, #tpu.memory_space<hbm>>
          %dma_start3A_370 = arith.constant 0 : i32
          %dma_start3A_371 = tpu.memref_slice %arg5[%dma_start3A_366, %multiple_of3A_358, %dma_start3A_370] : memref<2x2560x128xi32, #tpu.memory_space<hbm>> -> memref<1x16x128xi32, #tpu.memory_space<hbm>>
          %dma_start3A_372 = tpu.memref_squeeze %dma_start3A_371 : memref<1x16x128xi32, #tpu.memory_space<hbm>> -> memref<16x128xi32, #tpu.memory_space<hbm>>
          tpu.enqueue_dma source(%dma_start3A_372 : memref<16x128xi32, #tpu.memory_space<hbm>>) target(%arg11 : memref<16x128xi32, #tpu.memory_space<vmem>>) target_semaphore(%arg24 : memref<!tpu.dma_semaphore, #tpu.memory_space<semaphore_mem>>)
        } else {
        }
        %add3A_257 = arith.constant 16 : i32
        %add3A_258 = arith.addi %add3A_140, %add3A_257 : i32
        %add3A_259 = arith.constant 32 : i32
        %add3A_260 = arith.addi %add3A_140, %add3A_259 : i32
        %add3A_261 = arith.constant 2 : i32
        %add3A_262 = arith.addi %mul3A_137, %add3A_261 : i32
        %lt3A_263 = arith.constant 10 : i32
        %lt3A_264 = arith.cmpi slt, %add3A_262, %lt3A_263 : i32
        %add3A_265 = arith.constant 3 : i32
        %add3A_266 = arith.addi %mul3A_137, %add3A_265 : i32
        %lt3A_267 = arith.constant 10 : i32
        %lt3A_268 = arith.cmpi slt, %add3A_266, %lt3A_267 : i32
        %add3A_269 = arith.constant 3 : i32
        %add3A_270 = arith.addi %mul3A_137, %add3A_269 : i32
        %lt3A_271 = arith.constant 10 : i32
        %lt3A_272 = arith.cmpi slt, %add3A_270, %lt3A_271 : i32
        %add3A_273 = arith.constant 48 : i32
        %add3A_274 = arith.addi %add3A_140, %add3A_273 : i32
        %jit3A_275 = arith.constant 0 : i32
        %select_n3A_276 = arith.select %lt3A_272, %add3A_274, %jit3A_275 : i32
        %scan3A_277 = arith.constant 0 : i32
        %scan3A_278 = arith.constant 0 : i32
        %scan3A_279 = arith.constant 7 : i32
        %scan3A_280 = arith.addi %scan3A_278, %scan3A_279 : i32
        %scan3A_281 = arith.constant 1 : i32
        scf.for %scan3A_358 = %scan3A_278 to %scan3A_280 step %scan3A_281  : i32 {
          %mul3A_359 = arith.constant 2 : i32
          %mul3A_360 = arith.muli %mul3A_359, %scan3A_358 : i32
          %mul3A_361 = arith.constant 2 : i32
          %mul3A_362 = arith.muli %mul3A_361, %scan3A_358 : i32
          %add3A_363 = arith.constant 1 : i32
          %add3A_364 = arith.addi %mul3A_362, %add3A_363 : i32
          %dma_wait3A_365 = arith.constant 0 : i32
          %dma_wait3A_366 = tpu.memref_slice %arg12[%mul3A_360, %dma_wait3A_365] : memref<16x128xi32, #tpu.memory_space<vmem>> -> memref<1x128xi32, #tpu.memory_space<vmem>>
          %dma_wait3A_367 = tpu.memref_squeeze %dma_wait3A_366 : memref<1x128xi32, #tpu.memory_space<vmem>> -> memref<128xi32, #tpu.memory_space<vmem>>
          %dma_wait3A_368 = arith.constant 0 : i32
          %dma_wait3A_369 = arith.constant 0 : i32
          %dma_wait3A_370 = tpu.memref_slice %arg3[%dma_wait3A_368, %dma_wait3A_369] : memref<10000x128xf32, #tpu.memory_space<hbm>> -> memref<10000x128xf32, #tpu.memory_space<hbm>>
          tpu.wait_indirect_dma semaphore(%arg20 : memref<!tpu.dma_semaphore, #tpu.memory_space<semaphore_mem>>) src(%dma_wait3A_370 : memref<10000x128xf32, #tpu.memory_space<hbm>>) dst(%arg14 : memref<128x128xf32, #tpu.memory_space<vmem>>)
          %dma_start3A_371 = arith.constant 0 : i32
          %dma_start3A_372 = tpu.memref_slice %arg13[%mul3A_360, %dma_start3A_371] : memref<16x128xi32, #tpu.memory_space<vmem>> -> memref<1x128xi32, #tpu.memory_space<vmem>>
          %dma_start3A_373 = tpu.memref_squeeze %dma_start3A_372 : memref<1x128xi32, #tpu.memory_space<vmem>> -> memref<128xi32, #tpu.memory_space<vmem>>
          %dma_start3A_374 = arith.constant 0 : i32
          %dma_start3A_375 = arith.constant 0 : i32
          %dma_start3A_376 = tpu.memref_slice %arg18[%dma_start3A_374, %dma_start3A_375] : memref<10240x128xf32, #tpu.memory_space<vmem_shared>> -> memref<10240x128xf32, #tpu.memory_space<vmem_shared>>
          tpu.enqueue_indirect_dma source(%arg14 : memref<128x128xf32, #tpu.memory_space<vmem>>) target(%dma_start3A_376 : memref<10240x128xf32, #tpu.memory_space<vmem_shared>>) offsets(%dma_start3A_373 : memref<128xi32, #tpu.memory_space<vmem>>) semaphore(%arg22 : memref<!tpu.dma_semaphore, #tpu.memory_space<semaphore_mem>>) {add = true}
          %dma_start3A_377 = arith.constant 0 : i32
          %dma_start3A_378 = tpu.memref_slice %arg13[%mul3A_360, %dma_start3A_377] : memref<16x128xi32, #tpu.memory_space<vmem>> -> memref<1x128xi32, #tpu.memory_space<vmem>>
          %dma_start3A_379 = tpu.memref_squeeze %dma_start3A_378 : memref<1x128xi32, #tpu.memory_space<vmem>> -> memref<128xi32, #tpu.memory_space<vmem>>
          %dma_start3A_380 = arith.constant 0 : i32
          %dma_start3A_381 = tpu.memref_slice %arg19[%dma_start3A_380] : memref<10240xf32, #tpu.memory_space<vmem_shared>> -> memref<10240xf32, #tpu.memory_space<vmem_shared>>
          tpu.enqueue_indirect_dma source(%arg16 : memref<128xf32, #tpu.memory_space<vmem>>) target(%dma_start3A_381 : memref<10240xf32, #tpu.memory_space<vmem_shared>>) offsets(%dma_start3A_379 : memref<128xi32, #tpu.memory_space<vmem>>) semaphore(%arg22 : memref<!tpu.dma_semaphore, #tpu.memory_space<semaphore_mem>>) {add = true}
          %dma_wait3A_382 = arith.constant 0 : i32
          %dma_wait3A_383 = tpu.memref_slice %arg12[%add3A_364, %dma_wait3A_382] : memref<16x128xi32, #tpu.memory_space<vmem>> -> memref<1x128xi32, #tpu.memory_space<vmem>>
          %dma_wait3A_384 = tpu.memref_squeeze %dma_wait3A_383 : memref<1x128xi32, #tpu.memory_space<vmem>> -> memref<128xi32, #tpu.memory_space<vmem>>
          %dma_wait3A_385 = arith.constant 0 : i32
          %dma_wait3A_386 = arith.constant 0 : i32
          %dma_wait3A_387 = tpu.memref_slice %arg3[%dma_wait3A_385, %dma_wait3A_386] : memref<10000x128xf32, #tpu.memory_space<hbm>> -> memref<10000x128xf32, #tpu.memory_space<hbm>>
          tpu.wait_indirect_dma semaphore(%arg21 : memref<!tpu.dma_semaphore, #tpu.memory_space<semaphore_mem>>) src(%dma_wait3A_387 : memref<10000x128xf32, #tpu.memory_space<hbm>>) dst(%arg15 : memref<128x128xf32, #tpu.memory_space<vmem>>)
          %dma_wait3A_388 = arith.constant 0 : i32
          %dma_wait3A_389 = tpu.memref_slice %arg13[%mul3A_360, %dma_wait3A_388] : memref<16x128xi32, #tpu.memory_space<vmem>> -> memref<1x128xi32, #tpu.memory_space<vmem>>
          %dma_wait3A_390 = tpu.memref_squeeze %dma_wait3A_389 : memref<1x128xi32, #tpu.memory_space<vmem>> -> memref<128xi32, #tpu.memory_space<vmem>>
          %dma_wait3A_391 = arith.constant 0 : i32
          %dma_wait3A_392 = arith.constant 0 : i32
          %dma_wait3A_393 = tpu.memref_slice %arg18[%dma_wait3A_391, %dma_wait3A_392] : memref<10240x128xf32, #tpu.memory_space<vmem_shared>> -> memref<10240x128xf32, #tpu.memory_space<vmem_shared>>
          tpu.wait_indirect_dma semaphore(%arg22 : memref<!tpu.dma_semaphore, #tpu.memory_space<semaphore_mem>>) src(%arg14 : memref<128x128xf32, #tpu.memory_space<vmem>>) dst(%dma_wait3A_393 : memref<10240x128xf32, #tpu.memory_space<vmem_shared>>)
          %dma_wait3A_394 = arith.constant 0 : i32
          %dma_wait3A_395 = tpu.memref_slice %arg13[%mul3A_360, %dma_wait3A_394] : memref<16x128xi32, #tpu.memory_space<vmem>> -> memref<1x128xi32, #tpu.memory_space<vmem>>
          %dma_wait3A_396 = tpu.memref_squeeze %dma_wait3A_395 : memref<1x128xi32, #tpu.memory_space<vmem>> -> memref<128xi32, #tpu.memory_space<vmem>>
          %dma_wait3A_397 = arith.constant 0 : i32
          %dma_wait3A_398 = tpu.memref_slice %arg19[%dma_wait3A_397] : memref<10240xf32, #tpu.memory_space<vmem_shared>> -> memref<10240xf32, #tpu.memory_space<vmem_shared>>
          tpu.wait_indirect_dma semaphore(%arg22 : memref<!tpu.dma_semaphore, #tpu.memory_space<semaphore_mem>>) src(%arg16 : memref<128xf32, #tpu.memory_space<vmem>>) dst(%dma_wait3A_398 : memref<10240xf32, #tpu.memory_space<vmem_shared>>)
          %add3A_399 = arith.constant 2 : i32
          %add3A_400 = arith.addi %mul3A_360, %add3A_399 : i32
          %dma_start3A_401 = arith.constant 0 : i32
          %dma_start3A_402 = tpu.memref_slice %arg12[%add3A_400, %dma_start3A_401] : memref<16x128xi32, #tpu.memory_space<vmem>> -> memref<1x128xi32, #tpu.memory_space<vmem>>
          %dma_start3A_403 = tpu.memref_squeeze %dma_start3A_402 : memref<1x128xi32, #tpu.memory_space<vmem>> -> memref<128xi32, #tpu.memory_space<vmem>>
          %dma_start3A_404 = arith.constant 0 : i32
          %dma_start3A_405 = arith.constant 0 : i32
          %dma_start3A_406 = tpu.memref_slice %arg3[%dma_start3A_404, %dma_start3A_405] : memref<10000x128xf32, #tpu.memory_space<hbm>> -> memref<10000x128xf32, #tpu.memory_space<hbm>>
          tpu.enqueue_indirect_dma source(%dma_start3A_406 : memref<10000x128xf32, #tpu.memory_space<hbm>>) target(%arg14 : memref<128x128xf32, #tpu.memory_space<vmem>>) offsets(%dma_start3A_403 : memref<128xi32, #tpu.memory_space<vmem>>) semaphore(%arg20 : memref<!tpu.dma_semaphore, #tpu.memory_space<semaphore_mem>>)
          %dma_start3A_407 = arith.constant 0 : i32
          %dma_start3A_408 = tpu.memref_slice %arg13[%add3A_364, %dma_start3A_407] : memref<16x128xi32, #tpu.memory_space<vmem>> -> memref<1x128xi32, #tpu.memory_space<vmem>>
          %dma_start3A_409 = tpu.memref_squeeze %dma_start3A_408 : memref<1x128xi32, #tpu.memory_space<vmem>> -> memref<128xi32, #tpu.memory_space<vmem>>
          %dma_start3A_410 = arith.constant 0 : i32
          %dma_start3A_411 = arith.constant 0 : i32
          %dma_start3A_412 = tpu.memref_slice %arg18[%dma_start3A_410, %dma_start3A_411] : memref<10240x128xf32, #tpu.memory_space<vmem_shared>> -> memref<10240x128xf32, #tpu.memory_space<vmem_shared>>
          tpu.enqueue_indirect_dma source(%arg15 : memref<128x128xf32, #tpu.memory_space<vmem>>) target(%dma_start3A_412 : memref<10240x128xf32, #tpu.memory_space<vmem_shared>>) offsets(%dma_start3A_409 : memref<128xi32, #tpu.memory_space<vmem>>) semaphore(%arg23 : memref<!tpu.dma_semaphore, #tpu.memory_space<semaphore_mem>>) {add = true}
          %dma_start3A_413 = arith.constant 0 : i32
          %dma_start3A_414 = tpu.memref_slice %arg13[%add3A_364, %dma_start3A_413] : memref<16x128xi32, #tpu.memory_space<vmem>> -> memref<1x128xi32, #tpu.memory_space<vmem>>
          %dma_start3A_415 = tpu.memref_squeeze %dma_start3A_414 : memref<1x128xi32, #tpu.memory_space<vmem>> -> memref<128xi32, #tpu.memory_space<vmem>>
          %dma_start3A_416 = arith.constant 0 : i32
          %dma_start3A_417 = tpu.memref_slice %arg19[%dma_start3A_416] : memref<10240xf32, #tpu.memory_space<vmem_shared>> -> memref<10240xf32, #tpu.memory_space<vmem_shared>>
          tpu.enqueue_indirect_dma source(%arg16 : memref<128xf32, #tpu.memory_space<vmem>>) target(%dma_start3A_417 : memref<10240xf32, #tpu.memory_space<vmem_shared>>) offsets(%dma_start3A_415 : memref<128xi32, #tpu.memory_space<vmem>>) semaphore(%arg23 : memref<!tpu.dma_semaphore, #tpu.memory_space<semaphore_mem>>) {add = true}
          %dma_wait3A_418 = arith.constant 0 : i32
          %dma_wait3A_419 = tpu.memref_slice %arg13[%add3A_364, %dma_wait3A_418] : memref<16x128xi32, #tpu.memory_space<vmem>> -> memref<1x128xi32, #tpu.memory_space<vmem>>
          %dma_wait3A_420 = tpu.memref_squeeze %dma_wait3A_419 : memref<1x128xi32, #tpu.memory_space<vmem>> -> memref<128xi32, #tpu.memory_space<vmem>>
          %dma_wait3A_421 = arith.constant 0 : i32
          %dma_wait3A_422 = arith.constant 0 : i32
          %dma_wait3A_423 = tpu.memref_slice %arg18[%dma_wait3A_421, %dma_wait3A_422] : memref<10240x128xf32, #tpu.memory_space<vmem_shared>> -> memref<10240x128xf32, #tpu.memory_space<vmem_shared>>
          tpu.wait_indirect_dma semaphore(%arg23 : memref<!tpu.dma_semaphore, #tpu.memory_space<semaphore_mem>>) src(%arg15 : memref<128x128xf32, #tpu.memory_space<vmem>>) dst(%dma_wait3A_423 : memref<10240x128xf32, #tpu.memory_space<vmem_shared>>)
          %dma_wait3A_424 = arith.constant 0 : i32
          %dma_wait3A_425 = tpu.memref_slice %arg13[%add3A_364, %dma_wait3A_424] : memref<16x128xi32, #tpu.memory_space<vmem>> -> memref<1x128xi32, #tpu.memory_space<vmem>>
          %dma_wait3A_426 = tpu.memref_squeeze %dma_wait3A_425 : memref<1x128xi32, #tpu.memory_space<vmem>> -> memref<128xi32, #tpu.memory_space<vmem>>
          %dma_wait3A_427 = arith.constant 0 : i32
          %dma_wait3A_428 = tpu.memref_slice %arg19[%dma_wait3A_427] : memref<10240xf32, #tpu.memory_space<vmem_shared>> -> memref<10240xf32, #tpu.memory_space<vmem_shared>>
          tpu.wait_indirect_dma semaphore(%arg23 : memref<!tpu.dma_semaphore, #tpu.memory_space<semaphore_mem>>) src(%arg16 : memref<128xf32, #tpu.memory_space<vmem>>) dst(%dma_wait3A_428 : memref<10240xf32, #tpu.memory_space<vmem_shared>>)
          %add3A_429 = arith.constant 2 : i32
          %add3A_430 = arith.addi %add3A_364, %add3A_429 : i32
          %dma_start3A_431 = arith.constant 0 : i32
          %dma_start3A_432 = tpu.memref_slice %arg12[%add3A_430, %dma_start3A_431] : memref<16x128xi32, #tpu.memory_space<vmem>> -> memref<1x128xi32, #tpu.memory_space<vmem>>
          %dma_start3A_433 = tpu.memref_squeeze %dma_start3A_432 : memref<1x128xi32, #tpu.memory_space<vmem>> -> memref<128xi32, #tpu.memory_space<vmem>>
          %dma_start3A_434 = arith.constant 0 : i32
          %dma_start3A_435 = arith.constant 0 : i32
          %dma_start3A_436 = tpu.memref_slice %arg3[%dma_start3A_434, %dma_start3A_435] : memref<10000x128xf32, #tpu.memory_space<hbm>> -> memref<10000x128xf32, #tpu.memory_space<hbm>>
          tpu.enqueue_indirect_dma source(%dma_start3A_436 : memref<10000x128xf32, #tpu.memory_space<hbm>>) target(%arg15 : memref<128x128xf32, #tpu.memory_space<vmem>>) offsets(%dma_start3A_433 : memref<128xi32, #tpu.memory_space<vmem>>) semaphore(%arg21 : memref<!tpu.dma_semaphore, #tpu.memory_space<semaphore_mem>>)
        }
        %scan3A_282 = arith.constant 7 : i32
        %dma_wait3A_283 = arith.constant 14 : i32
        %dma_wait3A_284 = arith.constant 0 : i32
        %dma_wait3A_285 = tpu.memref_slice %arg12[%dma_wait3A_283, %dma_wait3A_284] : memref<16x128xi32, #tpu.memory_space<vmem>> -> memref<1x128xi32, #tpu.memory_space<vmem>>
        %dma_wait3A_286 = tpu.memref_squeeze %dma_wait3A_285 : memref<1x128xi32, #tpu.memory_space<vmem>> -> memref<128xi32, #tpu.memory_space<vmem>>
        %dma_wait3A_287 = arith.constant 0 : i32
        %dma_wait3A_288 = arith.constant 0 : i32
        %dma_wait3A_289 = tpu.memref_slice %arg3[%dma_wait3A_287, %dma_wait3A_288] : memref<10000x128xf32, #tpu.memory_space<hbm>> -> memref<10000x128xf32, #tpu.memory_space<hbm>>
        tpu.wait_indirect_dma semaphore(%arg20 : memref<!tpu.dma_semaphore, #tpu.memory_space<semaphore_mem>>) src(%dma_wait3A_289 : memref<10000x128xf32, #tpu.memory_space<hbm>>) dst(%arg14 : memref<128x128xf32, #tpu.memory_space<vmem>>)
        %dma_start3A_290 = arith.constant 14 : i32
        %dma_start3A_291 = arith.constant 0 : i32
        %dma_start3A_292 = tpu.memref_slice %arg13[%dma_start3A_290, %dma_start3A_291] : memref<16x128xi32, #tpu.memory_space<vmem>> -> memref<1x128xi32, #tpu.memory_space<vmem>>
        %dma_start3A_293 = tpu.memref_squeeze %dma_start3A_292 : memref<1x128xi32, #tpu.memory_space<vmem>> -> memref<128xi32, #tpu.memory_space<vmem>>
        %dma_start3A_294 = arith.constant 0 : i32
        %dma_start3A_295 = arith.constant 0 : i32
        %dma_start3A_296 = tpu.memref_slice %arg18[%dma_start3A_294, %dma_start3A_295] : memref<10240x128xf32, #tpu.memory_space<vmem_shared>> -> memref<10240x128xf32, #tpu.memory_space<vmem_shared>>
        tpu.enqueue_indirect_dma source(%arg14 : memref<128x128xf32, #tpu.memory_space<vmem>>) target(%dma_start3A_296 : memref<10240x128xf32, #tpu.memory_space<vmem_shared>>) offsets(%dma_start3A_293 : memref<128xi32, #tpu.memory_space<vmem>>) semaphore(%arg22 : memref<!tpu.dma_semaphore, #tpu.memory_space<semaphore_mem>>) {add = true}
        %dma_start3A_297 = arith.constant 14 : i32
        %dma_start3A_298 = arith.constant 0 : i32
        %dma_start3A_299 = tpu.memref_slice %arg13[%dma_start3A_297, %dma_start3A_298] : memref<16x128xi32, #tpu.memory_space<vmem>> -> memref<1x128xi32, #tpu.memory_space<vmem>>
        %dma_start3A_300 = tpu.memref_squeeze %dma_start3A_299 : memref<1x128xi32, #tpu.memory_space<vmem>> -> memref<128xi32, #tpu.memory_space<vmem>>
        %dma_start3A_301 = arith.constant 0 : i32
        %dma_start3A_302 = tpu.memref_slice %arg19[%dma_start3A_301] : memref<10240xf32, #tpu.memory_space<vmem_shared>> -> memref<10240xf32, #tpu.memory_space<vmem_shared>>
        tpu.enqueue_indirect_dma source(%arg16 : memref<128xf32, #tpu.memory_space<vmem>>) target(%dma_start3A_302 : memref<10240xf32, #tpu.memory_space<vmem_shared>>) offsets(%dma_start3A_300 : memref<128xi32, #tpu.memory_space<vmem>>) semaphore(%arg22 : memref<!tpu.dma_semaphore, #tpu.memory_space<semaphore_mem>>) {add = true}
        %dma_wait3A_303 = arith.constant 15 : i32
        %dma_wait3A_304 = arith.constant 0 : i32
        %dma_wait3A_305 = tpu.memref_slice %arg12[%dma_wait3A_303, %dma_wait3A_304] : memref<16x128xi32, #tpu.memory_space<vmem>> -> memref<1x128xi32, #tpu.memory_space<vmem>>
        %dma_wait3A_306 = tpu.memref_squeeze %dma_wait3A_305 : memref<1x128xi32, #tpu.memory_space<vmem>> -> memref<128xi32, #tpu.memory_space<vmem>>
        %dma_wait3A_307 = arith.constant 0 : i32
        %dma_wait3A_308 = arith.constant 0 : i32
        %dma_wait3A_309 = tpu.memref_slice %arg3[%dma_wait3A_307, %dma_wait3A_308] : memref<10000x128xf32, #tpu.memory_space<hbm>> -> memref<10000x128xf32, #tpu.memory_space<hbm>>
        tpu.wait_indirect_dma semaphore(%arg21 : memref<!tpu.dma_semaphore, #tpu.memory_space<semaphore_mem>>) src(%dma_wait3A_309 : memref<10000x128xf32, #tpu.memory_space<hbm>>) dst(%arg15 : memref<128x128xf32, #tpu.memory_space<vmem>>)
        %dma_wait3A_310 = arith.constant 14 : i32
        %dma_wait3A_311 = arith.constant 0 : i32
        %dma_wait3A_312 = tpu.memref_slice %arg13[%dma_wait3A_310, %dma_wait3A_311] : memref<16x128xi32, #tpu.memory_space<vmem>> -> memref<1x128xi32, #tpu.memory_space<vmem>>
        %dma_wait3A_313 = tpu.memref_squeeze %dma_wait3A_312 : memref<1x128xi32, #tpu.memory_space<vmem>> -> memref<128xi32, #tpu.memory_space<vmem>>
        %dma_wait3A_314 = arith.constant 0 : i32
        %dma_wait3A_315 = arith.constant 0 : i32
        %dma_wait3A_316 = tpu.memref_slice %arg18[%dma_wait3A_314, %dma_wait3A_315] : memref<10240x128xf32, #tpu.memory_space<vmem_shared>> -> memref<10240x128xf32, #tpu.memory_space<vmem_shared>>
        tpu.wait_indirect_dma semaphore(%arg22 : memref<!tpu.dma_semaphore, #tpu.memory_space<semaphore_mem>>) src(%arg14 : memref<128x128xf32, #tpu.memory_space<vmem>>) dst(%dma_wait3A_316 : memref<10240x128xf32, #tpu.memory_space<vmem_shared>>)
        %dma_wait3A_317 = arith.constant 14 : i32
        %dma_wait3A_318 = arith.constant 0 : i32
        %dma_wait3A_319 = tpu.memref_slice %arg13[%dma_wait3A_317, %dma_wait3A_318] : memref<16x128xi32, #tpu.memory_space<vmem>> -> memref<1x128xi32, #tpu.memory_space<vmem>>
        %dma_wait3A_320 = tpu.memref_squeeze %dma_wait3A_319 : memref<1x128xi32, #tpu.memory_space<vmem>> -> memref<128xi32, #tpu.memory_space<vmem>>
        %dma_wait3A_321 = arith.constant 0 : i32
        %dma_wait3A_322 = tpu.memref_slice %arg19[%dma_wait3A_321] : memref<10240xf32, #tpu.memory_space<vmem_shared>> -> memref<10240xf32, #tpu.memory_space<vmem_shared>>
        tpu.wait_indirect_dma semaphore(%arg22 : memref<!tpu.dma_semaphore, #tpu.memory_space<semaphore_mem>>) src(%arg16 : memref<128xf32, #tpu.memory_space<vmem>>) dst(%dma_wait3A_322 : memref<10240xf32, #tpu.memory_space<vmem_shared>>)
        %convert_element_type3A_323 = arith.extui %lt3A_264 : i1 to i32
        %cond3A_324 = arith.constant 0 : i32
        %cond3A_325 = arith.cmpi ne, %convert_element_type3A_323, %cond3A_324 : i32
        scf.if %cond3A_325 {
          %multiple_of3A_358 = tpu.assume_multiple %add3A_260, 8 : i32
          %dma_wait3A_359 = arith.constant 0 : i32
          %dma_wait3A_360 = arith.constant 0 : i32
          %dma_wait3A_361 = tpu.memref_slice %arg5[%dma_wait3A_359, %multiple_of3A_358, %dma_wait3A_360] : memref<2x2560x128xi32, #tpu.memory_space<hbm>> -> memref<1x16x128xi32, #tpu.memory_space<hbm>>
          %dma_wait3A_362 = tpu.memref_squeeze %dma_wait3A_361 : memref<1x16x128xi32, #tpu.memory_space<hbm>> -> memref<16x128xi32, #tpu.memory_space<hbm>>
          %dma_wait3A_363 = arith.constant 0 : i32
          %dma_wait3A_364 = tpu.memref_slice %arg5[%dma_wait3A_359, %multiple_of3A_358, %dma_wait3A_363] : memref<2x2560x128xi32, #tpu.memory_space<hbm>> -> memref<1x16x128xi32, #tpu.memory_space<hbm>>
          %dma_wait3A_365 = tpu.memref_squeeze %dma_wait3A_364 : memref<1x16x128xi32, #tpu.memory_space<hbm>> -> memref<16x128xi32, #tpu.memory_space<hbm>>
          tpu.wait_dma2 semaphore(%arg24 : memref<!tpu.dma_semaphore, #tpu.memory_space<semaphore_mem>>) src(%dma_wait3A_365 : memref<16x128xi32, #tpu.memory_space<hbm>>) dst(%arg10 : memref<16x128xi32, #tpu.memory_space<vmem>>)
          %dma_wait3A_366 = arith.constant 1 : i32
          %dma_wait3A_367 = arith.constant 0 : i32
          %dma_wait3A_368 = tpu.memref_slice %arg5[%dma_wait3A_366, %multiple_of3A_358, %dma_wait3A_367] : memref<2x2560x128xi32, #tpu.memory_space<hbm>> -> memref<1x16x128xi32, #tpu.memory_space<hbm>>
          %dma_wait3A_369 = tpu.memref_squeeze %dma_wait3A_368 : memref<1x16x128xi32, #tpu.memory_space<hbm>> -> memref<16x128xi32, #tpu.memory_space<hbm>>
          %dma_wait3A_370 = arith.constant 0 : i32
          %dma_wait3A_371 = tpu.memref_slice %arg5[%dma_wait3A_366, %multiple_of3A_358, %dma_wait3A_370] : memref<2x2560x128xi32, #tpu.memory_space<hbm>> -> memref<1x16x128xi32, #tpu.memory_space<hbm>>
          %dma_wait3A_372 = tpu.memref_squeeze %dma_wait3A_371 : memref<1x16x128xi32, #tpu.memory_space<hbm>> -> memref<16x128xi32, #tpu.memory_space<hbm>>
          tpu.wait_dma2 semaphore(%arg24 : memref<!tpu.dma_semaphore, #tpu.memory_space<semaphore_mem>>) src(%dma_wait3A_372 : memref<16x128xi32, #tpu.memory_space<hbm>>) dst(%arg11 : memref<16x128xi32, #tpu.memory_space<vmem>>)
          %dma_start3A_373 = arith.constant 0 : i32
          %dma_start3A_374 = arith.constant 0 : i32
          %dma_start3A_375 = tpu.memref_slice %arg10[%dma_start3A_373, %dma_start3A_374] : memref<16x128xi32, #tpu.memory_space<vmem>> -> memref<1x128xi32, #tpu.memory_space<vmem>>
          %dma_start3A_376 = tpu.memref_squeeze %dma_start3A_375 : memref<1x128xi32, #tpu.memory_space<vmem>> -> memref<128xi32, #tpu.memory_space<vmem>>
          %dma_start3A_377 = arith.constant 0 : i32
          %dma_start3A_378 = arith.constant 0 : i32
          %dma_start3A_379 = tpu.memref_slice %arg3[%dma_start3A_377, %dma_start3A_378] : memref<10000x128xf32, #tpu.memory_space<hbm>> -> memref<10000x128xf32, #tpu.memory_space<hbm>>
          tpu.enqueue_indirect_dma source(%dma_start3A_379 : memref<10000x128xf32, #tpu.memory_space<hbm>>) target(%arg14 : memref<128x128xf32, #tpu.memory_space<vmem>>) offsets(%dma_start3A_376 : memref<128xi32, #tpu.memory_space<vmem>>) semaphore(%arg20 : memref<!tpu.dma_semaphore, #tpu.memory_space<semaphore_mem>>)
        } else {
        }
        %dma_start3A_326 = arith.constant 15 : i32
        %dma_start3A_327 = arith.constant 0 : i32
        %dma_start3A_328 = tpu.memref_slice %arg13[%dma_start3A_326, %dma_start3A_327] : memref<16x128xi32, #tpu.memory_space<vmem>> -> memref<1x128xi32, #tpu.memory_space<vmem>>
        %dma_start3A_329 = tpu.memref_squeeze %dma_start3A_328 : memref<1x128xi32, #tpu.memory_space<vmem>> -> memref<128xi32, #tpu.memory_space<vmem>>
        %dma_start3A_330 = arith.constant 0 : i32
        %dma_start3A_331 = arith.constant 0 : i32
        %dma_start3A_332 = tpu.memref_slice %arg18[%dma_start3A_330, %dma_start3A_331] : memref<10240x128xf32, #tpu.memory_space<vmem_shared>> -> memref<10240x128xf32, #tpu.memory_space<vmem_shared>>
        tpu.enqueue_indirect_dma source(%arg15 : memref<128x128xf32, #tpu.memory_space<vmem>>) target(%dma_start3A_332 : memref<10240x128xf32, #tpu.memory_space<vmem_shared>>) offsets(%dma_start3A_329 : memref<128xi32, #tpu.memory_space<vmem>>) semaphore(%arg23 : memref<!tpu.dma_semaphore, #tpu.memory_space<semaphore_mem>>) {add = true}
        %dma_start3A_333 = arith.constant 15 : i32
        %dma_start3A_334 = arith.constant 0 : i32
        %dma_start3A_335 = tpu.memref_slice %arg13[%dma_start3A_333, %dma_start3A_334] : memref<16x128xi32, #tpu.memory_space<vmem>> -> memref<1x128xi32, #tpu.memory_space<vmem>>
        %dma_start3A_336 = tpu.memref_squeeze %dma_start3A_335 : memref<1x128xi32, #tpu.memory_space<vmem>> -> memref<128xi32, #tpu.memory_space<vmem>>
        %dma_start3A_337 = arith.constant 0 : i32
        %dma_start3A_338 = tpu.memref_slice %arg19[%dma_start3A_337] : memref<10240xf32, #tpu.memory_space<vmem_shared>> -> memref<10240xf32, #tpu.memory_space<vmem_shared>>
        tpu.enqueue_indirect_dma source(%arg16 : memref<128xf32, #tpu.memory_space<vmem>>) target(%dma_start3A_338 : memref<10240xf32, #tpu.memory_space<vmem_shared>>) offsets(%dma_start3A_336 : memref<128xi32, #tpu.memory_space<vmem>>) semaphore(%arg23 : memref<!tpu.dma_semaphore, #tpu.memory_space<semaphore_mem>>) {add = true}
        %dma_wait3A_339 = arith.constant 15 : i32
        %dma_wait3A_340 = arith.constant 0 : i32
        %dma_wait3A_341 = tpu.memref_slice %arg13[%dma_wait3A_339, %dma_wait3A_340] : memref<16x128xi32, #tpu.memory_space<vmem>> -> memref<1x128xi32, #tpu.memory_space<vmem>>
        %dma_wait3A_342 = tpu.memref_squeeze %dma_wait3A_341 : memref<1x128xi32, #tpu.memory_space<vmem>> -> memref<128xi32, #tpu.memory_space<vmem>>
        %dma_wait3A_343 = arith.constant 0 : i32
        %dma_wait3A_344 = arith.constant 0 : i32
        %dma_wait3A_345 = tpu.memref_slice %arg18[%dma_wait3A_343, %dma_wait3A_344] : memref<10240x128xf32, #tpu.memory_space<vmem_shared>> -> memref<10240x128xf32, #tpu.memory_space<vmem_shared>>
        tpu.wait_indirect_dma semaphore(%arg23 : memref<!tpu.dma_semaphore, #tpu.memory_space<semaphore_mem>>) src(%arg15 : memref<128x128xf32, #tpu.memory_space<vmem>>) dst(%dma_wait3A_345 : memref<10240x128xf32, #tpu.memory_space<vmem_shared>>)
        %dma_wait3A_346 = arith.constant 15 : i32
        %dma_wait3A_347 = arith.constant 0 : i32
        %dma_wait3A_348 = tpu.memref_slice %arg13[%dma_wait3A_346, %dma_wait3A_347] : memref<16x128xi32, #tpu.memory_space<vmem>> -> memref<1x128xi32, #tpu.memory_space<vmem>>
        %dma_wait3A_349 = tpu.memref_squeeze %dma_wait3A_348 : memref<1x128xi32, #tpu.memory_space<vmem>> -> memref<128xi32, #tpu.memory_space<vmem>>
        %dma_wait3A_350 = arith.constant 0 : i32
        %dma_wait3A_351 = tpu.memref_slice %arg19[%dma_wait3A_350] : memref<10240xf32, #tpu.memory_space<vmem_shared>> -> memref<10240xf32, #tpu.memory_space<vmem_shared>>
        tpu.wait_indirect_dma semaphore(%arg23 : memref<!tpu.dma_semaphore, #tpu.memory_space<semaphore_mem>>) src(%arg16 : memref<128xf32, #tpu.memory_space<vmem>>) dst(%dma_wait3A_351 : memref<10240xf32, #tpu.memory_space<vmem_shared>>)
        %convert_element_type3A_352 = arith.extui %lt3A_264 : i1 to i32
        %cond3A_353 = arith.constant 0 : i32
        %cond3A_354 = arith.cmpi ne, %convert_element_type3A_352, %cond3A_353 : i32
        scf.if %cond3A_354 {
          %dma_start3A_358 = arith.constant 1 : i32
          %dma_start3A_359 = arith.constant 0 : i32
          %dma_start3A_360 = tpu.memref_slice %arg10[%dma_start3A_358, %dma_start3A_359] : memref<16x128xi32, #tpu.memory_space<vmem>> -> memref<1x128xi32, #tpu.memory_space<vmem>>
          %dma_start3A_361 = tpu.memref_squeeze %dma_start3A_360 : memref<1x128xi32, #tpu.memory_space<vmem>> -> memref<128xi32, #tpu.memory_space<vmem>>
          %dma_start3A_362 = arith.constant 0 : i32
          %dma_start3A_363 = arith.constant 0 : i32
          %dma_start3A_364 = tpu.memref_slice %arg3[%dma_start3A_362, %dma_start3A_363] : memref<10000x128xf32, #tpu.memory_space<hbm>> -> memref<10000x128xf32, #tpu.memory_space<hbm>>
          tpu.enqueue_indirect_dma source(%dma_start3A_364 : memref<10000x128xf32, #tpu.memory_space<hbm>>) target(%arg15 : memref<128x128xf32, #tpu.memory_space<vmem>>) offsets(%dma_start3A_361 : memref<128xi32, #tpu.memory_space<vmem>>) semaphore(%arg21 : memref<!tpu.dma_semaphore, #tpu.memory_space<semaphore_mem>>)
        } else {
        }
        %convert_element_type3A_355 = arith.extui %lt3A_268 : i1 to i32
        %cond3A_356 = arith.constant 0 : i32
        %cond3A_357 = arith.cmpi ne, %convert_element_type3A_355, %cond3A_356 : i32
        scf.if %cond3A_357 {
          %multiple_of3A_358 = tpu.assume_multiple %select_n3A_276, 8 : i32
          %dma_start3A_359 = arith.constant 0 : i32
          %dma_start3A_360 = arith.constant 0 : i32
          %dma_start3A_361 = tpu.memref_slice %arg5[%dma_start3A_359, %multiple_of3A_358, %dma_start3A_360] : memref<2x2560x128xi32, #tpu.memory_space<hbm>> -> memref<1x16x128xi32, #tpu.memory_space<hbm>>
          %dma_start3A_362 = tpu.memref_squeeze %dma_start3A_361 : memref<1x16x128xi32, #tpu.memory_space<hbm>> -> memref<16x128xi32, #tpu.memory_space<hbm>>
          %dma_start3A_363 = arith.constant 0 : i32
          %dma_start3A_364 = tpu.memref_slice %arg5[%dma_start3A_359, %multiple_of3A_358, %dma_start3A_363] : memref<2x2560x128xi32, #tpu.memory_space<hbm>> -> memref<1x16x128xi32, #tpu.memory_space<hbm>>
          %dma_start3A_365 = tpu.memref_squeeze %dma_start3A_364 : memref<1x16x128xi32, #tpu.memory_space<hbm>> -> memref<16x128xi32, #tpu.memory_space<hbm>>
          tpu.enqueue_dma source(%dma_start3A_365 : memref<16x128xi32, #tpu.memory_space<hbm>>) target(%arg12 : memref<16x128xi32, #tpu.memory_space<vmem>>) target_semaphore(%arg24 : memref<!tpu.dma_semaphore, #tpu.memory_space<semaphore_mem>>)
          %dma_start3A_366 = arith.constant 1 : i32
          %dma_start3A_367 = arith.constant 0 : i32
          %dma_start3A_368 = tpu.memref_slice %arg5[%dma_start3A_366, %multiple_of3A_358, %dma_start3A_367] : memref<2x2560x128xi32, #tpu.memory_space<hbm>> -> memref<1x16x128xi32, #tpu.memory_space<hbm>>
          %dma_start3A_369 = tpu.memref_squeeze %dma_start3A_368 : memref<1x16x128xi32, #tpu.memory_space<hbm>> -> memref<16x128xi32, #tpu.memory_space<hbm>>
          %dma_start3A_370 = arith.constant 0 : i32
          %dma_start3A_371 = tpu.memref_slice %arg5[%dma_start3A_366, %multiple_of3A_358, %dma_start3A_370] : memref<2x2560x128xi32, #tpu.memory_space<hbm>> -> memref<1x16x128xi32, #tpu.memory_space<hbm>>
          %dma_start3A_372 = tpu.memref_squeeze %dma_start3A_371 : memref<1x16x128xi32, #tpu.memory_space<hbm>> -> memref<16x128xi32, #tpu.memory_space<hbm>>
          tpu.enqueue_dma source(%dma_start3A_372 : memref<16x128xi32, #tpu.memory_space<hbm>>) target(%arg13 : memref<16x128xi32, #tpu.memory_space<vmem>>) target_semaphore(%arg24 : memref<!tpu.dma_semaphore, #tpu.memory_space<semaphore_mem>>)
        } else {
        }
      }
      %scan3A_134 = arith.constant 5 : i32
    } else {
    }
    %barrier3A_84 = arith.constant 0 : index
    tpu.barrier barrier_id(%barrier3A_84)
    %mul3A_85 = arith.constant 640 : i32
    %mul3A_86 = arith.muli %arg1, %mul3A_85 : i32
    %eq3A_87 = arith.constant 0 : i32
    %eq3A_88 = arith.cmpi eq, %arg0, %eq3A_87 : i32
    %convert_element_type3A_89 = arith.extui %eq3A_88 : i1 to i32
    %cond3A_90 = arith.constant 0 : i32
    %cond3A_91 = arith.cmpi ne, %convert_element_type3A_89, %cond3A_90 : i32
    scf.if %cond3A_91 {
      "tpu.region"() ({
        %run_scoped3A = tpu.sem_alloc : memref<!tpu.dma_semaphore, #tpu.memory_space<semaphore_mem>>
        %dma_start3A = arith.constant 0 : i32
        %dma_start3A_97 = tpu.memref_slice %arg6[%mul3A_86, %dma_start3A] : memref<10240x128xf32, #tpu.memory_space<hbm>> -> memref<640x128xf32, #tpu.memory_space<hbm>>
        %dma_start3A_98 = arith.constant 0 : i32
        %dma_start3A_99 = tpu.memref_slice %arg18[%mul3A_86, %dma_start3A_98] : memref<10240x128xf32, #tpu.memory_space<vmem_shared>> -> memref<640x128xf32, #tpu.memory_space<vmem_shared>>
        tpu.enqueue_dma source(%dma_start3A_99 : memref<640x128xf32, #tpu.memory_space<vmem_shared>>) target(%dma_start3A_97 : memref<640x128xf32, #tpu.memory_space<hbm>>) target_semaphore(%run_scoped3A : memref<!tpu.dma_semaphore, #tpu.memory_space<semaphore_mem>>)
        %dma_wait3A = arith.constant 0 : i32
        %dma_wait3A_100 = tpu.memref_slice %arg6[%mul3A_86, %dma_wait3A] : memref<10240x128xf32, #tpu.memory_space<hbm>> -> memref<640x128xf32, #tpu.memory_space<hbm>>
        %dma_wait3A_101 = arith.constant 0 : i32
        %dma_wait3A_102 = tpu.memref_slice %arg18[%mul3A_86, %dma_wait3A_101] : memref<10240x128xf32, #tpu.memory_space<vmem_shared>> -> memref<640x128xf32, #tpu.memory_space<vmem_shared>>
        tpu.wait_dma2 semaphore(%run_scoped3A : memref<!tpu.dma_semaphore, #tpu.memory_space<semaphore_mem>>) src(%dma_wait3A_102 : memref<640x128xf32, #tpu.memory_space<vmem_shared>>) dst(%dma_wait3A_100 : memref<640x128xf32, #tpu.memory_space<hbm>>)
        tpu.yield
      }) : () -> ()
      "tpu.region"() ({
        %run_scoped3A = tpu.sem_alloc : memref<!tpu.dma_semaphore, #tpu.memory_space<semaphore_mem>>
        %dma_start3A = tpu.memref_slice %arg7[%mul3A_86] : memref<10240xf32, #tpu.memory_space<hbm>> -> memref<640xf32, #tpu.memory_space<hbm>>
        %dma_start3A_97 = tpu.memref_slice %arg19[%mul3A_86] : memref<10240xf32, #tpu.memory_space<vmem_shared>> -> memref<640xf32, #tpu.memory_space<vmem_shared>>
        tpu.enqueue_dma source(%dma_start3A_97 : memref<640xf32, #tpu.memory_space<vmem_shared>>) target(%dma_start3A : memref<640xf32, #tpu.memory_space<hbm>>) target_semaphore(%run_scoped3A : memref<!tpu.dma_semaphore, #tpu.memory_space<semaphore_mem>>)
        %dma_wait3A = tpu.memref_slice %arg7[%mul3A_86] : memref<10240xf32, #tpu.memory_space<hbm>> -> memref<640xf32, #tpu.memory_space<hbm>>
        %dma_wait3A_98 = tpu.memref_slice %arg19[%mul3A_86] : memref<10240xf32, #tpu.memory_space<vmem_shared>> -> memref<640xf32, #tpu.memory_space<vmem_shared>>
        tpu.wait_dma2 semaphore(%run_scoped3A : memref<!tpu.dma_semaphore, #tpu.memory_space<semaphore_mem>>) src(%dma_wait3A_98 : memref<640xf32, #tpu.memory_space<vmem_shared>>) dst(%dma_wait3A : memref<640xf32, #tpu.memory_space<hbm>>)
        tpu.yield
      }) : () -> ()
    } else {
    }
    %eq3A_92 = arith.constant 1 : i32
    %eq3A_93 = arith.cmpi eq, %arg0, %eq3A_92 : i32
    %convert_element_type3A_94 = arith.extui %eq3A_93 : i1 to i32
    %cond3A_95 = arith.constant 0 : i32
    %cond3A_96 = arith.cmpi ne, %convert_element_type3A_94, %cond3A_95 : i32
    scf.if %cond3A_96 {
      "tpu.region"() ({
        %run_scoped3A = tpu.sem_alloc : memref<!tpu.dma_semaphore, #tpu.memory_space<semaphore_mem>>
        %dma_start3A = arith.constant 0 : i32
        %dma_start3A_97 = tpu.memref_slice %arg8[%mul3A_86, %dma_start3A] : memref<10240x128xf32, #tpu.memory_space<hbm>> -> memref<640x128xf32, #tpu.memory_space<hbm>>
        %dma_start3A_98 = arith.constant 0 : i32
        %dma_start3A_99 = tpu.memref_slice %arg18[%mul3A_86, %dma_start3A_98] : memref<10240x128xf32, #tpu.memory_space<vmem_shared>> -> memref<640x128xf32, #tpu.memory_space<vmem_shared>>
        tpu.enqueue_dma source(%dma_start3A_99 : memref<640x128xf32, #tpu.memory_space<vmem_shared>>) target(%dma_start3A_97 : memref<640x128xf32, #tpu.memory_space<hbm>>) target_semaphore(%run_scoped3A : memref<!tpu.dma_semaphore, #tpu.memory_space<semaphore_mem>>)
        %dma_wait3A = arith.constant 0 : i32
        %dma_wait3A_100 = tpu.memref_slice %arg8[%mul3A_86, %dma_wait3A] : memref<10240x128xf32, #tpu.memory_space<hbm>> -> memref<640x128xf32, #tpu.memory_space<hbm>>
        %dma_wait3A_101 = arith.constant 0 : i32
        %dma_wait3A_102 = tpu.memref_slice %arg18[%mul3A_86, %dma_wait3A_101] : memref<10240x128xf32, #tpu.memory_space<vmem_shared>> -> memref<640x128xf32, #tpu.memory_space<vmem_shared>>
        tpu.wait_dma2 semaphore(%run_scoped3A : memref<!tpu.dma_semaphore, #tpu.memory_space<semaphore_mem>>) src(%dma_wait3A_102 : memref<640x128xf32, #tpu.memory_space<vmem_shared>>) dst(%dma_wait3A_100 : memref<640x128xf32, #tpu.memory_space<hbm>>)
        tpu.yield
      }) : () -> ()
      "tpu.region"() ({
        %run_scoped3A = tpu.sem_alloc : memref<!tpu.dma_semaphore, #tpu.memory_space<semaphore_mem>>
        %dma_start3A = tpu.memref_slice %arg9[%mul3A_86] : memref<10240xf32, #tpu.memory_space<hbm>> -> memref<640xf32, #tpu.memory_space<hbm>>
        %dma_start3A_97 = tpu.memref_slice %arg19[%mul3A_86] : memref<10240xf32, #tpu.memory_space<vmem_shared>> -> memref<640xf32, #tpu.memory_space<vmem_shared>>
        tpu.enqueue_dma source(%dma_start3A_97 : memref<640xf32, #tpu.memory_space<vmem_shared>>) target(%dma_start3A : memref<640xf32, #tpu.memory_space<hbm>>) target_semaphore(%run_scoped3A : memref<!tpu.dma_semaphore, #tpu.memory_space<semaphore_mem>>)
        %dma_wait3A = tpu.memref_slice %arg9[%mul3A_86] : memref<10240xf32, #tpu.memory_space<hbm>> -> memref<640xf32, #tpu.memory_space<hbm>>
        %dma_wait3A_98 = tpu.memref_slice %arg19[%mul3A_86] : memref<10240xf32, #tpu.memory_space<vmem_shared>> -> memref<640xf32, #tpu.memory_space<vmem_shared>>
        tpu.wait_dma2 semaphore(%run_scoped3A : memref<!tpu.dma_semaphore, #tpu.memory_space<semaphore_mem>>) src(%dma_wait3A_98 : memref<640xf32, #tpu.memory_space<vmem_shared>>) dst(%dma_wait3A : memref<640xf32, #tpu.memory_space<hbm>>)
        tpu.yield
      }) : () -> ()
    } else {
    }
    return
  }
}

module attributes {stable_mosaic.version = 14 : i64} {
  func.func @hgnn_linear_tc(%arg0: i32, %arg1: memref<1000x128xf32, #tpu.memory_space<vmem>>, %arg2: memref<1000x128xf32, #tpu.memory_space<vmem>>, %arg3: memref<1000x128xf32, #tpu.memory_space<vmem>>, %arg4: memref<1000x1xf32, #tpu.memory_space<vmem>>, %arg5: memref<1000x128xf32, #tpu.memory_space<vmem>>, %arg6: memref<1000x1xf32, #tpu.memory_space<vmem>>, %arg7: memref<128x128xf32, #tpu.memory_space<vmem>>, %arg8: memref<1x128xf32, #tpu.memory_space<vmem>>, %arg9: memref<128x128xf32, #tpu.memory_space<vmem>>, %arg10: memref<1x128xf32, #tpu.memory_space<vmem>>, %arg11: memref<128x128xf32, #tpu.memory_space<vmem>>, %arg12: memref<1x128xf32, #tpu.memory_space<vmem>>, %arg13: memref<128x128xf32, #tpu.memory_space<vmem>>, %arg14: memref<1x128xf32, #tpu.memory_space<vmem>>, %arg15: memref<1000x256xf32, #tpu.memory_space<vmem>>, %arg16: memref<1000x256xf32, #tpu.memory_space<vmem>>) attributes {dimension_semantics = [#tpu.dimension_semantics<arbitrary>], iteration_bounds = array<i64: 10>, scalar_prefetch = 0 : i64, scratch_operands = 0 : i64, tpu.core_type = #tpu.core_type<tc>, window_params = [{transform_indices = @transform_0, window_bounds = array<i64: 1000, 128>}, {transform_indices = @transform_1, window_bounds = array<i64: 1000, 128>}, {transform_indices = @transform_2, window_bounds = array<i64: 1000, 128>}, {transform_indices = @transform_3, window_bounds = array<i64: 1000, 1>}, {transform_indices = @transform_4, window_bounds = array<i64: 1000, 128>}, {transform_indices = @transform_5, window_bounds = array<i64: 1000, 1>}, {pipeline_mode = #tpu.pipeline_mode<synchronous>, transform_indices = @transform_6, window_bounds = array<i64: 128, 128>}, {pipeline_mode = #tpu.pipeline_mode<synchronous>, transform_indices = @transform_7, window_bounds = array<i64: 1, 128>}, {pipeline_mode = #tpu.pipeline_mode<synchronous>, transform_indices = @transform_8, window_bounds = array<i64: 128, 128>}, {pipeline_mode = #tpu.pipeline_mode<synchronous>, transform_indices = @transform_9, window_bounds = array<i64: 1, 128>}, {pipeline_mode = #tpu.pipeline_mode<synchronous>, transform_indices = @transform_10, window_bounds = array<i64: 128, 128>}, {pipeline_mode = #tpu.pipeline_mode<synchronous>, transform_indices = @transform_11, window_bounds = array<i64: 1, 128>}, {pipeline_mode = #tpu.pipeline_mode<synchronous>, transform_indices = @transform_12, window_bounds = array<i64: 128, 128>}, {pipeline_mode = #tpu.pipeline_mode<synchronous>, transform_indices = @transform_13, window_bounds = array<i64: 1, 128>}, {transform_indices = @transform_14, window_bounds = array<i64: 1000, 256>}, {transform_indices = @transform_15, window_bounds = array<i64: 1000, 256>}]} {
    %get3A = arith.constant 0 : index
    %get3A_0 = arith.constant 0 : index
    %get3A_1 = vector.load %arg6[%get3A, %get3A_0] : memref<1000x1xf32, #tpu.memory_space<vmem>>, vector<1000x1xf32>
    %get3A_2 = arith.constant 0 : index
    %get3A_3 = arith.constant 0 : index
    %get3A_4 = vector.load %arg5[%get3A_2, %get3A_3] : memref<1000x128xf32, #tpu.memory_space<vmem>>, vector<1000x128xf32>
    %max3A = arith.constant 1.000000e+00 : f32
    %max3A_5 = vector.broadcast %max3A : f32 to vector<1000x1xf32>
    %max3A_6 = arith.maximumf %get3A_1, %max3A_5 : vector<1000x1xf32>
    %div3A = vector.broadcast %max3A_6 : vector<1000x1xf32> to vector<1000x128xf32>
    %div3A_7 = arith.divf %get3A_4, %div3A : vector<1000x128xf32>
    %get3A_8 = arith.constant 0 : index
    %get3A_9 = arith.constant 0 : index
    %get3A_10 = vector.load %arg9[%get3A_8, %get3A_9] : memref<128x128xf32, #tpu.memory_space<vmem>>, vector<128x128xf32>
    %dot_general3A = arith.constant dense<0.000000e+00> : vector<1000x128xf32>
    %dot_general3A_11 = tpu.matmul %div3A_7, %get3A_10, %dot_general3A {dimension_numbers = #tpu.dot_dimension_numbers<[1], [1], [0], [0], [0, 0, 1, 0], [], []>, precision = #tpu.contract_precision<fp32>, transpose_lhs_hint = false} : vector<1000x128xf32>, vector<128x128xf32>, vector<1000x128xf32> -> vector<1000x128xf32>
    %gt3A = arith.constant 0.000000e+00 : f32
    %gt3A_12 = vector.broadcast %gt3A : f32 to vector<1000x1xf32>
    %gt3A_13 = arith.cmpf ogt, %get3A_1, %gt3A_12 : vector<1000x1xf32>
    %get3A_14 = arith.constant 0 : index
    %get3A_15 = arith.constant 0 : index
    %get3A_16 = vector.load %arg10[%get3A_14, %get3A_15] : memref<1x128xf32, #tpu.memory_space<vmem>>, vector<1x128xf32>
    %jit3A = arith.constant 0.000000e+00 : f32
    %broadcast_in_dim3A = vector.shape_cast %gt3A_13 : vector<1000x1xi1> to vector<1000x1xi1>
    %broadcast_in_dim3A_17 = vector.broadcast %broadcast_in_dim3A : vector<1000x1xi1> to vector<1000x128xi1>
    %broadcast_in_dim3A_18 = vector.shape_cast %get3A_16 : vector<1x128xf32> to vector<1x128xf32>
    %broadcast_in_dim3A_19 = vector.broadcast %broadcast_in_dim3A_18 : vector<1x128xf32> to vector<1000x128xf32>
    %broadcast_in_dim3A_20 = vector.broadcast %jit3A : f32 to vector<1000x128xf32>
    %select_n3A = arith.select %broadcast_in_dim3A_17, %broadcast_in_dim3A_19, %broadcast_in_dim3A_20 : vector<1000x128xi1>, vector<1000x128xf32>
    %add3A = arith.addf %dot_general3A_11, %select_n3A : vector<1000x128xf32>
    %get3A_21 = arith.constant 0 : index
    %get3A_22 = arith.constant 0 : index
    %get3A_23 = vector.load %arg1[%get3A_21, %get3A_22] : memref<1000x128xf32, #tpu.memory_space<vmem>>, vector<1000x128xf32>
    %get3A_24 = arith.constant 0 : index
    %get3A_25 = arith.constant 0 : index
    %get3A_26 = vector.load %arg11[%get3A_24, %get3A_25] : memref<128x128xf32, #tpu.memory_space<vmem>>, vector<128x128xf32>
    %dot_general3A_27 = arith.constant dense<0.000000e+00> : vector<1000x128xf32>
    %dot_general3A_28 = tpu.matmul %get3A_23, %get3A_26, %dot_general3A_27 {dimension_numbers = #tpu.dot_dimension_numbers<[1], [1], [0], [0], [0, 0, 1, 0], [], []>, precision = #tpu.contract_precision<fp32>, transpose_lhs_hint = false} : vector<1000x128xf32>, vector<128x128xf32>, vector<1000x128xf32> -> vector<1000x128xf32>
    %get3A_29 = arith.constant 0 : index
    %get3A_30 = arith.constant 0 : index
    %get3A_31 = vector.load %arg12[%get3A_29, %get3A_30] : memref<1x128xf32, #tpu.memory_space<vmem>>, vector<1x128xf32>
    %add3A_32 = vector.broadcast %get3A_31 : vector<1x128xf32> to vector<1000x128xf32>
    %add3A_33 = arith.addf %dot_general3A_28, %add3A_32 : vector<1000x128xf32>
    %concatenate3A = tpu.concatenate %add3A_33, %add3A in 1 : vector<1000x128xf32>, vector<1000x128xf32> -> vector<1000x256xf32>
    %swap3A = arith.constant 0 : index
    %swap3A_34 = arith.constant 0 : index
    %swap3A_35 = vector.load %arg15[%swap3A, %swap3A_34] : memref<1000x256xf32, #tpu.memory_space<vmem>>, vector<1000x256xf32>
    tpu.vector_store %arg15[%swap3A, %swap3A_34], %concatenate3A {strides = array<i32>} : memref<1000x256xf32, #tpu.memory_space<vmem>>, vector<1000x256xf32>,
    %get3A_36 = arith.constant 0 : index
    %get3A_37 = arith.constant 0 : index
    %get3A_38 = vector.load %arg4[%get3A_36, %get3A_37] : memref<1000x1xf32, #tpu.memory_space<vmem>>, vector<1000x1xf32>
    %get3A_39 = arith.constant 0 : index
    %get3A_40 = arith.constant 0 : index
    %get3A_41 = vector.load %arg3[%get3A_39, %get3A_40] : memref<1000x128xf32, #tpu.memory_space<vmem>>, vector<1000x128xf32>
    %max3A_42 = arith.constant 1.000000e+00 : f32
    %max3A_43 = vector.broadcast %max3A_42 : f32 to vector<1000x1xf32>
    %max3A_44 = arith.maximumf %get3A_38, %max3A_43 : vector<1000x1xf32>
    %div3A_45 = vector.broadcast %max3A_44 : vector<1000x1xf32> to vector<1000x128xf32>
    %div3A_46 = arith.divf %get3A_41, %div3A_45 : vector<1000x128xf32>
    %get3A_47 = arith.constant 0 : index
    %get3A_48 = arith.constant 0 : index
    %get3A_49 = vector.load %arg7[%get3A_47, %get3A_48] : memref<128x128xf32, #tpu.memory_space<vmem>>, vector<128x128xf32>
    %dot_general3A_50 = arith.constant dense<0.000000e+00> : vector<1000x128xf32>
    %dot_general3A_51 = tpu.matmul %div3A_46, %get3A_49, %dot_general3A_50 {dimension_numbers = #tpu.dot_dimension_numbers<[1], [1], [0], [0], [0, 0, 1, 0], [], []>, precision = #tpu.contract_precision<fp32>, transpose_lhs_hint = false} : vector<1000x128xf32>, vector<128x128xf32>, vector<1000x128xf32> -> vector<1000x128xf32>
    %gt3A_52 = arith.constant 0.000000e+00 : f32
    %gt3A_53 = vector.broadcast %gt3A_52 : f32 to vector<1000x1xf32>
    %gt3A_54 = arith.cmpf ogt, %get3A_38, %gt3A_53 : vector<1000x1xf32>
    %get3A_55 = arith.constant 0 : index
    %get3A_56 = arith.constant 0 : index
    %get3A_57 = vector.load %arg8[%get3A_55, %get3A_56] : memref<1x128xf32, #tpu.memory_space<vmem>>, vector<1x128xf32>
    %jit3A_58 = arith.constant 0.000000e+00 : f32
    %broadcast_in_dim3A_59 = vector.shape_cast %gt3A_54 : vector<1000x1xi1> to vector<1000x1xi1>
    %broadcast_in_dim3A_60 = vector.broadcast %broadcast_in_dim3A_59 : vector<1000x1xi1> to vector<1000x128xi1>
    %broadcast_in_dim3A_61 = vector.shape_cast %get3A_57 : vector<1x128xf32> to vector<1x128xf32>
    %broadcast_in_dim3A_62 = vector.broadcast %broadcast_in_dim3A_61 : vector<1x128xf32> to vector<1000x128xf32>
    %broadcast_in_dim3A_63 = vector.broadcast %jit3A_58 : f32 to vector<1000x128xf32>
    %select_n3A_64 = arith.select %broadcast_in_dim3A_60, %broadcast_in_dim3A_62, %broadcast_in_dim3A_63 : vector<1000x128xi1>, vector<1000x128xf32>
    %add3A_65 = arith.addf %dot_general3A_51, %select_n3A_64 : vector<1000x128xf32>
    %get3A_66 = arith.constant 0 : index
    %get3A_67 = arith.constant 0 : index
    %get3A_68 = vector.load %arg2[%get3A_66, %get3A_67] : memref<1000x128xf32, #tpu.memory_space<vmem>>, vector<1000x128xf32>
    %get3A_69 = arith.constant 0 : index
    %get3A_70 = arith.constant 0 : index
    %get3A_71 = vector.load %arg13[%get3A_69, %get3A_70] : memref<128x128xf32, #tpu.memory_space<vmem>>, vector<128x128xf32>
    %dot_general3A_72 = arith.constant dense<0.000000e+00> : vector<1000x128xf32>
    %dot_general3A_73 = tpu.matmul %get3A_68, %get3A_71, %dot_general3A_72 {dimension_numbers = #tpu.dot_dimension_numbers<[1], [1], [0], [0], [0, 0, 1, 0], [], []>, precision = #tpu.contract_precision<fp32>, transpose_lhs_hint = false} : vector<1000x128xf32>, vector<128x128xf32>, vector<1000x128xf32> -> vector<1000x128xf32>
    %get3A_74 = arith.constant 0 : index
    %get3A_75 = arith.constant 0 : index
    %get3A_76 = vector.load %arg14[%get3A_74, %get3A_75] : memref<1x128xf32, #tpu.memory_space<vmem>>, vector<1x128xf32>
    %add3A_77 = vector.broadcast %get3A_76 : vector<1x128xf32> to vector<1000x128xf32>
    %add3A_78 = arith.addf %dot_general3A_73, %add3A_77 : vector<1000x128xf32>
    %concatenate3A_79 = tpu.concatenate %add3A_78, %add3A_65 in 1 : vector<1000x128xf32>, vector<1000x128xf32> -> vector<1000x256xf32>
    %swap3A_80 = arith.constant 0 : index
    %swap3A_81 = arith.constant 0 : index
    %swap3A_82 = vector.load %arg16[%swap3A_80, %swap3A_81] : memref<1000x256xf32, #tpu.memory_space<vmem>>, vector<1000x256xf32>
    tpu.vector_store %arg16[%swap3A_80, %swap3A_81], %concatenate3A_79 {strides = array<i32>} : memref<1000x256xf32, #tpu.memory_space<vmem>>, vector<1000x256xf32>,
    return
  }
  func.func @transform_0(%arg0: i32) -> (i32, i32) {
    %c0_i32 = arith.constant 0 : i32
    %c0_i32_0 = arith.constant 0 : i32
    return %arg0, %c0_i32 : i32, i32
  }
  func.func @transform_1(%arg0: i32) -> (i32, i32) {
    %c0_i32 = arith.constant 0 : i32
    %c0_i32_0 = arith.constant 0 : i32
    return %arg0, %c0_i32 : i32, i32
  }
  func.func @transform_2(%arg0: i32) -> (i32, i32) {
    %c0_i32 = arith.constant 0 : i32
    %c0_i32_0 = arith.constant 0 : i32
    return %arg0, %c0_i32 : i32, i32
  }
  func.func @transform_3(%arg0: i32) -> (i32, i32) {
    %c0_i32 = arith.constant 0 : i32
    %c0_i32_0 = arith.constant 0 : i32
    return %arg0, %c0_i32 : i32, i32
  }
  func.func @transform_4(%arg0: i32) -> (i32, i32) {
    %c0_i32 = arith.constant 0 : i32
    %c0_i32_0 = arith.constant 0 : i32
    return %arg0, %c0_i32 : i32, i32
  }
  func.func @transform_5(%arg0: i32) -> (i32, i32) {
    %c0_i32 = arith.constant 0 : i32
    %c0_i32_0 = arith.constant 0 : i32
    return %arg0, %c0_i32 : i32, i32
  }
  func.func @transform_6(%arg0: i32) -> (i32, i32) {
    %c0_i32 = arith.constant 0 : i32
    %c0_i32_0 = arith.constant 0 : i32
    %c0_i32_1 = arith.constant 0 : i32
    return %c0_i32, %c0_i32_0 : i32, i32
  }
  func.func @transform_7(%arg0: i32) -> (i32, i32) {
    %c0_i32 = arith.constant 0 : i32
    %c0_i32_0 = arith.constant 0 : i32
    %c0_i32_1 = arith.constant 0 : i32
    return %c0_i32, %c0_i32_0 : i32, i32
  }
  func.func @transform_8(%arg0: i32) -> (i32, i32) {
    %c0_i32 = arith.constant 0 : i32
    %c0_i32_0 = arith.constant 0 : i32
    %c0_i32_1 = arith.constant 0 : i32
    return %c0_i32, %c0_i32_0 : i32, i32
  }
  func.func @transform_9(%arg0: i32) -> (i32, i32) {
    %c0_i32 = arith.constant 0 : i32
    %c0_i32_0 = arith.constant 0 : i32
    %c0_i32_1 = arith.constant 0 : i32
    return %c0_i32, %c0_i32_0 : i32, i32
  }
  func.func @transform_10(%arg0: i32) -> (i32, i32) {
    %c0_i32 = arith.constant 0 : i32
    %c0_i32_0 = arith.constant 0 : i32
    %c0_i32_1 = arith.constant 0 : i32
    return %c0_i32, %c0_i32_0 : i32, i32
  }
  func.func @transform_11(%arg0: i32) -> (i32, i32) {
    %c0_i32 = arith.constant 0 : i32
    %c0_i32_0 = arith.constant 0 : i32
    %c0_i32_1 = arith.constant 0 : i32
    return %c0_i32, %c0_i32_0 : i32, i32
  }
  func.func @transform_12(%arg0: i32) -> (i32, i32) {
    %c0_i32 = arith.constant 0 : i32
    %c0_i32_0 = arith.constant 0 : i32
    %c0_i32_1 = arith.constant 0 : i32
    return %c0_i32, %c0_i32_0 : i32, i32
  }
  func.func @transform_13(%arg0: i32) -> (i32, i32) {
    %c0_i32 = arith.constant 0 : i32
    %c0_i32_0 = arith.constant 0 : i32
    %c0_i32_1 = arith.constant 0 : i32
    return %c0_i32, %c0_i32_0 : i32, i32
  }
  func.func @transform_14(%arg0: i32) -> (i32, i32) {
    %c0_i32 = arith.constant 0 : i32
    %c0_i32_0 = arith.constant 0 : i32
    return %arg0, %c0_i32 : i32, i32
  }
  func.func @transform_15(%arg0: i32) -> (i32, i32) {
    %c0_i32 = arith.constant 0 : i32
    %c0_i32_0 = arith.constant 0 : i32
    return %arg0, %c0_i32 : i32, i32
  }
}

</mosaic_0001>

<sc_bundles>
// kernel: hgnn_segment_sum_sc.3.cloned.1.call-start
scs
__scs_entry_jumppad:
0x0: {  	(pc) =	sbr.rel $0x88, $3  }
0x1: {  	(tag) =	ssettag $0x0;
	lr =	simm.s32 $0x1  }
0x2: {  	[smem:$0x3F95] =	sst lr;
	_ =	strace $0xD0000000  }
0x3: {  	_ = 	snop  }
0x4: {  	_ = 	snop  }
0x5: {  	_ = 	snop  }
0x6: {  	_ = 	snop  }
0x7: {  	_ = 	snop  }
__scs_overlays_trampoline_lowered:
0x8: {  	[smem:$0x3FA4] =	sst s0  }
0x9: {  	[smem:$0x3FA5] =	sst s1  }
0xa: {  	[smem:$0x3FA6] =	sst s2  }
0xb: {  	[smem:$0x3FA7] =	sst s3  }
0xc: {  	[smem:$0x3FA8] =	sst s4  }
0xd: {  	[smem:$0x3FA9] =	sst s5  }
0xe: {  	[smem:$0x3FAA] =	sst s6  }
0xf: {  	[smem:$0x3FAB] =	sst s7  }
0x10: {  	[smem:$0x3FAC] =	sst s8  }
0x11: {  	[smem:$0x3FAD] =	sst s9;
	s0 =	simm.s32 @!p0 $0x0  }
0x12: {  	s1 =	sld [smem:$0x3F93];
	s0 =	simm.s32 @p0 $0x1  }
0x13: {  	[smem:$0x3FAE] =	sst s0;
	s0 =	simm.s32 @!p1 $0x0  }
0x14: {  	s2 =	sld [smem:$0x3F92];
	s0 =	simm.s32 @p1 $0x1  }
0x15: {  	[smem:$0x3FAF] =	sst s0;
	s0 =	simm.s32 @!p2 $0x0  }
0x16: {  	s3 =	sld [smem:$0x3FDB];
	s0 =	simm.s32 @p2 $0x1  }
0x17: {  	s4 =	simm.s32 $0x1BF5;
	[smem:$0x3FB1] =	sst s0  }
0x18: {  	s0 =	sld [smem:$0x3F94];
	_ =	swait.ge [sflag:s4], $0x0  }
0x19: {  	s7 =	sld [smem:$0x3F95]  }
0x1a: {  	s8 =	sadd.s32 $0xFFFFE003, lr  }
0x1b: {  	s9 =	sadd.s32 $0xFFFFFEF7, lr;
	s5 =	simm.s32 $0xFFFFFFFF;
	p2 =	slt.u32 s8, $0xFFFFF086  }
0x1c: {  	p1 =	slt.u32 s9, $0xF7A;
	s5 =	simm.s32 @!p2 $0x0  }
0x1d: {  	s5 =	simm.s32 @p1 $0x1;
	p0 =	seq.s32 s7, s2  }
0x1e: {  	s7 =	smul.u32 @!p0 $0xF7A, s2;
	p2 =	seq.s32 @!p0 s5, $0x0  }
0x1f: {  	s9 =	smul.u32 $0xF7A, s1;
	s8 =	simm.s32 @!p0 $0x1BF5;
	p2 =	por !p2, p0  }
0x20: {  	[sflag:s8] =	ssyncset.s32 @!p0 $0xFFFFF086;
	s6 =	sadd.s32 @!p0 s3, s7;
	s7 =	simm.s32 @!p0 $0x108  }
0x21: {  	s3 =	sadd.s32 s3, s9;
	s6 =	sadd.s32 @!p0 $0x88, s6;
	s7 =	simm.s32 @p2 $0x1082  }
0x22: {  	[simem:s7], [sflag:s8] =	dma.local @!p0 [hbm:s6], $0xF7A  }
0x23: {  	s9 =	sor.u32 $0xD0000000, s2;
	s6 =	simm.s32 $0x108;
	_ =	swait.ge @!p0 [sflag:s8], $0x0  }
0x24: {  	s3 =	sadd.s32 $0x88, s3;
	s6 =	simm.s32 @!p1 $0x1082;
	[sflag:s4] =	ssyncset.s32 $0xFFFFF086  }
0x25: {  	[simem:s6], [sflag:s4] =	dma.local [hbm:s3], $0xF7A  }
0x26: {  	[smem:$0x3F95] =	sst s1;
	(tag) =	ssettag s2;
	_ =	strace s9  }
0x27: {  	s1 =	sld [smem:$0x3FA5]  }
0x28: {  	s2 =	sld [smem:$0x3FA6]  }
0x29: {  	s4 =	sld [smem:$0x3FA8]  }
0x2a: {  	p0 =	seq.s32 s5, $0x0;
	s5 =	sld [smem:$0x3FA9]  }
0x2b: {  	s6 =	sld [smem:$0x3FAA]  }
0x2c: {  	s7 =	sld [smem:$0x3FAB]  }
0x2d: {  	s3 =	simm.s32 $0x108;
	s8 =	sld [smem:$0x3FAC]  }
0x2e: {  	s3 =	simm.s32 @!p0 $0x1082;
	s9 =	sld [smem:$0x3FAD]  }
0x2f: {  	lr =	sadd.s32 s0, s3;
	s0 =	sld [smem:$0x3FA4]  }
0x30: {  	s3 =	sld [smem:$0x3FA7]  }
0x31: {  	[smem:$0x3FB0] =	sst s10  }
0x32: {  	s10 =	sld [smem:$0x3FAE];
	_ =	sdelay $0x3  }
0x33: {  	p0 =	seq.s32 s10, $0x1;
	s10 =	sld [smem:$0x3FB0];
	_ =	sdelay $0x3  }
0x34: {  	[smem:$0x3FB0] =	sst s10  }
0x35: {  	s10 =	sld [smem:$0x3FAF];
	_ =	sdelay $0x3  }
0x36: {  	p1 =	seq.s32 s10, $0x1;
	s10 =	sld [smem:$0x3FB0];
	_ =	sdelay $0x3  }
0x37: {  	[smem:$0x3FB0] =	sst s10  }
0x38: {  	s10 =	sld [smem:$0x3FB1]  }
0x39: {  	_ = 	snop;
	(pc) =	sbr.ind lr, $3  }
0x3a: {  	_ = 	snop  }
0x3b: {  	_ = 	snop  }
0x3c: {  	p2 =	seq.s32 s10, $0x1;
	s10 =	sld [smem:$0x3FB0]  }
0x3d: {  	_ =	shalt  }
0x3e: {  	_ =	shalt  }
0x3f: {  	_ =	shalt  }
0x40: {  	_ =	shalt  }
0x41: {  	_ =	shalt  }
0x42: {  	_ =	shalt  }
0x43: {  	_ =	shalt  }
0x44: {  	_ =	shalt  }
0x45: {  	_ =	shalt  }
0x46: {  	_ =	shalt  }
0x47: {  	_ =	shalt  }
0x48: {  	_ =	shalt  }
0x49: {  	_ =	shalt  }
0x4a: {  	_ =	shalt  }
0x4b: {  	_ =	shalt  }
0x4c: {  	_ =	shalt  }
0x4d: {  	_ =	shalt  }
0x4e: {  	_ =	shalt  }
0x4f: {  	_ =	shalt  }
0x50: {  	_ =	shalt  }
0x51: {  	_ =	shalt  }
0x52: {  	_ =	shalt  }
0x53: {  	_ =	shalt  }
0x54: {  	_ =	shalt  }
0x55: {  	_ =	shalt  }
0x56: {  	_ =	shalt  }
0x57: {  	_ =	shalt  }
0x58: {  	_ =	shalt  }
0x59: {  	_ =	shalt  }
0x5a: {  	_ =	shalt  }
0x5b: {  	_ =	shalt  }
0x5c: {  	_ =	shalt  }
0x5d: {  	_ =	shalt  }
0x5e: {  	_ =	shalt  }
0x5f: {  	_ =	shalt  }
0x60: {  	_ =	shalt  }
0x61: {  	_ =	shalt  }
0x62: {  	_ =	shalt  }
0x63: {  	_ =	shalt  }
0x64: {  	_ =	shalt  }
0x65: {  	_ =	shalt  }
0x66: {  	_ =	shalt  }
0x67: {  	_ =	shalt  }
0x68: {  	_ =	shalt  }
0x69: {  	_ =	shalt  }
0x6a: {  	_ =	shalt  }
0x6b: {  	_ =	shalt  }
0x6c: {  	_ =	shalt  }
0x6d: {  	_ =	shalt  }
0x6e: {  	_ =	shalt  }
0x6f: {  	_ =	shalt  }
0x70: {  	_ =	shalt  }
0x71: {  	_ =	shalt  }
0x72: {  	_ =	shalt  }
0x73: {  	_ =	shalt  }
0x74: {  	_ =	shalt  }
0x75: {  	_ =	shalt  }
0x76: {  	_ =	shalt  }
0x77: {  	_ =	shalt  }
0x78: {  	_ =	shalt  }
0x79: {  	_ =	shalt  }
0x7a: {  	_ =	shalt  }
0x7b: {  	_ =	shalt  }
0x7c: {  	_ =	shalt  }
0x7d: {  	_ =	shalt  }
0x7e: {  	_ =	shalt  }
0x7f: {  	_ =	shalt  }
0x80: {  	_ =	shalt  }
0x81: {  	_ =	shalt  }
0x82: {  	_ =	shalt  }
0x83: {  	_ =	shalt  }
0x84: {  	_ =	shalt  }
0x85: {  	_ =	shalt  }
0x86: {  	_ =	shalt  }
0x87: {  	_ =	shalt  }
.Lfunc_end0:
.L_simem_size_0:
called_computation_lowered:
.L_overlay_start_0:
0x88: {  	s2 =	sld [smem:$0x3FD9]  }
0x89: {  	s3 =	sld [smem:$0x3FFE];
	_ =	sdelay $0x1  }
0x8a: {  	s1 =	srdreg.scid  }
0x8b: {  	s0 =	sand.u32 $0x1, s1  }
0x8c: {  	s14 =	sshll.u32 s0, $0xA;
	s2 =	sadd.s32 s3, s2  }
0x8d: {  	s2 =	sadd.s32 s2, s14  }
0x8e: {  	[smem:$0x3FBC] =	sst s2  }
0x8f: {  	_ = 	snop  }
0x90: {  	s2 =	sld [smem:$0x3FD0];
	_ =	sdelay $0x1  }
0x91: {  	s15 =	sld [smem:$0x3FC9]  }
0x92: {  	s5 =	simm.s32 $0xA;
	s6 =	simm.s32 $0x10;
	s4 =	sld [smem:$0x3FC8]  }
0x93: {  	[smem:s6], [sflag:s5] =	dma.local [hbm:s2], $0x1  }
0x94: {  	_ =	swait.eq [sflag:s5], $0x1  }
0x95: {  	[sflag:s5] =	ssyncset.done $0x0  }
0x96: {  	s16 =	sld [smem:$0x10];
	[sflag:s5] =	ssyncadd.s32 $0xFFFFFFFF  }
0x97: {  	s17 =	sld [smem:$0x11];
	(tm) =	ssettm $0x1  }
0x98: {  	s18 =	sld [smem:$0x3FFB];
	_ =	sdelay $0x3  }
0x99: {  	_ =	strace s18  }
0x9a: {  	s6 =	sld [smem:$0x3FFC];
	_ =	sdelay $0x3  }
0x9b: {  	_ =	strace s6  }
0x9c: {  	s6 =	sld [smem:$0x3FFD];
	_ =	sdelay $0x3  }
0x9d: {  	_ =	strace s6  }
0x9e: {  	_ =	strace $0x8FFFFFFF  }
0x9f: {  	s19 =	sld [smem:$0x3FDB];
	_ =	sdelay $0x1  }
0xa0: {  	s7 =	simm.s32 $_scs_section_size  }
0xa1: {  	s8 =	simm.s32 $_size__tile_overlayer_lowered;
	s9 =	simm.s32 $_tile_overlayer_lowered  }
0xa2: {  	s22 =	simm.s32 $0x1BFF;
	s21 =	sshll.u32 s9, $0x1;
	s6 =	sadd.s32 s7, s19  }
0xa3: {  	s10 =	simm.s32 $0x0;
	s20 =	sshll.u32 s8, $0x1;
	s8 =	sadd.s32 s21, s6  }
0xa4: {  	[timem:s10], [sflag:s22] =	dma.local [hbm:s8], s20  }
0xa5: {  	_ =	swait.ge [sflag:s22], s20  }
0xa6: {  	s7 =	ssub.s32 $0x0, s20;
	[sflag:s22] =	ssyncset.done $0x0  }
0xa7: {  	[sflag:s22] =	ssyncadd.s32 s7;
	_ =	sdelay $0x1  }
0xa8: {  	s23 =	simm.s32 $0x1B8B  }
0xa9: {  	_ =	swait.ge [sflag:s23], $0x1  }
0xaa: {  	[sflag:s23] =	ssyncset.done $0x0  }
0xab: {  	s25 =	simm.s32 $0x1B8E;
	s24 =	sld [smem:$0x3FFE];
	[sflag:s23] =	ssyncadd.s32 $0xFFFFFFFF  }
0xac: {  	s26 =	simm.s32 $execute0_lowered;
	[smem:$0x3FD2] =	sst s25  }
0xad: {  	s8 =	sshll.u32 s26, $0x1;
	_ =	strace $0x80000046;
	[dreg:$0x1] =	wrdreg $0xFFFFFFFF  }
0xae: {  	s28 =	simm.s32 $_size_execute0_lowered;
	s6 =	sadd.s32 s6, s8;
	[dreg:$0x0] =	wrdreg $0x0  }
0xaf: {  	s8 =	sshll.u32 s28, $0x1;
	[dreg:$0x2] =	wrdreg s6  }
0xb0: {  	[dreg:$0x3] =	wrdreg s8  }
0xb1: {  	[dreg:$0x4] =	wrdreg $0xC0  }
0xb2: {  	_ =	task [dreg:s10], $0x5FFFF  }
0xb3: {  	[dreg:$0x1] =	wrdreg $0xFFFFFFFF  }
0xb4: {  	[dreg:$0x0] =	wrdreg $0x60  }
0xb5: {  	[dreg:$0x2] =	wrdreg s15  }
0xb6: {  	[dreg:$0x3] =	wrdreg s4  }
0xb7: {  	[dreg:$0x4] =	wrdreg s24  }
0xb8: {  	[dreg:$0x5] =	wrdreg s16  }
0xb9: {  	[dreg:$0x6] =	wrdreg s17  }
0xba: {  	[dreg:$0x7] =	wrdreg $0xA3000  }
0xbb: {  	[dreg:$0x8] =	wrdreg $0x1E3000  }
0xbc: {  	[dreg:$0x9] =	wrdreg $0x9  }
0xbd: {  	_ =	task.clear_ibuf [dreg:s10], $0xAFFFF;
	_ =	strace $0x90000046  }
0xbe: {  	s29 =	simm.s32 $0x9;
	_ =	strace $0x80000048  }
0xbf: {  	_ =	swait.ge [sflag:s29], $0x1  }
0xc0: {  	[sflag:s29] =	ssyncadd.s32 $0xFFFFFFFF  }
0xc1: {  	_ =	strace $0x90000048  }
0xc2: {  	_ =	sfence  }
0xc3: {  	s30 =	sld [smem:$0x0];
	_ =	sdelay $0x2  }
0xc4: {  	s31 =	sshll.u32 s1, $0xD;
	s1 =	sshrl.u32 s1, $0x2  }
0xc5: {  	s3 =	sand.u32 $0x4000, s31;
	s1 =	sadd.s32 s1, s30  }
0xc6: {  	s0 =	sor.u32 s3, s0;
	s1 =	sshll.u32 s1, $0x11  }
0xc7: {  	s0 =	sor.u32 s1, s0  }
0xc8: {  	s0 =	sadd.s32 $0x8F2B, s0  }
0xc9: {  	[sflag:s0] =	ssyncadd.remote.s32 $0x1  }
0xca: {  	_ =	sfence.sel $0xFFFF  }
0xcb: {  	[dreg:$0x0] =	wrdreg $0xFFFFFFFF;
	(pc) =	sbr.abs _section_cstart, $3  }
0xcc: {  	[dreg:$0x1] =	wrdreg $0xFFFFFFFF  }
0xcd: {  	_ =	task.clear_ibuf [dreg:s10], $0x2FFFF;
	_ =	strace $0x9FFFFFFF  }
0xce: {  	(tm) =	ssettm $0x7FFFFFFF  }
0xcf: {  	_ =	shalt  }
tec
execute0_lowered:
.L_overlay_start_1:
0x0: {  	(tag) =	ssettag $0x1  }
0x1: {  	s0 =	rddreg [dreg:$0x0]  }
0x2: {  	s2 =	rddreg [dreg:$0x1]  }
0x3: {  	s1 =	rddreg [dreg:$0x2]  }
0x4: {  	s3 =	rddreg [dreg:$0x3]  }
0x5: {  	s4 =	rddreg [dreg:$0x5]  }
0x6: {  	s5 =	rddreg [dreg:$0x6];
	s6 =	simm.s32 $0x0;
	s7 =	srdreg.scid  }
0x7: {  	s14 =	stileid.u32;
	s31 =	simm.s32 $0x2000;
	s28 =	simm.s32 $0x3  }
0x8: {  	s30 =	simm.s32 $0x1C00;
	s29 =	simm.s32 $0x0;
	[smem:$0x7FF] =	sst s6  }
0x9: {  	s8 =	sadd.s32 $0x3000, s1;
	s7 =	sand.u32 $0x1, s7;
	s10 =	smul.u32 $0x50000, s14  }
0xa: {  	s9 =	sadd.s32 $0x17000, s1;
	s11 =	sadd.s32 $0x17C00, s1;
	s12 =	smul.u32 $0x5000, s14  }
0xb: {  	s21 =	smul.u32 $0x280, s14;
	_ =	strace $0x80000047;
	[dreg:$0x8] =	wrdreg s9  }
0xc: {  	s1 =	sadd.s32 $0x17600, s1;
	[dreg:$0x9] =	wrdreg s11;
	s20 =	sshrl.u32 s10, $0x2  }
0xd: {  	[dreg:$0xa] =	wrdreg s1;
	s15 =	sadd.s32 s20, s4;
	s20 =	sadd.s32 s21, s5  }
0xe: {  	s13 =	smul.u32 $0xA00, s14;
	s21 =	sshrl.u32 s21, $0x3;
	[dreg:$0x17] =	wrdreg s20  }
0xf: {  	s18 =	ssub.s32 $0x2, s7;
	s22 =	sshrl.u32 s12, $0x3;
	[dreg:$0x18] =	wrdreg s21  }
0x10: {  	p0 =	sne.s32 s7, $0x0;
	s16 =	sadd.s32 s3, s22;
	[dreg:$0xb] =	wrdreg s15  }
0x11: {  	s25 =	sadd.s32 $0xA000, s22;
	s9 =	sadd.s32 s8, s22;
	[dreg:$0xe] =	wrdreg s16  }
0x12: {  	s12 =	sadd.s32 $0xA100, s22;
	s22 =	sadd.s32 s13, s3;
	[dreg:$0x11] =	wrdreg s9  }
0x13: {  	s7 =	simm.s32 $0x1E80;
	s23 =	sadd.s32 $0x4000, s15;
	[dreg:$0x14] =	wrdreg s22  }
0x14: {  	s19 =	sshrl.u32 s18, $0x1;
	s24 =	sadd.s32 $0x8000, s15;
	[dreg:$0xc] =	wrdreg s23  }
0x15: {  	s10 =	simm.s32 $0x80;
	s17 =	sadd.s32 s3, s25;
	[dreg:$0xd] =	wrdreg s24  }
0x16: {  	s1 =	ssub.s32 s18, s19;
	s26 =	sadd.s32 s3, s12;
	[dreg:$0xf] =	wrdreg s17  }
0x17: {  	s11 =	sadd.s32 s8, s25;
	s18 =	sadd.s32 s8, s12;
	[dreg:$0x10] =	wrdreg s26  }
0x18: {  	s3 =	sadd.s32 s13, s8;
	s19 =	sadd.s32 $0xC000, s15;
	[dreg:$0x12] =	wrdreg s11  }
0x19: {  	s1 =	smax.u32 s1, $0x1;
	s25 =	smul.u32 $0x2800, s14;
	[dreg:$0x13] =	wrdreg s18  }
0x1a: {  	s12 =	simm.s32 $0x6;
	s21 =	simm.s32 $0x5;
	[dreg:$0x16] =	wrdreg s19  }
0x1b: {  	s13 =	simm.s32 $0x1C80;
	s20 =	simm.s32 $0x1F80;
	[dreg:$0x19] =	wrdreg s1  }
0x1c: {  	s23 =	sadd.s32 $0x10000, s15;
	s24 =	sadd.s32 $0x100, s16;
	s26 =	sadd.s32 $0x100, s9  }
0x1d: {  	s9 =	simm.s32 $0x1800;
	s15 =	simm.s32 $0x6000;
	[dreg:$0x15] =	wrdreg s3  }
.Ltmp0:
0x1e: {  	s16 =	simm.s32 $0x1;
	[dreg:$0x1a] =	wrdreg s23;
	(pc) =	sbr.rel .LBB2_1-.Ltmp0, $4  }
0x1f: {  	s18 =	simm.s32 $0xA000;
	s19 =	simm.s32 $0x2;
	[dreg:$0x1b] =	wrdreg s24  }
0x20: {  	s17 =	simm.s32 $0x4;
	s11 =	simm.s32 $0x1B80;
	[dreg:$0x1c] =	wrdreg s25  }
0x21: {  	s1 =	simm.s32 $0x1D80;
	[dreg:$0x1d] =	wrdreg s26;
	s25 =	simm.s32 $0x800  }
0x22: {  	v0 =	vimm.f32 $0.0e+00;
	v1 =	vimm.f32 $1.000000000e+00;
	s26 =	simm.s32 $0x1D00;
	s24 =	simm.s32 $0x1E00;
	s23 =	simm.s32 $0x1F00  }
.LBB2_10:
0x23: {  	s14 =	rddreg [dreg:$0x9]  }
0x24: {  	s8 =	rddreg [dreg:$0xa]  }
0x25: {  	s3 =	rddreg [dreg:$0x15]  }
0x26: {  	s29 =	rddreg [dreg:$0x1e]  }
.LBB2_11:
0x27: {  	[spmem:s4] =	stream.indirect.scatter.add.f32 [tilespmem:s15], [sflag:$0x4], $0x80, s20, s10, $0xb8;
	[tilespmem:$0x1E580] =	vst v63  }
0x28: {  	_ = 	snop  }
0x29: {  	[spmem:s5] =	stream.indirect.scatter.add.f32 [tilespmem:s18], [sflag:$0x4], $0x1, s20, s10, $0xb8;
	[tilespmem:$0x1E580] =	vst v63  }
0x2a: {  	_ =	swait.ge [sflag:s17], $0x4000  }
0x2b: {  	[sflag:s17] =	ssyncset.done $0x0  }
0x2c: {  	[sflag:s17] =	ssyncadd.s32 $0xFFFFC000  }
0x2d: {  	_ =	swait.ge [sflag:s17], $0x80  }
0x2e: {  	[sflag:s17] =	ssyncset.done $0x0  }
0x2f: {  	[sflag:s17] =	ssyncadd.s32 $0xFFFFFF80  }
0x30: {  	s22 =	stileid.u32;
	s12 =	rddreg [dreg:$0x1c];
	[bflag:$0x0] =	sbarrier.arrive $0xFFFF  }
0x31: {  	s12 =	sadd.s32 s14, s12;
	s14 =	sshll.u32 s22, $0x6;
	s22 =	rddreg [dreg:$0xb]  }
0x32: {  	s14 =	sor.u32 $0x1C06, s14;
	s22 =	sshrl.u32 s22, $0x3  }
0x33: {  	[hbm:s12], [sflag:s14] =	dma.local [spmem:s22], $0x2800  }
0x34: {  	s22 =	simm.s32 $0x6  }
0x35: {  	_ =	swait.ge [sflag:s22], $0x2800  }
0x36: {  	[sflag:s22] =	ssyncset.done $0x0;
	s12 =	rddreg [dreg:$0x18]  }
0x37: {  	[sflag:s22] =	ssyncadd.s32 $0xFFFFD800;
	s22 =	rddreg [dreg:$0x17]  }
0x38: {  	s8 =	sadd.s32 s8, s12;
	s12 =	sshrl.u32 s22, $0x3  }
0x39: {  	[hbm:s8], [sflag:s14] =	dma.local [spmem:s12], $0x50  }
0x3a: {  	s12 =	simm.s32 $0x6  }
0x3b: {  	_ =	swait.ge [sflag:s12], $0x50  }
0x3c: {  	s29 =	sadd.s32 $0x1, s29;
	s22 =	rddreg [dreg:$0x19]  }
0x3d: {  	p1 =	sne.s32 s29, s22  }
.Ltmp1:
0x3e: {  	_ = 	snop;
	(pc) =	sbr.rel @!p1 .LBB2_12-.Ltmp1, $3  }
0x3f: {  	_ =	sdelay $0x1  }
0x40: {  	[sflag:s12] =	ssyncset.done $0x0  }
0x41: {  	[sflag:s12] =	ssyncadd.s32 $0xFFFFFFB0;
	s22 =	rddreg [dreg:$0x14]  }
.LBB2_1:
0x42: {  	[dreg:$0x1e] =	wrdreg s29;
	s8 =	simm.s32 $0x0;
	s14 =	simm.s32 $0x200  }
.LBB2_2:
0x43: {  	p1 =	sne.s32 s14, $0xFE00;
	[tilespmem:s8+$0x2070] =	vst v0  }
0x44: {  	[tilespmem:s8+$0x2000] =	vst v0  }
0x45: {  	[tilespmem:s8+$0x2010] =	vst v0  }
.Ltmp2:
0x46: {  	[tilespmem:s8+$0x2020] =	vst v0;
	(pc) =	sbr.rel @p1 .LBB2_2-.Ltmp2, $4  }
0x47: {  	[tilespmem:s8+$0x2030] =	vst v0  }
0x48: {  	[tilespmem:s8+$0x2040] =	vst v0  }
0x49: {  	[tilespmem:s8+$0x2050] =	vst v0  }
0x4a: {  	[tilespmem:s8+$0x2060] =	vst v0;
	s8 =	sshra.s32 s14, $0x2;
	s14 =	sadd.s32 $0x200, s14  }
0x4b: {  	[tilespmem:s8+$0x2070] =	vst v0  }
0x4c: {  	[tilespmem:s8+$0x2000] =	vst v0  }
0x4d: {  	[tilespmem:s8+$0x2010] =	vst v0  }
0x4e: {  	[tilespmem:s8+$0x2020] =	vst v0  }
0x4f: {  	[tilespmem:s8+$0x2030] =	vst v0  }
0x50: {  	[tilespmem:s8+$0x2040] =	vst v0  }
0x51: {  	[tilespmem:s8+$0x2050] =	vst v0  }
0x52: {  	[tilespmem:s8+$0x2060] =	vst v0  }
0x53: {  	[tilespmem:$0xA080] =	vst v0  }
0x54: {  	[tilespmem:$0xA090] =	vst v0  }
0x55: {  	[tilespmem:$0xA0A0] =	vst v0  }
0x56: {  	[tilespmem:$0xA0B0] =	vst v0  }
0x57: {  	[tilespmem:$0xA0C0] =	vst v0  }
0x58: {  	[tilespmem:$0xA0D0] =	vst v0  }
0x59: {  	[tilespmem:$0xA0E0] =	vst v0  }
0x5a: {  	[tilespmem:$0xA0F0] =	vst v0  }
0x5b: {  	[tilespmem:$0xA100] =	vst v0  }
0x5c: {  	[tilespmem:$0xA110] =	vst v0  }
0x5d: {  	[tilespmem:$0xA120] =	vst v0  }
0x5e: {  	[tilespmem:$0xA130] =	vst v0  }
0x5f: {  	[tilespmem:$0xA140] =	vst v0  }
0x60: {  	[tilespmem:$0xA150] =	vst v0  }
0x61: {  	[tilespmem:$0xA160] =	vst v0  }
0x62: {  	[tilespmem:$0xA170] =	vst v0  }
0x63: {  	[tilespmem:$0xA180] =	vst v0  }
0x64: {  	[tilespmem:$0xA190] =	vst v0  }
0x65: {  	[tilespmem:$0xA1A0] =	vst v0  }
0x66: {  	[tilespmem:$0xA1B0] =	vst v0  }
0x67: {  	[tilespmem:$0xA1C0] =	vst v0  }
0x68: {  	[tilespmem:$0xA1D0] =	vst v0  }
0x69: {  	[tilespmem:$0xA1E0] =	vst v0  }
0x6a: {  	[tilespmem:$0xA1F0] =	vst v0  }
0x6b: {  	[tilespmem:$0xA200] =	vst v0  }
0x6c: {  	[tilespmem:$0xA210] =	vst v0  }
0x6d: {  	[tilespmem:$0xA220] =	vst v0  }
0x6e: {  	[tilespmem:$0xA230] =	vst v0  }
0x6f: {  	[tilespmem:$0xA240] =	vst v0  }
0x70: {  	[tilespmem:$0xA250] =	vst v0  }
0x71: {  	[tilespmem:$0xA260] =	vst v0  }
0x72: {  	[tilespmem:$0xA270] =	vst v0  }
0x73: {  	[tilespmem:$0xA280] =	vst v0  }
0x74: {  	[tilespmem:$0xA290] =	vst v0  }
0x75: {  	[tilespmem:$0xA2A0] =	vst v0  }
0x76: {  	[tilespmem:$0xA2B0] =	vst v0  }
0x77: {  	[tilespmem:$0xA2C0] =	vst v0  }
0x78: {  	[tilespmem:$0xA2D0] =	vst v0  }
0x79: {  	[tilespmem:$0xA2E0] =	vst v0  }
0x7a: {  	[tilespmem:$0xA2F0] =	vst v0  }
0x7b: {  	[tilespmem:$0xA000] =	vst v1  }
0x7c: {  	[tilespmem:$0xA010] =	vst v1  }
0x7d: {  	[tilespmem:$0xA020] =	vst v1  }
0x7e: {  	[tilespmem:$0xA030] =	vst v1  }
0x7f: {  	[tilespmem:$0xA040] =	vst v1  }
0x80: {  	[tilespmem:$0xA050] =	vst v1  }
0x81: {  	[tilespmem:$0xA060] =	vst v1  }
0x82: {  	s14 =	rddreg [dreg:$0xb];
	[tilespmem:$0xA070] =	vst v1  }
0x83: {  	[spmem:s14] =	stream.linear.scatter [tilespmem:s31], [sflag:$0x6], $0x4000, $0x38;
	[tilespmem:$0x1E580] =	vst v63  }
0x84: {  	_ =	swait.ge [sflag:s12], $0x4000  }
0x85: {  	[sflag:s12] =	ssyncset.done $0x0  }
0x86: {  	s29 =	rddreg [dreg:$0xc];
	[sflag:s12] =	ssyncadd.s32 $0xFFFFC000  }
0x87: {  	[spmem:s29] =	stream.linear.scatter [tilespmem:s31], [sflag:$0x6], $0x4000, $0x38;
	[tilespmem:$0x1E580] =	vst v63  }
0x88: {  	_ =	swait.ge [sflag:s12], $0x4000  }
0x89: {  	[sflag:s12] =	ssyncset.done $0x0  }
0x8a: {  	s14 =	rddreg [dreg:$0xd];
	[sflag:s12] =	ssyncadd.s32 $0xFFFFC000  }
0x8b: {  	[spmem:s14] =	stream.linear.scatter [tilespmem:s31], [sflag:$0x6], $0x4000, $0x38;
	[tilespmem:$0x1E580] =	vst v63  }
0x8c: {  	_ =	swait.ge [sflag:s12], $0x4000  }
0x8d: {  	[sflag:s12] =	ssyncset.done $0x0  }
0x8e: {  	s29 =	rddreg [dreg:$0x16];
	[sflag:s12] =	ssyncadd.s32 $0xFFFFC000  }
0x8f: {  	[spmem:s29] =	stream.linear.scatter [tilespmem:s31], [sflag:$0x6], $0x4000, $0x38;
	[tilespmem:$0x1E580] =	vst v63  }
0x90: {  	_ =	swait.ge [sflag:s12], $0x4000  }
0x91: {  	[sflag:s12] =	ssyncset.done $0x0  }
0x92: {  	s14 =	rddreg [dreg:$0x1a];
	[sflag:s12] =	ssyncadd.s32 $0xFFFFC000  }
0x93: {  	[spmem:s14] =	stream.linear.scatter [tilespmem:s31], [sflag:$0x6], $0x4000, $0x38;
	[tilespmem:$0x1E580] =	vst v63  }
0x94: {  	_ =	swait.ge [sflag:s12], $0x4000  }
0x95: {  	[sflag:s12] =	ssyncset.done $0x0  }
0x96: {  	s14 =	simm.s32 $0xA080;
	s29 =	rddreg [dreg:$0x17];
	[sflag:s12] =	ssyncadd.s32 $0xFFFFC000  }
0x97: {  	[spmem:s29] =	stream.linear.scatter [tilespmem:s14], [sflag:$0x6], $0x280, $0x38;
	[tilespmem:$0x1E580] =	vst v63  }
.Ltmp3:
0x98: {  	_ =	swait.ge [sflag:s12], $0x280;
	(pc) =	sbr.rel @p0 .LBB2_8-.Ltmp3, $3  }
0x99: {  	[sflag:s12] =	ssyncset.done $0x0  }
0x9a: {  	[sflag:s12] =	ssyncadd.s32 $0xFFFFFD80  }
0x9b: {  	[bflag:$0x0] =	sbarrier.arrive $0xFFFF;
	_ =	sdelay $0x1  }
0x9c: {  	s8 =	rddreg [dreg:$0x11]  }
0x9d: {  	[tilespmem:s6], [sflag:$0x6] =	stream.linear.gather [hbm4b:s8+s6], $0x800, $0x38;
	[tilespmem:$0x1E580] =	vst v63  }
0x9e: {  	_ =	swait.ge [sflag:s12], $0x800  }
0x9f: {  	[sflag:s12] =	ssyncset.done $0x0  }
0xa0: {  	s22 =	rddreg [dreg:$0x12];
	[sflag:s12] =	ssyncadd.s32 $0xFFFFF800  }
0xa1: {  	[tilespmem:s25], [sflag:$0x6] =	stream.linear.gather [hbm4b:s22+s6], $0x800, $0x38;
	[tilespmem:$0x1E580] =	vst v63  }
0xa2: {  	_ =	swait.ge [sflag:s12], $0x800  }
0xa3: {  	[sflag:s12] =	ssyncset.done $0x0  }
0xa4: {  	s14 =	simm.s32 $0x1000;
	s25 =	rddreg [dreg:$0x1d];
	[sflag:s12] =	ssyncadd.s32 $0xFFFFF800  }
0xa5: {  	[tilespmem:s14], [sflag:$0x5] =	stream.linear.gather [hbm4b:s25+s6], $0x800, $0x38;
	[tilespmem:$0x1E580] =	vst v63  }
0xa6: {  	s29 =	rddreg [dreg:$0x13]  }
0xa7: {  	[tilespmem:s9], [sflag:$0x5] =	stream.linear.gather [hbm4b:s29+s6], $0x800, $0x38;
	[tilespmem:$0x1E580] =	vst v63  }
0xa8: {  	_ = 	snop  }
0xa9: {  	[tilespmem:s31], [sflag:$0x1] =	stream.indirect.gather [hbm4b:s0+s10], $0x80, s6, s10, $0xb8;
	[tilespmem:$0x1E580] =	vst v63  }
0xaa: {  	s8 =	simm.s32 $0xFFFFF800  }
0xab: {  	[tilespmem:s15], [sflag:$0x2] =	stream.indirect.gather [hbm4b:s0+s10], $0x80, s10, s10, $0xb8;
	[tilespmem:$0x1E580] =	vst v63  }
.LBB2_5:
0xac: {  	_ =	swait.ge [sflag:s16], $0x4000  }
0xad: {  	[sflag:s16] =	ssyncset.done $0x0  }
0xae: {  	s12 =	simm.s32 $0x800;
	[sflag:s16] =	ssyncadd.s32 $0xFFFFC000  }
0xaf: {  	[spmem:s4] =	stream.indirect.scatter.add.f32 [tilespmem:s31], [sflag:$0x3], $0x80, s12, s10, $0xb8;
	[tilespmem:$0x1E580] =	vst v63  }
0xb0: {  	_ = 	snop  }
0xb1: {  	[spmem:s5] =	stream.indirect.scatter.add.f32 [tilespmem:s18], [sflag:$0x3], $0x1, s12, s10, $0xb8;
	[tilespmem:$0x1E580] =	vst v63  }
0xb2: {  	_ =	swait.ge [sflag:s19], $0x4000  }
0xb3: {  	[sflag:s19] =	ssyncset.done $0x0  }
0xb4: {  	[sflag:s19] =	ssyncadd.s32 $0xFFFFC000  }
0xb5: {  	_ =	swait.ge [sflag:s28], $0x4000  }
0xb6: {  	[sflag:s28] =	ssyncset.done $0x0  }
0xb7: {  	[sflag:s28] =	ssyncadd.s32 $0xFFFFC000  }
0xb8: {  	_ =	swait.ge [sflag:s28], $0x80  }
0xb9: {  	[sflag:s28] =	ssyncset.done $0x0  }
0xba: {  	s22 =	simm.s32 $0x100;
	[sflag:s28] =	ssyncadd.s32 $0xFFFFFF80  }
0xbb: {  	[tilespmem:s31], [sflag:$0x1] =	stream.indirect.gather [hbm4b:s0+s10], $0x80, s22, s10, $0xb8;
	[tilespmem:$0x1E580] =	vst v63  }
0xbc: {  	s22 =	simm.s32 $0x880  }
0xbd: {  	[spmem:s4] =	stream.indirect.scatter.add.f32 [tilespmem:s15], [sflag:$0x4], $0x80, s22, s10, $0xb8;
	[tilespmem:$0x1E580] =	vst v63  }
0xbe: {  	_ = 	snop  }
0xbf: {  	[spmem:s5] =	stream.indirect.scatter.add.f32 [tilespmem:s18], [sflag:$0x4], $0x1, s22, s10, $0xb8;
	[tilespmem:$0x1E580] =	vst v63  }
0xc0: {  	_ =	swait.ge [sflag:s17], $0x4000  }
0xc1: {  	[sflag:s17] =	ssyncset.done $0x0  }
0xc2: {  	[sflag:s17] =	ssyncadd.s32 $0xFFFFC000  }
0xc3: {  	_ =	swait.ge [sflag:s17], $0x80  }
0xc4: {  	[sflag:s17] =	ssyncset.done $0x0  }
0xc5: {  	s22 =	simm.s32 $0x180;
	[sflag:s17] =	ssyncadd.s32 $0xFFFFFF80  }
0xc6: {  	[tilespmem:s15], [sflag:$0x2] =	stream.indirect.gather [hbm4b:s0+s10], $0x80, s22, s10, $0xb8;
	[tilespmem:$0x1E580] =	vst v63  }
0xc7: {  	_ =	swait.ge [sflag:s16], $0x4000  }
0xc8: {  	[sflag:s16] =	ssyncset.done $0x0  }
0xc9: {  	s22 =	simm.s32 $0x900;
	[sflag:s16] =	ssyncadd.s32 $0xFFFFC000  }
0xca: {  	[spmem:s4] =	stream.indirect.scatter.add.f32 [tilespmem:s31], [sflag:$0x3], $0x80, s22, s10, $0xb8;
	[tilespmem:$0x1E580] =	vst v63  }
0xcb: {  	_ = 	snop  }
0xcc: {  	[spmem:s5] =	stream.indirect.scatter.add.f32 [tilespmem:s18], [sflag:$0x3], $0x1, s22, s10, $0xb8;
	[tilespmem:$0x1E580] =	vst v63  }
0xcd: {  	_ =	swait.ge [sflag:s19], $0x4000  }
0xce: {  	[sflag:s19] =	ssyncset.done $0x0  }
0xcf: {  	[sflag:s19] =	ssyncadd.s32 $0xFFFFC000  }
0xd0: {  	_ =	swait.ge [sflag:s28], $0x4000  }
0xd1: {  	[sflag:s28] =	ssyncset.done $0x0  }
0xd2: {  	[sflag:s28] =	ssyncadd.s32 $0xFFFFC000  }
0xd3: {  	_ =	swait.ge [sflag:s28], $0x80  }
0xd4: {  	[sflag:s28] =	ssyncset.done $0x0  }
0xd5: {  	s22 =	simm.s32 $0x200;
	[sflag:s28] =	ssyncadd.s32 $0xFFFFFF80  }
0xd6: {  	[tilespmem:s31], [sflag:$0x1] =	stream.indirect.gather [hbm4b:s0+s10], $0x80, s22, s10, $0xb8;
	[tilespmem:$0x1E580] =	vst v63  }
0xd7: {  	s22 =	simm.s32 $0x980  }
0xd8: {  	[spmem:s4] =	stream.indirect.scatter.add.f32 [tilespmem:s15], [sflag:$0x4], $0x80, s22, s10, $0xb8;
	[tilespmem:$0x1E580] =	vst v63  }
0xd9: {  	_ = 	snop  }
0xda: {  	[spmem:s5] =	stream.indirect.scatter.add.f32 [tilespmem:s18], [sflag:$0x4], $0x1, s22, s10, $0xb8;
	[tilespmem:$0x1E580] =	vst v63  }
0xdb: {  	_ =	swait.ge [sflag:s17], $0x4000  }
0xdc: {  	[sflag:s17] =	ssyncset.done $0x0  }
0xdd: {  	[sflag:s17] =	ssyncadd.s32 $0xFFFFC000  }
0xde: {  	_ =	swait.ge [sflag:s17], $0x80  }
0xdf: {  	[sflag:s17] =	ssyncset.done $0x0  }
0xe0: {  	s22 =	simm.s32 $0x280;
	[sflag:s17] =	ssyncadd.s32 $0xFFFFFF80  }
0xe1: {  	[tilespmem:s15], [sflag:$0x2] =	stream.indirect.gather [hbm4b:s0+s10], $0x80, s22, s10, $0xb8;
	[tilespmem:$0x1E580] =	vst v63  }
0xe2: {  	_ =	swait.ge [sflag:s16], $0x4000  }
0xe3: {  	[sflag:s16] =	ssyncset.done $0x0  }
0xe4: {  	s22 =	simm.s32 $0xA00;
	[sflag:s16] =	ssyncadd.s32 $0xFFFFC000  }
0xe5: {  	[spmem:s4] =	stream.indirect.scatter.add.f32 [tilespmem:s31], [sflag:$0x3], $0x80, s22, s10, $0xb8;
	[tilespmem:$0x1E580] =	vst v63  }
0xe6: {  	_ = 	snop  }
0xe7: {  	[spmem:s5] =	stream.indirect.scatter.add.f32 [tilespmem:s18], [sflag:$0x3], $0x1, s22, s10, $0xb8;
	[tilespmem:$0x1E580] =	vst v63  }
0xe8: {  	_ =	swait.ge [sflag:s19], $0x4000  }
0xe9: {  	[sflag:s19] =	ssyncset.done $0x0  }
0xea: {  	[sflag:s19] =	ssyncadd.s32 $0xFFFFC000  }
0xeb: {  	_ =	swait.ge [sflag:s28], $0x4000  }
0xec: {  	[sflag:s28] =	ssyncset.done $0x0  }
0xed: {  	[sflag:s28] =	ssyncadd.s32 $0xFFFFC000  }
0xee: {  	_ =	swait.ge [sflag:s28], $0x80  }
0xef: {  	[sflag:s28] =	ssyncset.done $0x0  }
0xf0: {  	s22 =	simm.s32 $0x300;
	[sflag:s28] =	ssyncadd.s32 $0xFFFFFF80  }
0xf1: {  	[tilespmem:s31], [sflag:$0x1] =	stream.indirect.gather [hbm4b:s0+s10], $0x80, s22, s10, $0xb8;
	[tilespmem:$0x1E580] =	vst v63  }
0xf2: {  	s22 =	simm.s32 $0xA80  }
0xf3: {  	[spmem:s4] =	stream.indirect.scatter.add.f32 [tilespmem:s15], [sflag:$0x4], $0x80, s22, s10, $0xb8;
	[tilespmem:$0x1E580] =	vst v63  }
0xf4: {  	_ = 	snop  }
0xf5: {  	[spmem:s5] =	stream.indirect.scatter.add.f32 [tilespmem:s18], [sflag:$0x4], $0x1, s22, s10, $0xb8;
	[tilespmem:$0x1E580] =	vst v63  }
0xf6: {  	_ =	swait.ge [sflag:s17], $0x4000  }
0xf7: {  	[sflag:s17] =	ssyncset.done $0x0  }
0xf8: {  	[sflag:s17] =	ssyncadd.s32 $0xFFFFC000  }
0xf9: {  	_ =	swait.ge [sflag:s17], $0x80  }
0xfa: {  	[sflag:s17] =	ssyncset.done $0x0  }
0xfb: {  	s22 =	simm.s32 $0x380;
	[sflag:s17] =	ssyncadd.s32 $0xFFFFFF80  }
0xfc: {  	[tilespmem:s15], [sflag:$0x2] =	stream.indirect.gather [hbm4b:s0+s10], $0x80, s22, s10, $0xb8;
	[tilespmem:$0x1E580] =	vst v63  }
0xfd: {  	_ =	swait.ge [sflag:s16], $0x4000  }
0xfe: {  	[sflag:s16] =	ssyncset.done $0x0  }
0xff: {  	s22 =	simm.s32 $0xB00;
	[sflag:s16] =	ssyncadd.s32 $0xFFFFC000  }
0x100: {  	[spmem:s4] =	stream.indirect.scatter.add.f32 [tilespmem:s31], [sflag:$0x3], $0x80, s22, s10, $0xb8;
	[tilespmem:$0x1E580] =	vst v63  }
0x101: {  	_ = 	snop  }
0x102: {  	[spmem:s5] =	stream.indirect.scatter.add.f32 [tilespmem:s18], [sflag:$0x3], $0x1, s22, s10, $0xb8;
	[tilespmem:$0x1E580] =	vst v63  }
0x103: {  	_ =	swait.ge [sflag:s19], $0x4000  }
0x104: {  	[sflag:s19] =	ssyncset.done $0x0  }
0x105: {  	[sflag:s19] =	ssyncadd.s32 $0xFFFFC000  }
0x106: {  	_ =	swait.ge [sflag:s28], $0x4000  }
0x107: {  	[sflag:s28] =	ssyncset.done $0x0  }
0x108: {  	[sflag:s28] =	ssyncadd.s32 $0xFFFFC000  }
0x109: {  	_ =	swait.ge [sflag:s28], $0x80  }
0x10a: {  	[sflag:s28] =	ssyncset.done $0x0  }
0x10b: {  	s22 =	simm.s32 $0x400;
	[sflag:s28] =	ssyncadd.s32 $0xFFFFFF80  }
0x10c: {  	[tilespmem:s31], [sflag:$0x1] =	stream.indirect.gather [hbm4b:s0+s10], $0x80, s22, s10, $0xb8;
	[tilespmem:$0x1E580] =	vst v63  }
0x10d: {  	s22 =	simm.s32 $0xB80  }
0x10e: {  	[spmem:s4] =	stream.indirect.scatter.add.f32 [tilespmem:s15], [sflag:$0x4], $0x80, s22, s10, $0xb8;
	[tilespmem:$0x1E580] =	vst v63  }
0x10f: {  	_ = 	snop  }
0x110: {  	[spmem:s5] =	stream.indirect.scatter.add.f32 [tilespmem:s18], [sflag:$0x4], $0x1, s22, s10, $0xb8;
	[tilespmem:$0x1E580] =	vst v63  }
0x111: {  	_ =	swait.ge [sflag:s17], $0x4000  }
0x112: {  	[sflag:s17] =	ssyncset.done $0x0  }
0x113: {  	[sflag:s17] =	ssyncadd.s32 $0xFFFFC000  }
0x114: {  	_ =	swait.ge [sflag:s17], $0x80  }
0x115: {  	[sflag:s17] =	ssyncset.done $0x0  }
0x116: {  	s22 =	simm.s32 $0x480;
	[sflag:s17] =	ssyncadd.s32 $0xFFFFFF80  }
0x117: {  	[tilespmem:s15], [sflag:$0x2] =	stream.indirect.gather [hbm4b:s0+s10], $0x80, s22, s10, $0xb8;
	[tilespmem:$0x1E580] =	vst v63  }
0x118: {  	_ =	swait.ge [sflag:s16], $0x4000  }
0x119: {  	[sflag:s16] =	ssyncset.done $0x0  }
0x11a: {  	s22 =	simm.s32 $0xC00;
	[sflag:s16] =	ssyncadd.s32 $0xFFFFC000  }
0x11b: {  	[spmem:s4] =	stream.indirect.scatter.add.f32 [tilespmem:s31], [sflag:$0x3], $0x80, s22, s10, $0xb8;
	[tilespmem:$0x1E580] =	vst v63  }
0x11c: {  	_ = 	snop  }
0x11d: {  	[spmem:s5] =	stream.indirect.scatter.add.f32 [tilespmem:s18], [sflag:$0x3], $0x1, s22, s10, $0xb8;
	[tilespmem:$0x1E580] =	vst v63  }
0x11e: {  	_ =	swait.ge [sflag:s19], $0x4000  }
0x11f: {  	[sflag:s19] =	ssyncset.done $0x0  }
0x120: {  	[sflag:s19] =	ssyncadd.s32 $0xFFFFC000  }
0x121: {  	_ =	swait.ge [sflag:s28], $0x4000  }
0x122: {  	[sflag:s28] =	ssyncset.done $0x0  }
0x123: {  	[sflag:s28] =	ssyncadd.s32 $0xFFFFC000  }
0x124: {  	_ =	swait.ge [sflag:s28], $0x80  }
0x125: {  	[sflag:s28] =	ssyncset.done $0x0  }
0x126: {  	s22 =	simm.s32 $0x500;
	[sflag:s28] =	ssyncadd.s32 $0xFFFFFF80  }
0x127: {  	[tilespmem:s31], [sflag:$0x1] =	stream.indirect.gather [hbm4b:s0+s10], $0x80, s22, s10, $0xb8;
	[tilespmem:$0x1E580] =	vst v63  }
0x128: {  	s22 =	simm.s32 $0xC80  }
0x129: {  	[spmem:s4] =	stream.indirect.scatter.add.f32 [tilespmem:s15], [sflag:$0x4], $0x80, s22, s10, $0xb8;
	[tilespmem:$0x1E580] =	vst v63  }
0x12a: {  	_ = 	snop  }
0x12b: {  	[spmem:s5] =	stream.indirect.scatter.add.f32 [tilespmem:s18], [sflag:$0x4], $0x1, s22, s10, $0xb8;
	[tilespmem:$0x1E580] =	vst v63  }
0x12c: {  	_ =	swait.ge [sflag:s17], $0x4000  }
0x12d: {  	[sflag:s17] =	ssyncset.done $0x0  }
0x12e: {  	[sflag:s17] =	ssyncadd.s32 $0xFFFFC000  }
0x12f: {  	_ =	swait.ge [sflag:s17], $0x80  }
0x130: {  	[sflag:s17] =	ssyncset.done $0x0  }
0x131: {  	s22 =	simm.s32 $0x580;
	[sflag:s17] =	ssyncadd.s32 $0xFFFFFF80  }
0x132: {  	[tilespmem:s15], [sflag:$0x2] =	stream.indirect.gather [hbm4b:s0+s10], $0x80, s22, s10, $0xb8;
	[tilespmem:$0x1E580] =	vst v63  }
0x133: {  	_ =	swait.ge [sflag:s16], $0x4000  }
0x134: {  	[sflag:s16] =	ssyncset.done $0x0  }
0x135: {  	s22 =	simm.s32 $0xD00;
	[sflag:s16] =	ssyncadd.s32 $0xFFFFC000  }
0x136: {  	[spmem:s4] =	stream.indirect.scatter.add.f32 [tilespmem:s31], [sflag:$0x3], $0x80, s22, s10, $0xb8;
	[tilespmem:$0x1E580] =	vst v63  }
0x137: {  	_ = 	snop  }
0x138: {  	[spmem:s5] =	stream.indirect.scatter.add.f32 [tilespmem:s18], [sflag:$0x3], $0x1, s22, s10, $0xb8;
	[tilespmem:$0x1E580] =	vst v63  }
0x139: {  	_ =	swait.ge [sflag:s19], $0x4000  }
0x13a: {  	[sflag:s19] =	ssyncset.done $0x0  }
0x13b: {  	[sflag:s19] =	ssyncadd.s32 $0xFFFFC000  }
0x13c: {  	_ =	swait.ge [sflag:s28], $0x4000  }
0x13d: {  	[sflag:s28] =	ssyncset.done $0x0  }
0x13e: {  	[sflag:s28] =	ssyncadd.s32 $0xFFFFC000  }
0x13f: {  	_ =	swait.ge [sflag:s28], $0x80  }
0x140: {  	[sflag:s28] =	ssyncset.done $0x0  }
0x141: {  	s22 =	simm.s32 $0x600;
	[sflag:s28] =	ssyncadd.s32 $0xFFFFFF80  }
0x142: {  	[tilespmem:s31], [sflag:$0x1] =	stream.indirect.gather [hbm4b:s0+s10], $0x80, s22, s10, $0xb8;
	[tilespmem:$0x1E580] =	vst v63  }
0x143: {  	s22 =	simm.s32 $0xD80  }
0x144: {  	[spmem:s4] =	stream.indirect.scatter.add.f32 [tilespmem:s15], [sflag:$0x4], $0x80, s22, s10, $0xb8;
	[tilespmem:$0x1E580] =	vst v63  }
0x145: {  	_ = 	snop  }
0x146: {  	[spmem:s5] =	stream.indirect.scatter.add.f32 [tilespmem:s18], [sflag:$0x4], $0x1, s22, s10, $0xb8;
	[tilespmem:$0x1E580] =	vst v63  }
0x147: {  	_ =	swait.ge [sflag:s17], $0x4000  }
0x148: {  	[sflag:s17] =	ssyncset.done $0x0  }
0x149: {  	[sflag:s17] =	ssyncadd.s32 $0xFFFFC000  }
0x14a: {  	_ =	swait.ge [sflag:s17], $0x80  }
0x14b: {  	[sflag:s17] =	ssyncset.done $0x0  }
0x14c: {  	s22 =	simm.s32 $0x680;
	[sflag:s17] =	ssyncadd.s32 $0xFFFFFF80  }
0x14d: {  	[tilespmem:s15], [sflag:$0x2] =	stream.indirect.gather [hbm4b:s0+s10], $0x80, s22, s10, $0xb8;
	[tilespmem:$0x1E580] =	vst v63  }
0x14e: {  	_ =	swait.ge [sflag:s16], $0x4000  }
0x14f: {  	[sflag:s16] =	ssyncset.done $0x0  }
0x150: {  	s22 =	simm.s32 $0xE00;
	[sflag:s16] =	ssyncadd.s32 $0xFFFFC000  }
0x151: {  	[spmem:s4] =	stream.indirect.scatter.add.f32 [tilespmem:s31], [sflag:$0x3], $0x80, s22, s10, $0xb8;
	[tilespmem:$0x1E580] =	vst v63  }
0x152: {  	_ = 	snop  }
0x153: {  	[spmem:s5] =	stream.indirect.scatter.add.f32 [tilespmem:s18], [sflag:$0x3], $0x1, s22, s10, $0xb8;
	[tilespmem:$0x1E580] =	vst v63  }
0x154: {  	_ =	swait.ge [sflag:s19], $0x4000  }
0x155: {  	[sflag:s19] =	ssyncset.done $0x0  }
0x156: {  	[sflag:s19] =	ssyncadd.s32 $0xFFFFC000  }
0x157: {  	_ =	swait.ge [sflag:s28], $0x4000  }
0x158: {  	[sflag:s28] =	ssyncset.done $0x0  }
0x159: {  	[sflag:s28] =	ssyncadd.s32 $0xFFFFC000  }
0x15a: {  	_ =	swait.ge [sflag:s28], $0x80  }
0x15b: {  	[sflag:s28] =	ssyncset.done $0x0  }
0x15c: {  	s22 =	simm.s32 $0x700;
	[sflag:s28] =	ssyncadd.s32 $0xFFFFFF80  }
0x15d: {  	[tilespmem:s31], [sflag:$0x1] =	stream.indirect.gather [hbm4b:s0+s10], $0x80, s22, s10, $0xb8;
	[tilespmem:$0x1E580] =	vst v63  }
0x15e: {  	s22 =	simm.s32 $0xE80  }
0x15f: {  	[spmem:s4] =	stream.indirect.scatter.add.f32 [tilespmem:s15], [sflag:$0x4], $0x80, s22, s10, $0xb8;
	[tilespmem:$0x1E580] =	vst v63  }
0x160: {  	_ = 	snop  }
0x161: {  	[spmem:s5] =	stream.indirect.scatter.add.f32 [tilespmem:s18], [sflag:$0x4], $0x1, s22, s10, $0xb8;
	[tilespmem:$0x1E580] =	vst v63  }
0x162: {  	_ =	swait.ge [sflag:s17], $0x4000  }
0x163: {  	[sflag:s17] =	ssyncset.done $0x0  }
0x164: {  	[sflag:s17] =	ssyncadd.s32 $0xFFFFC000  }
0x165: {  	_ =	swait.ge [sflag:s17], $0x80  }
0x166: {  	[sflag:s17] =	ssyncset.done $0x0  }
0x167: {  	s22 =	simm.s32 $0x780;
	[sflag:s17] =	ssyncadd.s32 $0xFFFFFF80  }
0x168: {  	[tilespmem:s15], [sflag:$0x2] =	stream.indirect.gather [hbm4b:s0+s10], $0x80, s22, s10, $0xb8;
	[tilespmem:$0x1E580] =	vst v63  }
0x169: {  	_ =	swait.ge [sflag:s16], $0x4000  }
0x16a: {  	[sflag:s16] =	ssyncset.done $0x0  }
0x16b: {  	s22 =	simm.s32 $0xF00;
	[sflag:s16] =	ssyncadd.s32 $0xFFFFC000  }
0x16c: {  	[spmem:s4] =	stream.indirect.scatter.add.f32 [tilespmem:s31], [sflag:$0x3], $0x80, s22, s10, $0xb8;
	[tilespmem:$0x1E580] =	vst v63  }
0x16d: {  	_ = 	snop  }
0x16e: {  	[spmem:s5] =	stream.indirect.scatter.add.f32 [tilespmem:s18], [sflag:$0x3], $0x1, s22, s10, $0xb8;
	[tilespmem:$0x1E580] =	vst v63  }
0x16f: {  	_ =	swait.ge [sflag:s19], $0x4000  }
0x170: {  	[sflag:s19] =	ssyncset.done $0x0  }
0x171: {  	[sflag:s19] =	ssyncadd.s32 $0xFFFFC000  }
0x172: {  	_ =	swait.ge [sflag:s28], $0x4000  }
0x173: {  	[sflag:s28] =	ssyncset.done $0x0  }
0x174: {  	[sflag:s28] =	ssyncadd.s32 $0xFFFFC000  }
0x175: {  	_ =	swait.ge [sflag:s28], $0x80  }
0x176: {  	[sflag:s28] =	ssyncset.done $0x0  }
0x177: {  	[sflag:s28] =	ssyncadd.s32 $0xFFFFFF80  }
0x178: {  	_ =	swait.ge [sflag:s21], $0x800  }
0x179: {  	[sflag:s21] =	ssyncset.done $0x0  }
0x17a: {  	[sflag:s21] =	ssyncadd.s32 $0xFFFFF800  }
0x17b: {  	_ =	swait.ge [sflag:s21], $0x800  }
0x17c: {  	[sflag:s21] =	ssyncset.done $0x0  }
0x17d: {  	[sflag:s21] =	ssyncadd.s32 $0xFFFFF800  }
0x17e: {  	[tilespmem:s31], [sflag:$0x1] =	stream.indirect.gather [hbm4b:s0+s10], $0x80, s14, s10, $0xb8;
	[tilespmem:$0x1E580] =	vst v63  }
0x17f: {  	s14 =	simm.s32 $0xF80  }
0x180: {  	[spmem:s4] =	stream.indirect.scatter.add.f32 [tilespmem:s15], [sflag:$0x4], $0x80, s14, s10, $0xb8;
	[tilespmem:$0x1E580] =	vst v63  }
0x181: {  	_ = 	snop  }
0x182: {  	[spmem:s5] =	stream.indirect.scatter.add.f32 [tilespmem:s18], [sflag:$0x4], $0x1, s14, s10, $0xb8;
	[tilespmem:$0x1E580] =	vst v63  }
0x183: {  	_ =	swait.ge [sflag:s17], $0x4000  }
0x184: {  	[sflag:s17] =	ssyncset.done $0x0  }
0x185: {  	[sflag:s17] =	ssyncadd.s32 $0xFFFFC000  }
0x186: {  	_ =	swait.ge [sflag:s17], $0x80  }
0x187: {  	p1 =	seq.s32 s8, $0x0;
	[sflag:s17] =	ssyncset.done $0x0  }
0x188: {  	s22 =	simm.s32 $0x1080;
	s14 =	sadd.s32 @!p1 s8, s3;
	[sflag:s17] =	ssyncadd.s32 $0xFFFFFF80  }
0x189: {  	[tilespmem:s15], [sflag:$0x2] =	stream.indirect.gather [hbm4b:s0+s10], $0x80, s22, s10, $0xb8;
	[tilespmem:$0x1E580] =	vst v63  }
0x18a: {  	s12 =	sadd.s32 @!p1 $0xA00, s14;
	s22 =	simm.s32 @!p1 $0x0  }
0x18b: {  	[tilespmem:s22], [sflag:$0x5] =	stream.linear.gather @!p1 [hbm4b:s12+s22], $0x800, $0x38;
	[tilespmem:$0x1E580] =	vst v63  }
0x18c: {  	s12 =	sadd.s32 @!p1 $0xAA00, s14;
	s14 =	simm.s32 @!p1 $0x800  }
0x18d: {  	[tilespmem:s14], [sflag:$0x5] =	stream.linear.gather @!p1 [hbm4b:s12+s22], $0x800, $0x38;
	[tilespmem:$0x1E580] =	vst v63  }
0x18e: {  	_ =	swait.ge [sflag:s16], $0x4000  }
0x18f: {  	[sflag:s16] =	ssyncset.done $0x0  }
0x190: {  	[sflag:s16] =	ssyncadd.s32 $0xFFFFC000  }
0x191: {  	[spmem:s4] =	stream.indirect.scatter.add.f32 [tilespmem:s31], [sflag:$0x3], $0x80, s9, s10, $0xb8;
	[tilespmem:$0x1E580] =	vst v63  }
0x192: {  	_ = 	snop  }
0x193: {  	[spmem:s5] =	stream.indirect.scatter.add.f32 [tilespmem:s18], [sflag:$0x3], $0x1, s9, s10, $0xb8;
	[tilespmem:$0x1E580] =	vst v63  }
0x194: {  	_ =	swait.ge [sflag:s19], $0x4000  }
0x195: {  	[sflag:s19] =	ssyncset.done $0x0  }
0x196: {  	[sflag:s19] =	ssyncadd.s32 $0xFFFFC000  }
0x197: {  	_ =	swait.ge [sflag:s28], $0x4000  }
0x198: {  	[sflag:s28] =	ssyncset.done $0x0  }
0x199: {  	[sflag:s28] =	ssyncadd.s32 $0xFFFFC000  }
0x19a: {  	_ =	swait.ge [sflag:s28], $0x80  }
0x19b: {  	[sflag:s28] =	ssyncset.done $0x0  }
0x19c: {  	s14 =	simm.s32 $0x1100;
	[sflag:s28] =	ssyncadd.s32 $0xFFFFFF80  }
0x19d: {  	[tilespmem:s31], [sflag:$0x1] =	stream.indirect.gather [hbm4b:s0+s10], $0x80, s14, s10, $0xb8;
	[tilespmem:$0x1E580] =	vst v63  }
0x19e: {  	s22 =	simm.s32 $0x1880  }
0x19f: {  	[spmem:s4] =	stream.indirect.scatter.add.f32 [tilespmem:s15], [sflag:$0x4], $0x80, s22, s10, $0xb8;
	[tilespmem:$0x1E580] =	vst v63  }
0x1a0: {  	_ = 	snop  }
0x1a1: {  	[spmem:s5] =	stream.indirect.scatter.add.f32 [tilespmem:s18], [sflag:$0x4], $0x1, s22, s10, $0xb8;
	[tilespmem:$0x1E580] =	vst v63  }
0x1a2: {  	_ =	swait.ge [sflag:s17], $0x4000  }
0x1a3: {  	[sflag:s17] =	ssyncset.done $0x0  }
0x1a4: {  	[sflag:s17] =	ssyncadd.s32 $0xFFFFC000  }
0x1a5: {  	_ =	swait.ge [sflag:s17], $0x80  }
0x1a6: {  	[sflag:s17] =	ssyncset.done $0x0  }
0x1a7: {  	s14 =	simm.s32 $0x1180;
	[sflag:s17] =	ssyncadd.s32 $0xFFFFFF80  }
0x1a8: {  	[tilespmem:s15], [sflag:$0x2] =	stream.indirect.gather [hbm4b:s0+s10], $0x80, s14, s10, $0xb8;
	[tilespmem:$0x1E580] =	vst v63  }
0x1a9: {  	_ =	swait.ge [sflag:s16], $0x4000  }
0x1aa: {  	[sflag:s16] =	ssyncset.done $0x0  }
0x1ab: {  	s22 =	simm.s32 $0x1900;
	[sflag:s16] =	ssyncadd.s32 $0xFFFFC000  }
0x1ac: {  	[spmem:s4] =	stream.indirect.scatter.add.f32 [tilespmem:s31], [sflag:$0x3], $0x80, s22, s10, $0xb8;
	[tilespmem:$0x1E580] =	vst v63  }
0x1ad: {  	_ = 	snop  }
0x1ae: {  	[spmem:s5] =	stream.indirect.scatter.add.f32 [tilespmem:s18], [sflag:$0x3], $0x1, s22, s10, $0xb8;
	[tilespmem:$0x1E580] =	vst v63  }
0x1af: {  	_ =	swait.ge [sflag:s19], $0x4000  }
0x1b0: {  	[sflag:s19] =	ssyncset.done $0x0  }
0x1b1: {  	[sflag:s19] =	ssyncadd.s32 $0xFFFFC000  }
0x1b2: {  	_ =	swait.ge [sflag:s28], $0x4000  }
0x1b3: {  	[sflag:s28] =	ssyncset.done $0x0  }
0x1b4: {  	[sflag:s28] =	ssyncadd.s32 $0xFFFFC000  }
0x1b5: {  	_ =	swait.ge [sflag:s28], $0x80  }
0x1b6: {  	[sflag:s28] =	ssyncset.done $0x0  }
0x1b7: {  	s14 =	simm.s32 $0x1200;
	[sflag:s28] =	ssyncadd.s32 $0xFFFFFF80  }
0x1b8: {  	[tilespmem:s31], [sflag:$0x1] =	stream.indirect.gather [hbm4b:s0+s10], $0x80, s14, s10, $0xb8;
	[tilespmem:$0x1E580] =	vst v63  }
0x1b9: {  	s22 =	simm.s32 $0x1980  }
0x1ba: {  	[spmem:s4] =	stream.indirect.scatter.add.f32 [tilespmem:s15], [sflag:$0x4], $0x80, s22, s10, $0xb8;
	[tilespmem:$0x1E580] =	vst v63  }
0x1bb: {  	_ = 	snop  }
0x1bc: {  	[spmem:s5] =	stream.indirect.scatter.add.f32 [tilespmem:s18], [sflag:$0x4], $0x1, s22, s10, $0xb8;
	[tilespmem:$0x1E580] =	vst v63  }
0x1bd: {  	_ =	swait.ge [sflag:s17], $0x4000  }
0x1be: {  	[sflag:s17] =	ssyncset.done $0x0  }
0x1bf: {  	[sflag:s17] =	ssyncadd.s32 $0xFFFFC000  }
0x1c0: {  	_ =	swait.ge [sflag:s17], $0x80  }
0x1c1: {  	[sflag:s17] =	ssyncset.done $0x0  }
0x1c2: {  	s14 =	simm.s32 $0x1280;
	[sflag:s17] =	ssyncadd.s32 $0xFFFFFF80  }
0x1c3: {  	[tilespmem:s15], [sflag:$0x2] =	stream.indirect.gather [hbm4b:s0+s10], $0x80, s14, s10, $0xb8;
	[tilespmem:$0x1E580] =	vst v63  }
0x1c4: {  	_ =	swait.ge [sflag:s16], $0x4000  }
0x1c5: {  	[sflag:s16] =	ssyncset.done $0x0  }
0x1c6: {  	s22 =	simm.s32 $0x1A00;
	[sflag:s16] =	ssyncadd.s32 $0xFFFFC000  }
0x1c7: {  	[spmem:s4] =	stream.indirect.scatter.add.f32 [tilespmem:s31], [sflag:$0x3], $0x80, s22, s10, $0xb8;
	[tilespmem:$0x1E580] =	vst v63  }
0x1c8: {  	_ = 	snop  }
0x1c9: {  	[spmem:s5] =	stream.indirect.scatter.add.f32 [tilespmem:s18], [sflag:$0x3], $0x1, s22, s10, $0xb8;
	[tilespmem:$0x1E580] =	vst v63  }
0x1ca: {  	_ =	swait.ge [sflag:s19], $0x4000  }
0x1cb: {  	[sflag:s19] =	ssyncset.done $0x0  }
0x1cc: {  	[sflag:s19] =	ssyncadd.s32 $0xFFFFC000  }
0x1cd: {  	_ =	swait.ge [sflag:s28], $0x4000  }
0x1ce: {  	[sflag:s28] =	ssyncset.done $0x0  }
0x1cf: {  	[sflag:s28] =	ssyncadd.s32 $0xFFFFC000  }
0x1d0: {  	_ =	swait.ge [sflag:s28], $0x80  }
0x1d1: {  	[sflag:s28] =	ssyncset.done $0x0  }
0x1d2: {  	s14 =	simm.s32 $0x1300;
	[sflag:s28] =	ssyncadd.s32 $0xFFFFFF80  }
0x1d3: {  	[tilespmem:s31], [sflag:$0x1] =	stream.indirect.gather [hbm4b:s0+s10], $0x80, s14, s10, $0xb8;
	[tilespmem:$0x1E580] =	vst v63  }
0x1d4: {  	s22 =	simm.s32 $0x1A80  }
0x1d5: {  	[spmem:s4] =	stream.indirect.scatter.add.f32 [tilespmem:s15], [sflag:$0x4], $0x80, s22, s10, $0xb8;
	[tilespmem:$0x1E580] =	vst v63  }
0x1d6: {  	_ = 	snop  }
0x1d7: {  	[spmem:s5] =	stream.indirect.scatter.add.f32 [tilespmem:s18], [sflag:$0x4], $0x1, s22, s10, $0xb8;
	[tilespmem:$0x1E580] =	vst v63  }
0x1d8: {  	_ =	swait.ge [sflag:s17], $0x4000  }
0x1d9: {  	[sflag:s17] =	ssyncset.done $0x0  }
0x1da: {  	[sflag:s17] =	ssyncadd.s32 $0xFFFFC000  }
0x1db: {  	_ =	swait.ge [sflag:s17], $0x80  }
0x1dc: {  	[sflag:s17] =	ssyncset.done $0x0  }
0x1dd: {  	s14 =	simm.s32 $0x1380;
	[sflag:s17] =	ssyncadd.s32 $0xFFFFFF80  }
0x1de: {  	[tilespmem:s15], [sflag:$0x2] =	stream.indirect.gather [hbm4b:s0+s10], $0x80, s14, s10, $0xb8;
	[tilespmem:$0x1E580] =	vst v63  }
0x1df: {  	_ =	swait.ge [sflag:s16], $0x4000  }
0x1e0: {  	[sflag:s16] =	ssyncset.done $0x0  }
0x1e1: {  	s22 =	simm.s32 $0x1B00;
	[sflag:s16] =	ssyncadd.s32 $0xFFFFC000  }
0x1e2: {  	[spmem:s4] =	stream.indirect.scatter.add.f32 [tilespmem:s31], [sflag:$0x3], $0x80, s22, s10, $0xb8;
	[tilespmem:$0x1E580] =	vst v63  }
0x1e3: {  	_ = 	snop  }
0x1e4: {  	[spmem:s5] =	stream.indirect.scatter.add.f32 [tilespmem:s18], [sflag:$0x3], $0x1, s22, s10, $0xb8;
	[tilespmem:$0x1E580] =	vst v63  }
0x1e5: {  	_ =	swait.ge [sflag:s19], $0x4000  }
0x1e6: {  	[sflag:s19] =	ssyncset.done $0x0  }
0x1e7: {  	[sflag:s19] =	ssyncadd.s32 $0xFFFFC000  }
0x1e8: {  	_ =	swait.ge [sflag:s28], $0x4000  }
0x1e9: {  	[sflag:s28] =	ssyncset.done $0x0  }
0x1ea: {  	[sflag:s28] =	ssyncadd.s32 $0xFFFFC000  }
0x1eb: {  	_ =	swait.ge [sflag:s28], $0x80  }
0x1ec: {  	[sflag:s28] =	ssyncset.done $0x0  }
0x1ed: {  	s14 =	simm.s32 $0x1400;
	[sflag:s28] =	ssyncadd.s32 $0xFFFFFF80  }
0x1ee: {  	[tilespmem:s31], [sflag:$0x1] =	stream.indirect.gather [hbm4b:s0+s10], $0x80, s14, s10, $0xb8;
	[tilespmem:$0x1E580] =	vst v63  }
0x1ef: {  	_ = 	snop  }
0x1f0: {  	[spmem:s4] =	stream.indirect.scatter.add.f32 [tilespmem:s15], [sflag:$0x4], $0x80, s11, s10, $0xb8;
	[tilespmem:$0x1E580] =	vst v63  }
0x1f1: {  	_ = 	snop  }
0x1f2: {  	[spmem:s5] =	stream.indirect.scatter.add.f32 [tilespmem:s18], [sflag:$0x4], $0x1, s11, s10, $0xb8;
	[tilespmem:$0x1E580] =	vst v63  }
0x1f3: {  	_ =	swait.ge [sflag:s17], $0x4000  }
0x1f4: {  	[sflag:s17] =	ssyncset.done $0x0  }
0x1f5: {  	[sflag:s17] =	ssyncadd.s32 $0xFFFFC000  }
0x1f6: {  	_ =	swait.ge [sflag:s17], $0x80  }
0x1f7: {  	[sflag:s17] =	ssyncset.done $0x0  }
0x1f8: {  	s22 =	simm.s32 $0x1480;
	[sflag:s17] =	ssyncadd.s32 $0xFFFFFF80  }
0x1f9: {  	[tilespmem:s15], [sflag:$0x2] =	stream.indirect.gather [hbm4b:s0+s10], $0x80, s22, s10, $0xb8;
	[tilespmem:$0x1E580] =	vst v63  }
0x1fa: {  	_ =	swait.ge [sflag:s16], $0x4000  }
0x1fb: {  	[sflag:s16] =	ssyncset.done $0x0  }
0x1fc: {  	[sflag:s16] =	ssyncadd.s32 $0xFFFFC000  }
0x1fd: {  	[spmem:s4] =	stream.indirect.scatter.add.f32 [tilespmem:s31], [sflag:$0x3], $0x80, s30, s10, $0xb8;
	[tilespmem:$0x1E580] =	vst v63  }
0x1fe: {  	_ = 	snop  }
0x1ff: {  	[spmem:s5] =	stream.indirect.scatter.add.f32 [tilespmem:s18], [sflag:$0x3], $0x1, s30, s10, $0xb8;
	[tilespmem:$0x1E580] =	vst v63  }
0x200: {  	_ =	swait.ge [sflag:s19], $0x4000  }
0x201: {  	[sflag:s19] =	ssyncset.done $0x0  }
0x202: {  	[sflag:s19] =	ssyncadd.s32 $0xFFFFC000  }
0x203: {  	_ =	swait.ge [sflag:s28], $0x4000  }
0x204: {  	[sflag:s28] =	ssyncset.done $0x0  }
0x205: {  	[sflag:s28] =	ssyncadd.s32 $0xFFFFC000  }
0x206: {  	_ =	swait.ge [sflag:s28], $0x80  }
0x207: {  	[sflag:s28] =	ssyncset.done $0x0  }
0x208: {  	s14 =	simm.s32 $0x1500;
	[sflag:s28] =	ssyncadd.s32 $0xFFFFFF80  }
0x209: {  	[tilespmem:s31], [sflag:$0x1] =	stream.indirect.gather [hbm4b:s0+s10], $0x80, s14, s10, $0xb8;
	[tilespmem:$0x1E580] =	vst v63  }
0x20a: {  	_ = 	snop  }
0x20b: {  	[spmem:s4] =	stream.indirect.scatter.add.f32 [tilespmem:s15], [sflag:$0x4], $0x80, s13, s10, $0xb8;
	[tilespmem:$0x1E580] =	vst v63  }
0x20c: {  	_ = 	snop  }
0x20d: {  	[spmem:s5] =	stream.indirect.scatter.add.f32 [tilespmem:s18], [sflag:$0x4], $0x1, s13, s10, $0xb8;
	[tilespmem:$0x1E580] =	vst v63  }
0x20e: {  	_ =	swait.ge [sflag:s17], $0x4000  }
0x20f: {  	[sflag:s17] =	ssyncset.done $0x0  }
0x210: {  	[sflag:s17] =	ssyncadd.s32 $0xFFFFC000  }
0x211: {  	_ =	swait.ge [sflag:s17], $0x80  }
0x212: {  	[sflag:s17] =	ssyncset.done $0x0  }
0x213: {  	s22 =	simm.s32 $0x1580;
	[sflag:s17] =	ssyncadd.s32 $0xFFFFFF80  }
0x214: {  	[tilespmem:s15], [sflag:$0x2] =	stream.indirect.gather [hbm4b:s0+s10], $0x80, s22, s10, $0xb8;
	[tilespmem:$0x1E580] =	vst v63  }
0x215: {  	_ =	swait.ge [sflag:s16], $0x4000  }
0x216: {  	[sflag:s16] =	ssyncset.done $0x0  }
0x217: {  	[sflag:s16] =	ssyncadd.s32 $0xFFFFC000  }
0x218: {  	[spmem:s4] =	stream.indirect.scatter.add.f32 [tilespmem:s31], [sflag:$0x3], $0x80, s26, s10, $0xb8;
	[tilespmem:$0x1E580] =	vst v63  }
0x219: {  	_ = 	snop  }
0x21a: {  	[spmem:s5] =	stream.indirect.scatter.add.f32 [tilespmem:s18], [sflag:$0x3], $0x1, s26, s10, $0xb8;
	[tilespmem:$0x1E580] =	vst v63  }
0x21b: {  	_ =	swait.ge [sflag:s19], $0x4000  }
0x21c: {  	[sflag:s19] =	ssyncset.done $0x0  }
0x21d: {  	[sflag:s19] =	ssyncadd.s32 $0xFFFFC000  }
0x21e: {  	_ =	swait.ge [sflag:s28], $0x4000  }
0x21f: {  	[sflag:s28] =	ssyncset.done $0x0  }
0x220: {  	[sflag:s28] =	ssyncadd.s32 $0xFFFFC000  }
0x221: {  	_ =	swait.ge [sflag:s28], $0x80  }
0x222: {  	[sflag:s28] =	ssyncset.done $0x0  }
0x223: {  	s14 =	simm.s32 $0x1600;
	[sflag:s28] =	ssyncadd.s32 $0xFFFFFF80  }
0x224: {  	[tilespmem:s31], [sflag:$0x1] =	stream.indirect.gather [hbm4b:s0+s10], $0x80, s14, s10, $0xb8;
	[tilespmem:$0x1E580] =	vst v63  }
0x225: {  	_ = 	snop  }
0x226: {  	[spmem:s4] =	stream.indirect.scatter.add.f32 [tilespmem:s15], [sflag:$0x4], $0x80, s1, s10, $0xb8;
	[tilespmem:$0x1E580] =	vst v63  }
0x227: {  	_ = 	snop  }
0x228: {  	[spmem:s5] =	stream.indirect.scatter.add.f32 [tilespmem:s18], [sflag:$0x4], $0x1, s1, s10, $0xb8;
	[tilespmem:$0x1E580] =	vst v63  }
0x229: {  	_ =	swait.ge [sflag:s17], $0x4000  }
0x22a: {  	[sflag:s17] =	ssyncset.done $0x0  }
0x22b: {  	[sflag:s17] =	ssyncadd.s32 $0xFFFFC000  }
0x22c: {  	_ =	swait.ge [sflag:s17], $0x80  }
0x22d: {  	[sflag:s17] =	ssyncset.done $0x0  }
0x22e: {  	s22 =	simm.s32 $0x1680;
	[sflag:s17] =	ssyncadd.s32 $0xFFFFFF80  }
0x22f: {  	[tilespmem:s15], [sflag:$0x2] =	stream.indirect.gather [hbm4b:s0+s10], $0x80, s22, s10, $0xb8;
	[tilespmem:$0x1E580] =	vst v63  }
0x230: {  	_ =	swait.ge [sflag:s16], $0x4000  }
0x231: {  	[sflag:s16] =	ssyncset.done $0x0  }
0x232: {  	[sflag:s16] =	ssyncadd.s32 $0xFFFFC000  }
0x233: {  	[spmem:s4] =	stream.indirect.scatter.add.f32 [tilespmem:s31], [sflag:$0x3], $0x80, s24, s10, $0xb8;
	[tilespmem:$0x1E580] =	vst v63  }
0x234: {  	_ = 	snop  }
0x235: {  	[spmem:s5] =	stream.indirect.scatter.add.f32 [tilespmem:s18], [sflag:$0x3], $0x1, s24, s10, $0xb8;
	[tilespmem:$0x1E580] =	vst v63  }
0x236: {  	_ =	swait.ge [sflag:s19], $0x4000  }
0x237: {  	[sflag:s19] =	ssyncset.done $0x0  }
0x238: {  	[sflag:s19] =	ssyncadd.s32 $0xFFFFC000  }
0x239: {  	_ =	swait.ge [sflag:s28], $0x4000  }
0x23a: {  	[sflag:s28] =	ssyncset.done $0x0  }
0x23b: {  	[sflag:s28] =	ssyncadd.s32 $0xFFFFC000  }
0x23c: {  	_ =	swait.ge [sflag:s28], $0x80  }
0x23d: {  	[sflag:s28] =	ssyncset.done $0x0  }
0x23e: {  	s14 =	simm.s32 $0x1700;
	[sflag:s28] =	ssyncadd.s32 $0xFFFFFF80  }
0x23f: {  	[tilespmem:s31], [sflag:$0x1] =	stream.indirect.gather [hbm4b:s0+s10], $0x80, s14, s10, $0xb8;
	[tilespmem:$0x1E580] =	vst v63  }
0x240: {  	_ = 	snop  }
0x241: {  	[spmem:s4] =	stream.indirect.scatter.add.f32 [tilespmem:s15], [sflag:$0x4], $0x80, s7, s10, $0xb8;
	[tilespmem:$0x1E580] =	vst v63  }
0x242: {  	_ = 	snop  }
0x243: {  	[spmem:s5] =	stream.indirect.scatter.add.f32 [tilespmem:s18], [sflag:$0x4], $0x1, s7, s10, $0xb8;
	[tilespmem:$0x1E580] =	vst v63  }
0x244: {  	_ =	swait.ge [sflag:s17], $0x4000  }
0x245: {  	[sflag:s17] =	ssyncset.done $0x0  }
0x246: {  	[sflag:s17] =	ssyncadd.s32 $0xFFFFC000  }
0x247: {  	_ =	swait.ge [sflag:s17], $0x80  }
0x248: {  	[sflag:s17] =	ssyncset.done $0x0  }
0x249: {  	s22 =	simm.s32 $0x1780;
	[sflag:s17] =	ssyncadd.s32 $0xFFFFFF80  }
0x24a: {  	[tilespmem:s15], [sflag:$0x2] =	stream.indirect.gather [hbm4b:s0+s10], $0x80, s22, s10, $0xb8;
	[tilespmem:$0x1E580] =	vst v63  }
0x24b: {  	_ =	swait.ge [sflag:s16], $0x4000  }
0x24c: {  	[sflag:s16] =	ssyncset.done $0x0  }
0x24d: {  	[sflag:s16] =	ssyncadd.s32 $0xFFFFC000  }
0x24e: {  	[spmem:s4] =	stream.indirect.scatter.add.f32 [tilespmem:s31], [sflag:$0x3], $0x80, s23, s10, $0xb8;
	[tilespmem:$0x1E580] =	vst v63  }
0x24f: {  	_ = 	snop  }
0x250: {  	[spmem:s5] =	stream.indirect.scatter.add.f32 [tilespmem:s18], [sflag:$0x3], $0x1, s23, s10, $0xb8;
	[tilespmem:$0x1E580] =	vst v63  }
0x251: {  	_ =	swait.ge [sflag:s19], $0x4000  }
0x252: {  	[sflag:s19] =	ssyncset.done $0x0  }
0x253: {  	[sflag:s19] =	ssyncadd.s32 $0xFFFFC000  }
0x254: {  	_ =	swait.ge [sflag:s28], $0x4000  }
.Ltmp4:
0x255: {  	[sflag:s28] =	ssyncset.done $0x0;
	(pc) =	sbr.rel @p1 .LBB2_6-.Ltmp4, $4  }
0x256: {  	[sflag:s28] =	ssyncadd.s32 $0xFFFFC000  }
0x257: {  	_ =	swait.ge [sflag:s28], $0x80  }
0x258: {  	[sflag:s28] =	ssyncset.done $0x0  }
0x259: {  	s25 =	simm.s32 $0x800;
	s29 =	simm.s32 $0x1000;
	[sflag:s28] =	ssyncadd.s32 $0xFFFFFF80  }
0x25a: {  	_ =	swait.ge [sflag:s21], $0x800  }
0x25b: {  	[sflag:s21] =	ssyncset.done $0x0  }
0x25c: {  	[sflag:s21] =	ssyncadd.s32 $0xFFFFF800  }
0x25d: {  	_ =	swait.ge [sflag:s21], $0x800  }
0x25e: {  	[sflag:s21] =	ssyncset.done $0x0  }
0x25f: {  	[sflag:s21] =	ssyncadd.s32 $0xFFFFF800  }
0x260: {  	[tilespmem:s31], [sflag:$0x1] =	stream.indirect.gather [hbm4b:s0+s10], $0x80, s6, s10, $0xb8;
	[tilespmem:$0x1E580] =	vst v63  }
0x261: {  	_ = 	snop  }
0x262: {  	[spmem:s4] =	stream.indirect.scatter.add.f32 [tilespmem:s15], [sflag:$0x4], $0x80, s20, s10, $0xb8;
	[tilespmem:$0x1E580] =	vst v63  }
0x263: {  	_ = 	snop  }
0x264: {  	[spmem:s5] =	stream.indirect.scatter.add.f32 [tilespmem:s18], [sflag:$0x4], $0x1, s20, s10, $0xb8;
	[tilespmem:$0x1E580] =	vst v63  }
0x265: {  	_ =	swait.ge [sflag:s17], $0x4000  }
0x266: {  	[sflag:s17] =	ssyncset.done $0x0  }
0x267: {  	[sflag:s17] =	ssyncadd.s32 $0xFFFFC000  }
0x268: {  	_ =	swait.ge [sflag:s17], $0x80  }
0x269: {  	[sflag:s17] =	ssyncset.done $0x0  }
0x26a: {  	[sflag:s17] =	ssyncadd.s32 $0xFFFFFF80  }
0x26b: {  	[tilespmem:s15], [sflag:$0x2] =	stream.indirect.gather [hbm4b:s0+s10], $0x80, s10, s10, $0xb8;
	[tilespmem:$0x1E580] =	vst v63  }
.Ltmp5:
0x26c: {  	s12 =	sadd.s32 s8, s3;
	(pc) =	sbr.rel .LBB2_5-.Ltmp5, $4  }
0x26d: {  	s14 =	sadd.s32 $0xB00, s12  }
0x26e: {  	[tilespmem:s29], [sflag:$0x5] =	stream.linear.gather [hbm4b:s14+s6], $0x800, $0x38;
	[tilespmem:$0x1E580] =	vst v63  }
0x26f: {  	s8 =	sadd.s32 $0x200, s8;
	s12 =	sadd.s32 $0xAB00, s12;
	s14 =	simm.s32 $0x1000  }
0x270: {  	[tilespmem:s9], [sflag:$0x5] =	stream.linear.gather [hbm4b:s12+s6], $0x800, $0x38;
	[tilespmem:$0x1E580] =	vst v63  }
.LBB2_8:
0x271: {  	s8 =	rddreg [dreg:$0xe]  }
0x272: {  	[tilespmem:s6], [sflag:$0x6] =	stream.linear.gather [hbm4b:s8+s6], $0x800, $0x38;
	[tilespmem:$0x1E580] =	vst v63  }
0x273: {  	_ =	swait.ge [sflag:s12], $0x800  }
0x274: {  	[sflag:s12] =	ssyncset.done $0x0  }
0x275: {  	s14 =	rddreg [dreg:$0xf];
	[sflag:s12] =	ssyncadd.s32 $0xFFFFF800  }
0x276: {  	[tilespmem:s25], [sflag:$0x6] =	stream.linear.gather [hbm4b:s14+s6], $0x800, $0x38;
	[tilespmem:$0x1E580] =	vst v63  }
0x277: {  	_ =	swait.ge [sflag:s12], $0x800  }
0x278: {  	[sflag:s12] =	ssyncset.done $0x0  }
0x279: {  	s3 =	rddreg [dreg:$0x1b];
	[sflag:s12] =	ssyncadd.s32 $0xFFFFF800;
	s12 =	simm.s32 $0x1000  }
0x27a: {  	[tilespmem:s12], [sflag:$0x5] =	stream.linear.gather [hbm4b:s3+s6], $0x800, $0x38;
	[tilespmem:$0x1E580] =	vst v63  }
0x27b: {  	s29 =	rddreg [dreg:$0x10]  }
0x27c: {  	[tilespmem:s9], [sflag:$0x5] =	stream.linear.gather [hbm4b:s29+s6], $0x800, $0x38;
	[tilespmem:$0x1E580] =	vst v63  }
0x27d: {  	_ = 	snop  }
0x27e: {  	[tilespmem:s31], [sflag:$0x1] =	stream.indirect.gather [hbm4b:s2+s10], $0x80, s6, s10, $0xb8;
	[tilespmem:$0x1E580] =	vst v63  }
0x27f: {  	s8 =	simm.s32 $0xFFFFF800  }
0x280: {  	[tilespmem:s15], [sflag:$0x2] =	stream.indirect.gather [hbm4b:s2+s10], $0x80, s10, s10, $0xb8;
	[tilespmem:$0x1E580] =	vst v63  }
.LBB2_9:
0x281: {  	_ =	swait.ge [sflag:s16], $0x4000  }
0x282: {  	[sflag:s16] =	ssyncset.done $0x0  }
0x283: {  	s3 =	simm.s32 $0x800;
	[sflag:s16] =	ssyncadd.s32 $0xFFFFC000  }
0x284: {  	[spmem:s4] =	stream.indirect.scatter.add.f32 [tilespmem:s31], [sflag:$0x3], $0x80, s3, s10, $0xb8;
	[tilespmem:$0x1E580] =	vst v63  }
0x285: {  	_ = 	snop  }
0x286: {  	[spmem:s5] =	stream.indirect.scatter.add.f32 [tilespmem:s18], [sflag:$0x3], $0x1, s3, s10, $0xb8;
	[tilespmem:$0x1E580] =	vst v63  }
0x287: {  	_ =	swait.ge [sflag:s19], $0x4000  }
0x288: {  	[sflag:s19] =	ssyncset.done $0x0  }
0x289: {  	[sflag:s19] =	ssyncadd.s32 $0xFFFFC000  }
0x28a: {  	_ =	swait.ge [sflag:s28], $0x4000  }
0x28b: {  	[sflag:s28] =	ssyncset.done $0x0  }
0x28c: {  	[sflag:s28] =	ssyncadd.s32 $0xFFFFC000  }
0x28d: {  	_ =	swait.ge [sflag:s28], $0x80  }
0x28e: {  	[sflag:s28] =	ssyncset.done $0x0  }
0x28f: {  	s14 =	simm.s32 $0x100;
	[sflag:s28] =	ssyncadd.s32 $0xFFFFFF80  }
0x290: {  	[tilespmem:s31], [sflag:$0x1] =	stream.indirect.gather [hbm4b:s2+s10], $0x80, s14, s10, $0xb8;
	[tilespmem:$0x1E580] =	vst v63  }
0x291: {  	s14 =	simm.s32 $0x880  }
0x292: {  	[spmem:s4] =	stream.indirect.scatter.add.f32 [tilespmem:s15], [sflag:$0x4], $0x80, s14, s10, $0xb8;
	[tilespmem:$0x1E580] =	vst v63  }
0x293: {  	_ = 	snop  }
0x294: {  	[spmem:s5] =	stream.indirect.scatter.add.f32 [tilespmem:s18], [sflag:$0x4], $0x1, s14, s10, $0xb8;
	[tilespmem:$0x1E580] =	vst v63  }
0x295: {  	_ =	swait.ge [sflag:s17], $0x4000  }
0x296: {  	[sflag:s17] =	ssyncset.done $0x0  }
0x297: {  	[sflag:s17] =	ssyncadd.s32 $0xFFFFC000  }
0x298: {  	_ =	swait.ge [sflag:s17], $0x80  }
0x299: {  	[sflag:s17] =	ssyncset.done $0x0  }
0x29a: {  	s14 =	simm.s32 $0x180;
	[sflag:s17] =	ssyncadd.s32 $0xFFFFFF80  }
0x29b: {  	[tilespmem:s15], [sflag:$0x2] =	stream.indirect.gather [hbm4b:s2+s10], $0x80, s14, s10, $0xb8;
	[tilespmem:$0x1E580] =	vst v63  }
0x29c: {  	_ =	swait.ge [sflag:s16], $0x4000  }
0x29d: {  	[sflag:s16] =	ssyncset.done $0x0  }
0x29e: {  	s14 =	simm.s32 $0x900;
	[sflag:s16] =	ssyncadd.s32 $0xFFFFC000  }
0x29f: {  	[spmem:s4] =	stream.indirect.scatter.add.f32 [tilespmem:s31], [sflag:$0x3], $0x80, s14, s10, $0xb8;
	[tilespmem:$0x1E580] =	vst v63  }
0x2a0: {  	_ = 	snop  }
0x2a1: {  	[spmem:s5] =	stream.indirect.scatter.add.f32 [tilespmem:s18], [sflag:$0x3], $0x1, s14, s10, $0xb8;
	[tilespmem:$0x1E580] =	vst v63  }
0x2a2: {  	_ =	swait.ge [sflag:s19], $0x4000  }
0x2a3: {  	[sflag:s19] =	ssyncset.done $0x0  }
0x2a4: {  	[sflag:s19] =	ssyncadd.s32 $0xFFFFC000  }
0x2a5: {  	_ =	swait.ge [sflag:s28], $0x4000  }
0x2a6: {  	[sflag:s28] =	ssyncset.done $0x0  }
0x2a7: {  	[sflag:s28] =	ssyncadd.s32 $0xFFFFC000  }
0x2a8: {  	_ =	swait.ge [sflag:s28], $0x80  }
0x2a9: {  	[sflag:s28] =	ssyncset.done $0x0  }
0x2aa: {  	s14 =	simm.s32 $0x200;
	[sflag:s28] =	ssyncadd.s32 $0xFFFFFF80  }
0x2ab: {  	[tilespmem:s31], [sflag:$0x1] =	stream.indirect.gather [hbm4b:s2+s10], $0x80, s14, s10, $0xb8;
	[tilespmem:$0x1E580] =	vst v63  }
0x2ac: {  	s14 =	simm.s32 $0x980  }
0x2ad: {  	[spmem:s4] =	stream.indirect.scatter.add.f32 [tilespmem:s15], [sflag:$0x4], $0x80, s14, s10, $0xb8;
	[tilespmem:$0x1E580] =	vst v63  }
0x2ae: {  	_ = 	snop  }
0x2af: {  	[spmem:s5] =	stream.indirect.scatter.add.f32 [tilespmem:s18], [sflag:$0x4], $0x1, s14, s10, $0xb8;
	[tilespmem:$0x1E580] =	vst v63  }
0x2b0: {  	_ =	swait.ge [sflag:s17], $0x4000  }
0x2b1: {  	[sflag:s17] =	ssyncset.done $0x0  }
0x2b2: {  	[sflag:s17] =	ssyncadd.s32 $0xFFFFC000  }
0x2b3: {  	_ =	swait.ge [sflag:s17], $0x80  }
0x2b4: {  	[sflag:s17] =	ssyncset.done $0x0  }
0x2b5: {  	s14 =	simm.s32 $0x280;
	[sflag:s17] =	ssyncadd.s32 $0xFFFFFF80  }
0x2b6: {  	[tilespmem:s15], [sflag:$0x2] =	stream.indirect.gather [hbm4b:s2+s10], $0x80, s14, s10, $0xb8;
	[tilespmem:$0x1E580] =	vst v63  }
0x2b7: {  	_ =	swait.ge [sflag:s16], $0x4000  }
0x2b8: {  	[sflag:s16] =	ssyncset.done $0x0  }
0x2b9: {  	s14 =	simm.s32 $0xA00;
	[sflag:s16] =	ssyncadd.s32 $0xFFFFC000  }
0x2ba: {  	[spmem:s4] =	stream.indirect.scatter.add.f32 [tilespmem:s31], [sflag:$0x3], $0x80, s14, s10, $0xb8;
	[tilespmem:$0x1E580] =	vst v63  }
0x2bb: {  	_ = 	snop  }
0x2bc: {  	[spmem:s5] =	stream.indirect.scatter.add.f32 [tilespmem:s18], [sflag:$0x3], $0x1, s14, s10, $0xb8;
	[tilespmem:$0x1E580] =	vst v63  }
0x2bd: {  	_ =	swait.ge [sflag:s19], $0x4000  }
0x2be: {  	[sflag:s19] =	ssyncset.done $0x0  }
0x2bf: {  	[sflag:s19] =	ssyncadd.s32 $0xFFFFC000  }
0x2c0: {  	_ =	swait.ge [sflag:s28], $0x4000  }
0x2c1: {  	[sflag:s28] =	ssyncset.done $0x0  }
0x2c2: {  	[sflag:s28] =	ssyncadd.s32 $0xFFFFC000  }
0x2c3: {  	_ =	swait.ge [sflag:s28], $0x80  }
0x2c4: {  	[sflag:s28] =	ssyncset.done $0x0  }
0x2c5: {  	s14 =	simm.s32 $0x300;
	[sflag:s28] =	ssyncadd.s32 $0xFFFFFF80  }
0x2c6: {  	[tilespmem:s31], [sflag:$0x1] =	stream.indirect.gather [hbm4b:s2+s10], $0x80, s14, s10, $0xb8;
	[tilespmem:$0x1E580] =	vst v63  }
0x2c7: {  	s14 =	simm.s32 $0xA80  }
0x2c8: {  	[spmem:s4] =	stream.indirect.scatter.add.f32 [tilespmem:s15], [sflag:$0x4], $0x80, s14, s10, $0xb8;
	[tilespmem:$0x1E580] =	vst v63  }
0x2c9: {  	_ = 	snop  }
0x2ca: {  	[spmem:s5] =	stream.indirect.scatter.add.f32 [tilespmem:s18], [sflag:$0x4], $0x1, s14, s10, $0xb8;
	[tilespmem:$0x1E580] =	vst v63  }
0x2cb: {  	_ =	swait.ge [sflag:s17], $0x4000  }
0x2cc: {  	[sflag:s17] =	ssyncset.done $0x0  }
0x2cd: {  	[sflag:s17] =	ssyncadd.s32 $0xFFFFC000  }
0x2ce: {  	_ =	swait.ge [sflag:s17], $0x80  }
0x2cf: {  	[sflag:s17] =	ssyncset.done $0x0  }
0x2d0: {  	s14 =	simm.s32 $0x380;
	[sflag:s17] =	ssyncadd.s32 $0xFFFFFF80  }
0x2d1: {  	[tilespmem:s15], [sflag:$0x2] =	stream.indirect.gather [hbm4b:s2+s10], $0x80, s14, s10, $0xb8;
	[tilespmem:$0x1E580] =	vst v63  }
0x2d2: {  	_ =	swait.ge [sflag:s16], $0x4000  }
0x2d3: {  	[sflag:s16] =	ssyncset.done $0x0  }
0x2d4: {  	s14 =	simm.s32 $0xB00;
	[sflag:s16] =	ssyncadd.s32 $0xFFFFC000  }
0x2d5: {  	[spmem:s4] =	stream.indirect.scatter.add.f32 [tilespmem:s31], [sflag:$0x3], $0x80, s14, s10, $0xb8;
	[tilespmem:$0x1E580] =	vst v63  }
0x2d6: {  	_ = 	snop  }
0x2d7: {  	[spmem:s5] =	stream.indirect.scatter.add.f32 [tilespmem:s18], [sflag:$0x3], $0x1, s14, s10, $0xb8;
	[tilespmem:$0x1E580] =	vst v63  }
0x2d8: {  	_ =	swait.ge [sflag:s19], $0x4000  }
0x2d9: {  	[sflag:s19] =	ssyncset.done $0x0  }
0x2da: {  	[sflag:s19] =	ssyncadd.s32 $0xFFFFC000  }
0x2db: {  	_ =	swait.ge [sflag:s28], $0x4000  }
0x2dc: {  	[sflag:s28] =	ssyncset.done $0x0  }
0x2dd: {  	[sflag:s28] =	ssyncadd.s32 $0xFFFFC000  }
0x2de: {  	_ =	swait.ge [sflag:s28], $0x80  }
0x2df: {  	[sflag:s28] =	ssyncset.done $0x0  }
0x2e0: {  	s14 =	simm.s32 $0x400;
	[sflag:s28] =	ssyncadd.s32 $0xFFFFFF80  }
0x2e1: {  	[tilespmem:s31], [sflag:$0x1] =	stream.indirect.gather [hbm4b:s2+s10], $0x80, s14, s10, $0xb8;
	[tilespmem:$0x1E580] =	vst v63  }
0x2e2: {  	s14 =	simm.s32 $0xB80  }
0x2e3: {  	[spmem:s4] =	stream.indirect.scatter.add.f32 [tilespmem:s15], [sflag:$0x4], $0x80, s14, s10, $0xb8;
	[tilespmem:$0x1E580] =	vst v63  }
0x2e4: {  	_ = 	snop  }
0x2e5: {  	[spmem:s5] =	stream.indirect.scatter.add.f32 [tilespmem:s18], [sflag:$0x4], $0x1, s14, s10, $0xb8;
	[tilespmem:$0x1E580] =	vst v63  }
0x2e6: {  	_ =	swait.ge [sflag:s17], $0x4000  }
0x2e7: {  	[sflag:s17] =	ssyncset.done $0x0  }
0x2e8: {  	[sflag:s17] =	ssyncadd.s32 $0xFFFFC000  }
0x2e9: {  	_ =	swait.ge [sflag:s17], $0x80  }
0x2ea: {  	[sflag:s17] =	ssyncset.done $0x0  }
0x2eb: {  	s14 =	simm.s32 $0x480;
	[sflag:s17] =	ssyncadd.s32 $0xFFFFFF80  }
0x2ec: {  	[tilespmem:s15], [sflag:$0x2] =	stream.indirect.gather [hbm4b:s2+s10], $0x80, s14, s10, $0xb8;
	[tilespmem:$0x1E580] =	vst v63  }
0x2ed: {  	_ =	swait.ge [sflag:s16], $0x4000  }
0x2ee: {  	[sflag:s16] =	ssyncset.done $0x0  }
0x2ef: {  	s14 =	simm.s32 $0xC00;
	[sflag:s16] =	ssyncadd.s32 $0xFFFFC000  }
0x2f0: {  	[spmem:s4] =	stream.indirect.scatter.add.f32 [tilespmem:s31], [sflag:$0x3], $0x80, s14, s10, $0xb8;
	[tilespmem:$0x1E580] =	vst v63  }
0x2f1: {  	_ = 	snop  }
0x2f2: {  	[spmem:s5] =	stream.indirect.scatter.add.f32 [tilespmem:s18], [sflag:$0x3], $0x1, s14, s10, $0xb8;
	[tilespmem:$0x1E580] =	vst v63  }
0x2f3: {  	_ =	swait.ge [sflag:s19], $0x4000  }
0x2f4: {  	[sflag:s19] =	ssyncset.done $0x0  }
0x2f5: {  	[sflag:s19] =	ssyncadd.s32 $0xFFFFC000  }
0x2f6: {  	_ =	swait.ge [sflag:s28], $0x4000  }
0x2f7: {  	[sflag:s28] =	ssyncset.done $0x0  }
0x2f8: {  	[sflag:s28] =	ssyncadd.s32 $0xFFFFC000  }
0x2f9: {  	_ =	swait.ge [sflag:s28], $0x80  }
0x2fa: {  	[sflag:s28] =	ssyncset.done $0x0  }
0x2fb: {  	s14 =	simm.s32 $0x500;
	[sflag:s28] =	ssyncadd.s32 $0xFFFFFF80  }
0x2fc: {  	[tilespmem:s31], [sflag:$0x1] =	stream.indirect.gather [hbm4b:s2+s10], $0x80, s14, s10, $0xb8;
	[tilespmem:$0x1E580] =	vst v63  }
0x2fd: {  	s14 =	simm.s32 $0xC80  }
0x2fe: {  	[spmem:s4] =	stream.indirect.scatter.add.f32 [tilespmem:s15], [sflag:$0x4], $0x80, s14, s10, $0xb8;
	[tilespmem:$0x1E580] =	vst v63  }
0x2ff: {  	_ = 	snop  }
0x300: {  	[spmem:s5] =	stream.indirect.scatter.add.f32 [tilespmem:s18], [sflag:$0x4], $0x1, s14, s10, $0xb8;
	[tilespmem:$0x1E580] =	vst v63  }
0x301: {  	_ =	swait.ge [sflag:s17], $0x4000  }
0x302: {  	[sflag:s17] =	ssyncset.done $0x0  }
0x303: {  	[sflag:s17] =	ssyncadd.s32 $0xFFFFC000  }
0x304: {  	_ =	swait.ge [sflag:s17], $0x80  }
0x305: {  	[sflag:s17] =	ssyncset.done $0x0  }
0x306: {  	s14 =	simm.s32 $0x580;
	[sflag:s17] =	ssyncadd.s32 $0xFFFFFF80  }
0x307: {  	[tilespmem:s15], [sflag:$0x2] =	stream.indirect.gather [hbm4b:s2+s10], $0x80, s14, s10, $0xb8;
	[tilespmem:$0x1E580] =	vst v63  }
0x308: {  	_ =	swait.ge [sflag:s16], $0x4000  }
0x309: {  	[sflag:s16] =	ssyncset.done $0x0  }
0x30a: {  	s14 =	simm.s32 $0xD00;
	[sflag:s16] =	ssyncadd.s32 $0xFFFFC000  }
0x30b: {  	[spmem:s4] =	stream.indirect.scatter.add.f32 [tilespmem:s31], [sflag:$0x3], $0x80, s14, s10, $0xb8;
	[tilespmem:$0x1E580] =	vst v63  }
0x30c: {  	_ = 	snop  }
0x30d: {  	[spmem:s5] =	stream.indirect.scatter.add.f32 [tilespmem:s18], [sflag:$0x3], $0x1, s14, s10, $0xb8;
	[tilespmem:$0x1E580] =	vst v63  }
0x30e: {  	_ =	swait.ge [sflag:s19], $0x4000  }
0x30f: {  	[sflag:s19] =	ssyncset.done $0x0  }
0x310: {  	[sflag:s19] =	ssyncadd.s32 $0xFFFFC000  }
0x311: {  	_ =	swait.ge [sflag:s28], $0x4000  }
0x312: {  	[sflag:s28] =	ssyncset.done $0x0  }
0x313: {  	[sflag:s28] =	ssyncadd.s32 $0xFFFFC000  }
0x314: {  	_ =	swait.ge [sflag:s28], $0x80  }
0x315: {  	[sflag:s28] =	ssyncset.done $0x0  }
0x316: {  	s14 =	simm.s32 $0x600;
	[sflag:s28] =	ssyncadd.s32 $0xFFFFFF80  }
0x317: {  	[tilespmem:s31], [sflag:$0x1] =	stream.indirect.gather [hbm4b:s2+s10], $0x80, s14, s10, $0xb8;
	[tilespmem:$0x1E580] =	vst v63  }
0x318: {  	s14 =	simm.s32 $0xD80  }
0x319: {  	[spmem:s4] =	stream.indirect.scatter.add.f32 [tilespmem:s15], [sflag:$0x4], $0x80, s14, s10, $0xb8;
	[tilespmem:$0x1E580] =	vst v63  }
0x31a: {  	_ = 	snop  }
0x31b: {  	[spmem:s5] =	stream.indirect.scatter.add.f32 [tilespmem:s18], [sflag:$0x4], $0x1, s14, s10, $0xb8;
	[tilespmem:$0x1E580] =	vst v63  }
0x31c: {  	_ =	swait.ge [sflag:s17], $0x4000  }
0x31d: {  	[sflag:s17] =	ssyncset.done $0x0  }
0x31e: {  	[sflag:s17] =	ssyncadd.s32 $0xFFFFC000  }
0x31f: {  	_ =	swait.ge [sflag:s17], $0x80  }
0x320: {  	[sflag:s17] =	ssyncset.done $0x0  }
0x321: {  	s14 =	simm.s32 $0x680;
	[sflag:s17] =	ssyncadd.s32 $0xFFFFFF80  }
0x322: {  	[tilespmem:s15], [sflag:$0x2] =	stream.indirect.gather [hbm4b:s2+s10], $0x80, s14, s10, $0xb8;
	[tilespmem:$0x1E580] =	vst v63  }
0x323: {  	_ =	swait.ge [sflag:s16], $0x4000  }
0x324: {  	[sflag:s16] =	ssyncset.done $0x0  }
0x325: {  	s14 =	simm.s32 $0xE00;
	[sflag:s16] =	ssyncadd.s32 $0xFFFFC000  }
0x326: {  	[spmem:s4] =	stream.indirect.scatter.add.f32 [tilespmem:s31], [sflag:$0x3], $0x80, s14, s10, $0xb8;
	[tilespmem:$0x1E580] =	vst v63  }
0x327: {  	_ = 	snop  }
0x328: {  	[spmem:s5] =	stream.indirect.scatter.add.f32 [tilespmem:s18], [sflag:$0x3], $0x1, s14, s10, $0xb8;
	[tilespmem:$0x1E580] =	vst v63  }
0x329: {  	_ =	swait.ge [sflag:s19], $0x4000  }
0x32a: {  	[sflag:s19] =	ssyncset.done $0x0  }
0x32b: {  	[sflag:s19] =	ssyncadd.s32 $0xFFFFC000  }
0x32c: {  	_ =	swait.ge [sflag:s28], $0x4000  }
0x32d: {  	[sflag:s28] =	ssyncset.done $0x0  }
0x32e: {  	[sflag:s28] =	ssyncadd.s32 $0xFFFFC000  }
0x32f: {  	_ =	swait.ge [sflag:s28], $0x80  }
0x330: {  	[sflag:s28] =	ssyncset.done $0x0  }
0x331: {  	s14 =	simm.s32 $0x700;
	[sflag:s28] =	ssyncadd.s32 $0xFFFFFF80  }
0x332: {  	[tilespmem:s31], [sflag:$0x1] =	stream.indirect.gather [hbm4b:s2+s10], $0x80, s14, s10, $0xb8;
	[tilespmem:$0x1E580] =	vst v63  }
0x333: {  	s14 =	simm.s32 $0xE80  }
0x334: {  	[spmem:s4] =	stream.indirect.scatter.add.f32 [tilespmem:s15], [sflag:$0x4], $0x80, s14, s10, $0xb8;
	[tilespmem:$0x1E580] =	vst v63  }
0x335: {  	_ = 	snop  }
0x336: {  	[spmem:s5] =	stream.indirect.scatter.add.f32 [tilespmem:s18], [sflag:$0x4], $0x1, s14, s10, $0xb8;
	[tilespmem:$0x1E580] =	vst v63  }
0x337: {  	_ =	swait.ge [sflag:s17], $0x4000  }
0x338: {  	[sflag:s17] =	ssyncset.done $0x0  }
0x339: {  	[sflag:s17] =	ssyncadd.s32 $0xFFFFC000  }
0x33a: {  	_ =	swait.ge [sflag:s17], $0x80  }
0x33b: {  	[sflag:s17] =	ssyncset.done $0x0  }
0x33c: {  	s14 =	simm.s32 $0x780;
	[sflag:s17] =	ssyncadd.s32 $0xFFFFFF80  }
0x33d: {  	[tilespmem:s15], [sflag:$0x2] =	stream.indirect.gather [hbm4b:s2+s10], $0x80, s14, s10, $0xb8;
	[tilespmem:$0x1E580] =	vst v63  }
0x33e: {  	_ =	swait.ge [sflag:s16], $0x4000  }
0x33f: {  	[sflag:s16] =	ssyncset.done $0x0  }
0x340: {  	s14 =	simm.s32 $0xF00;
	[sflag:s16] =	ssyncadd.s32 $0xFFFFC000  }
0x341: {  	[spmem:s4] =	stream.indirect.scatter.add.f32 [tilespmem:s31], [sflag:$0x3], $0x80, s14, s10, $0xb8;
	[tilespmem:$0x1E580] =	vst v63  }
0x342: {  	_ = 	snop  }
0x343: {  	[spmem:s5] =	stream.indirect.scatter.add.f32 [tilespmem:s18], [sflag:$0x3], $0x1, s14, s10, $0xb8;
	[tilespmem:$0x1E580] =	vst v63  }
0x344: {  	_ =	swait.ge [sflag:s19], $0x4000  }
0x345: {  	[sflag:s19] =	ssyncset.done $0x0  }
0x346: {  	[sflag:s19] =	ssyncadd.s32 $0xFFFFC000  }
0x347: {  	_ =	swait.ge [sflag:s28], $0x4000  }
0x348: {  	[sflag:s28] =	ssyncset.done $0x0  }
0x349: {  	[sflag:s28] =	ssyncadd.s32 $0xFFFFC000  }
0x34a: {  	_ =	swait.ge [sflag:s28], $0x80  }
0x34b: {  	[sflag:s28] =	ssyncset.done $0x0  }
0x34c: {  	[sflag:s28] =	ssyncadd.s32 $0xFFFFFF80  }
0x34d: {  	_ =	swait.ge [sflag:s21], $0x800  }
0x34e: {  	[sflag:s21] =	ssyncset.done $0x0  }
0x34f: {  	[sflag:s21] =	ssyncadd.s32 $0xFFFFF800  }
0x350: {  	_ =	swait.ge [sflag:s21], $0x800  }
0x351: {  	[sflag:s21] =	ssyncset.done $0x0  }
0x352: {  	[sflag:s21] =	ssyncadd.s32 $0xFFFFF800  }
0x353: {  	[tilespmem:s31], [sflag:$0x1] =	stream.indirect.gather [hbm4b:s2+s10], $0x80, s12, s10, $0xb8;
	[tilespmem:$0x1E580] =	vst v63  }
0x354: {  	s14 =	simm.s32 $0xF80  }
0x355: {  	[spmem:s4] =	stream.indirect.scatter.add.f32 [tilespmem:s15], [sflag:$0x4], $0x80, s14, s10, $0xb8;
	[tilespmem:$0x1E580] =	vst v63  }
0x356: {  	_ = 	snop  }
0x357: {  	[spmem:s5] =	stream.indirect.scatter.add.f32 [tilespmem:s18], [sflag:$0x4], $0x1, s14, s10, $0xb8;
	[tilespmem:$0x1E580] =	vst v63  }
0x358: {  	_ =	swait.ge [sflag:s17], $0x4000  }
0x359: {  	[sflag:s17] =	ssyncset.done $0x0  }
0x35a: {  	[sflag:s17] =	ssyncadd.s32 $0xFFFFC000  }
0x35b: {  	_ =	swait.ge [sflag:s17], $0x80  }
0x35c: {  	[sflag:s17] =	ssyncset.done $0x0  }
0x35d: {  	p1 =	seq.s32 s8, $0x0;
	s12 =	simm.s32 $0x1080;
	[sflag:s17] =	ssyncadd.s32 $0xFFFFFF80  }
0x35e: {  	[tilespmem:s15], [sflag:$0x2] =	stream.indirect.gather [hbm4b:s2+s10], $0x80, s12, s10, $0xb8;
	[tilespmem:$0x1E580] =	vst v63  }
0x35f: {  	s12 =	sadd.s32 @!p1 s8, s22  }
0x360: {  	s3 =	smov.u32 s22;
	s22 =	simm.s32 @!p1 $0x0;
	s14 =	sadd.s32 @!p1 $0xA00, s12  }
0x361: {  	[tilespmem:s22], [sflag:$0x5] =	stream.linear.gather @!p1 [hbm4b:s14+s22], $0x800, $0x38;
	[tilespmem:$0x1E580] =	vst v63  }
0x362: {  	s12 =	sadd.s32 @!p1 $0xAA00, s12;
	s14 =	simm.s32 @!p1 $0x800  }
0x363: {  	[tilespmem:s14], [sflag:$0x5] =	stream.linear.gather @!p1 [hbm4b:s12+s22], $0x800, $0x38;
	[tilespmem:$0x1E580] =	vst v63  }
0x364: {  	_ =	swait.ge [sflag:s16], $0x4000  }
0x365: {  	[sflag:s16] =	ssyncset.done $0x0  }
0x366: {  	[sflag:s16] =	ssyncadd.s32 $0xFFFFC000  }
0x367: {  	[spmem:s4] =	stream.indirect.scatter.add.f32 [tilespmem:s31], [sflag:$0x3], $0x80, s9, s10, $0xb8;
	[tilespmem:$0x1E580] =	vst v63  }
0x368: {  	_ = 	snop  }
0x369: {  	[spmem:s5] =	stream.indirect.scatter.add.f32 [tilespmem:s18], [sflag:$0x3], $0x1, s9, s10, $0xb8;
	[tilespmem:$0x1E580] =	vst v63  }
0x36a: {  	_ =	swait.ge [sflag:s19], $0x4000  }
0x36b: {  	[sflag:s19] =	ssyncset.done $0x0  }
0x36c: {  	[sflag:s19] =	ssyncadd.s32 $0xFFFFC000  }
0x36d: {  	_ =	swait.ge [sflag:s28], $0x4000  }
0x36e: {  	[sflag:s28] =	ssyncset.done $0x0  }
0x36f: {  	[sflag:s28] =	ssyncadd.s32 $0xFFFFC000  }
0x370: {  	_ =	swait.ge [sflag:s28], $0x80  }
0x371: {  	[sflag:s28] =	ssyncset.done $0x0  }
0x372: {  	s14 =	simm.s32 $0x1100;
	[sflag:s28] =	ssyncadd.s32 $0xFFFFFF80  }
0x373: {  	[tilespmem:s31], [sflag:$0x1] =	stream.indirect.gather [hbm4b:s2+s10], $0x80, s14, s10, $0xb8;
	[tilespmem:$0x1E580] =	vst v63  }
0x374: {  	s22 =	simm.s32 $0x1880  }
0x375: {  	[spmem:s4] =	stream.indirect.scatter.add.f32 [tilespmem:s15], [sflag:$0x4], $0x80, s22, s10, $0xb8;
	[tilespmem:$0x1E580] =	vst v63  }
0x376: {  	_ = 	snop  }
0x377: {  	[spmem:s5] =	stream.indirect.scatter.add.f32 [tilespmem:s18], [sflag:$0x4], $0x1, s22, s10, $0xb8;
	[tilespmem:$0x1E580] =	vst v63  }
0x378: {  	_ =	swait.ge [sflag:s17], $0x4000  }
0x379: {  	[sflag:s17] =	ssyncset.done $0x0  }
0x37a: {  	[sflag:s17] =	ssyncadd.s32 $0xFFFFC000  }
0x37b: {  	_ =	swait.ge [sflag:s17], $0x80  }
0x37c: {  	[sflag:s17] =	ssyncset.done $0x0  }
0x37d: {  	s14 =	simm.s32 $0x1180;
	[sflag:s17] =	ssyncadd.s32 $0xFFFFFF80  }
0x37e: {  	[tilespmem:s15], [sflag:$0x2] =	stream.indirect.gather [hbm4b:s2+s10], $0x80, s14, s10, $0xb8;
	[tilespmem:$0x1E580] =	vst v63  }
0x37f: {  	_ =	swait.ge [sflag:s16], $0x4000  }
0x380: {  	[sflag:s16] =	ssyncset.done $0x0  }
0x381: {  	s22 =	simm.s32 $0x1900;
	[sflag:s16] =	ssyncadd.s32 $0xFFFFC000  }
0x382: {  	[spmem:s4] =	stream.indirect.scatter.add.f32 [tilespmem:s31], [sflag:$0x3], $0x80, s22, s10, $0xb8;
	[tilespmem:$0x1E580] =	vst v63  }
0x383: {  	_ = 	snop  }
0x384: {  	[spmem:s5] =	stream.indirect.scatter.add.f32 [tilespmem:s18], [sflag:$0x3], $0x1, s22, s10, $0xb8;
	[tilespmem:$0x1E580] =	vst v63  }
0x385: {  	_ =	swait.ge [sflag:s19], $0x4000  }
0x386: {  	[sflag:s19] =	ssyncset.done $0x0  }
0x387: {  	[sflag:s19] =	ssyncadd.s32 $0xFFFFC000  }
0x388: {  	_ =	swait.ge [sflag:s28], $0x4000  }
0x389: {  	[sflag:s28] =	ssyncset.done $0x0  }
0x38a: {  	[sflag:s28] =	ssyncadd.s32 $0xFFFFC000  }
0x38b: {  	_ =	swait.ge [sflag:s28], $0x80  }
0x38c: {  	[sflag:s28] =	ssyncset.done $0x0  }
0x38d: {  	s14 =	simm.s32 $0x1200;
	[sflag:s28] =	ssyncadd.s32 $0xFFFFFF80  }
0x38e: {  	[tilespmem:s31], [sflag:$0x1] =	stream.indirect.gather [hbm4b:s2+s10], $0x80, s14, s10, $0xb8;
	[tilespmem:$0x1E580] =	vst v63  }
0x38f: {  	s22 =	simm.s32 $0x1980  }
0x390: {  	[spmem:s4] =	stream.indirect.scatter.add.f32 [tilespmem:s15], [sflag:$0x4], $0x80, s22, s10, $0xb8;
	[tilespmem:$0x1E580] =	vst v63  }
0x391: {  	_ = 	snop  }
0x392: {  	[spmem:s5] =	stream.indirect.scatter.add.f32 [tilespmem:s18], [sflag:$0x4], $0x1, s22, s10, $0xb8;
	[tilespmem:$0x1E580] =	vst v63  }
0x393: {  	_ =	swait.ge [sflag:s17], $0x4000  }
0x394: {  	[sflag:s17] =	ssyncset.done $0x0  }
0x395: {  	[sflag:s17] =	ssyncadd.s32 $0xFFFFC000  }
0x396: {  	_ =	swait.ge [sflag:s17], $0x80  }
0x397: {  	[sflag:s17] =	ssyncset.done $0x0  }
0x398: {  	s14 =	simm.s32 $0x1280;
	[sflag:s17] =	ssyncadd.s32 $0xFFFFFF80  }
0x399: {  	[tilespmem:s15], [sflag:$0x2] =	stream.indirect.gather [hbm4b:s2+s10], $0x80, s14, s10, $0xb8;
	[tilespmem:$0x1E580] =	vst v63  }
0x39a: {  	_ =	swait.ge [sflag:s16], $0x4000  }
0x39b: {  	[sflag:s16] =	ssyncset.done $0x0  }
0x39c: {  	s22 =	simm.s32 $0x1A00;
	[sflag:s16] =	ssyncadd.s32 $0xFFFFC000  }
0x39d: {  	[spmem:s4] =	stream.indirect.scatter.add.f32 [tilespmem:s31], [sflag:$0x3], $0x80, s22, s10, $0xb8;
	[tilespmem:$0x1E580] =	vst v63  }
0x39e: {  	_ = 	snop  }
0x39f: {  	[spmem:s5] =	stream.indirect.scatter.add.f32 [tilespmem:s18], [sflag:$0x3], $0x1, s22, s10, $0xb8;
	[tilespmem:$0x1E580] =	vst v63  }
0x3a0: {  	_ =	swait.ge [sflag:s19], $0x4000  }
0x3a1: {  	[sflag:s19] =	ssyncset.done $0x0  }
0x3a2: {  	[sflag:s19] =	ssyncadd.s32 $0xFFFFC000  }
0x3a3: {  	_ =	swait.ge [sflag:s28], $0x4000  }
0x3a4: {  	[sflag:s28] =	ssyncset.done $0x0  }
0x3a5: {  	[sflag:s28] =	ssyncadd.s32 $0xFFFFC000  }
0x3a6: {  	_ =	swait.ge [sflag:s28], $0x80  }
0x3a7: {  	[sflag:s28] =	ssyncset.done $0x0  }
0x3a8: {  	s14 =	simm.s32 $0x1300;
	[sflag:s28] =	ssyncadd.s32 $0xFFFFFF80  }
0x3a9: {  	[tilespmem:s31], [sflag:$0x1] =	stream.indirect.gather [hbm4b:s2+s10], $0x80, s14, s10, $0xb8;
	[tilespmem:$0x1E580] =	vst v63  }
0x3aa: {  	s22 =	simm.s32 $0x1A80  }
0x3ab: {  	[spmem:s4] =	stream.indirect.scatter.add.f32 [tilespmem:s15], [sflag:$0x4], $0x80, s22, s10, $0xb8;
	[tilespmem:$0x1E580] =	vst v63  }
0x3ac: {  	_ = 	snop  }
0x3ad: {  	[spmem:s5] =	stream.indirect.scatter.add.f32 [tilespmem:s18], [sflag:$0x4], $0x1, s22, s10, $0xb8;
	[tilespmem:$0x1E580] =	vst v63  }
0x3ae: {  	_ =	swait.ge [sflag:s17], $0x4000  }
0x3af: {  	[sflag:s17] =	ssyncset.done $0x0  }
0x3b0: {  	[sflag:s17] =	ssyncadd.s32 $0xFFFFC000  }
0x3b1: {  	_ =	swait.ge [sflag:s17], $0x80  }
0x3b2: {  	[sflag:s17] =	ssyncset.done $0x0  }
0x3b3: {  	s14 =	simm.s32 $0x1380;
	[sflag:s17] =	ssyncadd.s32 $0xFFFFFF80  }
0x3b4: {  	[tilespmem:s15], [sflag:$0x2] =	stream.indirect.gather [hbm4b:s2+s10], $0x80, s14, s10, $0xb8;
	[tilespmem:$0x1E580] =	vst v63  }
0x3b5: {  	_ =	swait.ge [sflag:s16], $0x4000  }
0x3b6: {  	[sflag:s16] =	ssyncset.done $0x0  }
0x3b7: {  	s22 =	simm.s32 $0x1B00;
	[sflag:s16] =	ssyncadd.s32 $0xFFFFC000  }
0x3b8: {  	[spmem:s4] =	stream.indirect.scatter.add.f32 [tilespmem:s31], [sflag:$0x3], $0x80, s22, s10, $0xb8;
	[tilespmem:$0x1E580] =	vst v63  }
0x3b9: {  	_ = 	snop  }
0x3ba: {  	[spmem:s5] =	stream.indirect.scatter.add.f32 [tilespmem:s18], [sflag:$0x3], $0x1, s22, s10, $0xb8;
	[tilespmem:$0x1E580] =	vst v63  }
0x3bb: {  	_ =	swait.ge [sflag:s19], $0x4000  }
0x3bc: {  	[sflag:s19] =	ssyncset.done $0x0  }
0x3bd: {  	[sflag:s19] =	ssyncadd.s32 $0xFFFFC000  }
0x3be: {  	_ =	swait.ge [sflag:s28], $0x4000  }
0x3bf: {  	[sflag:s28] =	ssyncset.done $0x0  }
0x3c0: {  	[sflag:s28] =	ssyncadd.s32 $0xFFFFC000  }
0x3c1: {  	_ =	swait.ge [sflag:s28], $0x80  }
0x3c2: {  	[sflag:s28] =	ssyncset.done $0x0  }
0x3c3: {  	s14 =	simm.s32 $0x1400;
	[sflag:s28] =	ssyncadd.s32 $0xFFFFFF80  }
0x3c4: {  	[tilespmem:s31], [sflag:$0x1] =	stream.indirect.gather [hbm4b:s2+s10], $0x80, s14, s10, $0xb8;
	[tilespmem:$0x1E580] =	vst v63  }
0x3c5: {  	_ = 	snop  }
0x3c6: {  	[spmem:s4] =	stream.indirect.scatter.add.f32 [tilespmem:s15], [sflag:$0x4], $0x80, s11, s10, $0xb8;
	[tilespmem:$0x1E580] =	vst v63  }
0x3c7: {  	_ = 	snop  }
0x3c8: {  	[spmem:s5] =	stream.indirect.scatter.add.f32 [tilespmem:s18], [sflag:$0x4], $0x1, s11, s10, $0xb8;
	[tilespmem:$0x1E580] =	vst v63  }
0x3c9: {  	_ =	swait.ge [sflag:s17], $0x4000  }
0x3ca: {  	[sflag:s17] =	ssyncset.done $0x0  }
0x3cb: {  	[sflag:s17] =	ssyncadd.s32 $0xFFFFC000  }
0x3cc: {  	_ =	swait.ge [sflag:s17], $0x80  }
0x3cd: {  	[sflag:s17] =	ssyncset.done $0x0  }
0x3ce: {  	s22 =	simm.s32 $0x1480;
	[sflag:s17] =	ssyncadd.s32 $0xFFFFFF80  }
0x3cf: {  	[tilespmem:s15], [sflag:$0x2] =	stream.indirect.gather [hbm4b:s2+s10], $0x80, s22, s10, $0xb8;
	[tilespmem:$0x1E580] =	vst v63  }
0x3d0: {  	_ =	swait.ge [sflag:s16], $0x4000  }
0x3d1: {  	[sflag:s16] =	ssyncset.done $0x0  }
0x3d2: {  	[sflag:s16] =	ssyncadd.s32 $0xFFFFC000  }
0x3d3: {  	[spmem:s4] =	stream.indirect.scatter.add.f32 [tilespmem:s31], [sflag:$0x3], $0x80, s30, s10, $0xb8;
	[tilespmem:$0x1E580] =	vst v63  }
0x3d4: {  	_ = 	snop  }
0x3d5: {  	[spmem:s5] =	stream.indirect.scatter.add.f32 [tilespmem:s18], [sflag:$0x3], $0x1, s30, s10, $0xb8;
	[tilespmem:$0x1E580] =	vst v63  }
0x3d6: {  	_ =	swait.ge [sflag:s19], $0x4000  }
0x3d7: {  	[sflag:s19] =	ssyncset.done $0x0  }
0x3d8: {  	[sflag:s19] =	ssyncadd.s32 $0xFFFFC000  }
0x3d9: {  	_ =	swait.ge [sflag:s28], $0x4000  }
0x3da: {  	[sflag:s28] =	ssyncset.done $0x0  }
0x3db: {  	[sflag:s28] =	ssyncadd.s32 $0xFFFFC000  }
0x3dc: {  	_ =	swait.ge [sflag:s28], $0x80  }
0x3dd: {  	[sflag:s28] =	ssyncset.done $0x0  }
0x3de: {  	s14 =	simm.s32 $0x1500;
	[sflag:s28] =	ssyncadd.s32 $0xFFFFFF80  }
0x3df: {  	[tilespmem:s31], [sflag:$0x1] =	stream.indirect.gather [hbm4b:s2+s10], $0x80, s14, s10, $0xb8;
	[tilespmem:$0x1E580] =	vst v63  }
0x3e0: {  	_ = 	snop  }
0x3e1: {  	[spmem:s4] =	stream.indirect.scatter.add.f32 [tilespmem:s15], [sflag:$0x4], $0x80, s13, s10, $0xb8;
	[tilespmem:$0x1E580] =	vst v63  }
0x3e2: {  	_ = 	snop  }
0x3e3: {  	[spmem:s5] =	stream.indirect.scatter.add.f32 [tilespmem:s18], [sflag:$0x4], $0x1, s13, s10, $0xb8;
	[tilespmem:$0x1E580] =	vst v63  }
0x3e4: {  	_ =	swait.ge [sflag:s17], $0x4000  }
0x3e5: {  	[sflag:s17] =	ssyncset.done $0x0  }
0x3e6: {  	[sflag:s17] =	ssyncadd.s32 $0xFFFFC000  }
0x3e7: {  	_ =	swait.ge [sflag:s17], $0x80  }
0x3e8: {  	[sflag:s17] =	ssyncset.done $0x0  }
0x3e9: {  	s22 =	simm.s32 $0x1580;
	[sflag:s17] =	ssyncadd.s32 $0xFFFFFF80  }
0x3ea: {  	[tilespmem:s15], [sflag:$0x2] =	stream.indirect.gather [hbm4b:s2+s10], $0x80, s22, s10, $0xb8;
	[tilespmem:$0x1E580] =	vst v63  }
0x3eb: {  	_ =	swait.ge [sflag:s16], $0x4000  }
0x3ec: {  	[sflag:s16] =	ssyncset.done $0x0  }
0x3ed: {  	[sflag:s16] =	ssyncadd.s32 $0xFFFFC000  }
0x3ee: {  	[spmem:s4] =	stream.indirect.scatter.add.f32 [tilespmem:s31], [sflag:$0x3], $0x80, s26, s10, $0xb8;
	[tilespmem:$0x1E580] =	vst v63  }
0x3ef: {  	_ = 	snop  }
0x3f0: {  	[spmem:s5] =	stream.indirect.scatter.add.f32 [tilespmem:s18], [sflag:$0x3], $0x1, s26, s10, $0xb8;
	[tilespmem:$0x1E580] =	vst v63  }
0x3f1: {  	_ =	swait.ge [sflag:s19], $0x4000  }
0x3f2: {  	[sflag:s19] =	ssyncset.done $0x0  }
0x3f3: {  	[sflag:s19] =	ssyncadd.s32 $0xFFFFC000  }
0x3f4: {  	_ =	swait.ge [sflag:s28], $0x4000  }
0x3f5: {  	[sflag:s28] =	ssyncset.done $0x0  }
0x3f6: {  	[sflag:s28] =	ssyncadd.s32 $0xFFFFC000  }
0x3f7: {  	_ =	swait.ge [sflag:s28], $0x80  }
0x3f8: {  	[sflag:s28] =	ssyncset.done $0x0  }
0x3f9: {  	s14 =	simm.s32 $0x1600;
	[sflag:s28] =	ssyncadd.s32 $0xFFFFFF80  }
0x3fa: {  	[tilespmem:s31], [sflag:$0x1] =	stream.indirect.gather [hbm4b:s2+s10], $0x80, s14, s10, $0xb8;
	[tilespmem:$0x1E580] =	vst v63  }
0x3fb: {  	_ = 	snop  }
0x3fc: {  	[spmem:s4] =	stream.indirect.scatter.add.f32 [tilespmem:s15], [sflag:$0x4], $0x80, s1, s10, $0xb8;
	[tilespmem:$0x1E580] =	vst v63  }
0x3fd: {  	_ = 	snop  }
0x3fe: {  	[spmem:s5] =	stream.indirect.scatter.add.f32 [tilespmem:s18], [sflag:$0x4], $0x1, s1, s10, $0xb8;
	[tilespmem:$0x1E580] =	vst v63  }
0x3ff: {  	_ =	swait.ge [sflag:s17], $0x4000  }
0x400: {  	[sflag:s17] =	ssyncset.done $0x0  }
0x401: {  	[sflag:s17] =	ssyncadd.s32 $0xFFFFC000  }
0x402: {  	_ =	swait.ge [sflag:s17], $0x80  }
0x403: {  	[sflag:s17] =	ssyncset.done $0x0  }
0x404: {  	s22 =	simm.s32 $0x1680;
	[sflag:s17] =	ssyncadd.s32 $0xFFFFFF80  }
0x405: {  	[tilespmem:s15], [sflag:$0x2] =	stream.indirect.gather [hbm4b:s2+s10], $0x80, s22, s10, $0xb8;
	[tilespmem:$0x1E580] =	vst v63  }
0x406: {  	_ =	swait.ge [sflag:s16], $0x4000  }
0x407: {  	[sflag:s16] =	ssyncset.done $0x0  }
0x408: {  	[sflag:s16] =	ssyncadd.s32 $0xFFFFC000  }
0x409: {  	[spmem:s4] =	stream.indirect.scatter.add.f32 [tilespmem:s31], [sflag:$0x3], $0x80, s24, s10, $0xb8;
	[tilespmem:$0x1E580] =	vst v63  }
0x40a: {  	_ = 	snop  }
0x40b: {  	[spmem:s5] =	stream.indirect.scatter.add.f32 [tilespmem:s18], [sflag:$0x3], $0x1, s24, s10, $0xb8;
	[tilespmem:$0x1E580] =	vst v63  }
0x40c: {  	_ =	swait.ge [sflag:s19], $0x4000  }
0x40d: {  	[sflag:s19] =	ssyncset.done $0x0  }
0x40e: {  	[sflag:s19] =	ssyncadd.s32 $0xFFFFC000  }
0x40f: {  	_ =	swait.ge [sflag:s28], $0x4000  }
0x410: {  	[sflag:s28] =	ssyncset.done $0x0  }
0x411: {  	[sflag:s28] =	ssyncadd.s32 $0xFFFFC000  }
0x412: {  	_ =	swait.ge [sflag:s28], $0x80  }
0x413: {  	[sflag:s28] =	ssyncset.done $0x0  }
0x414: {  	s14 =	simm.s32 $0x1700;
	[sflag:s28] =	ssyncadd.s32 $0xFFFFFF80  }
0x415: {  	[tilespmem:s31], [sflag:$0x1] =	stream.indirect.gather [hbm4b:s2+s10], $0x80, s14, s10, $0xb8;
	[tilespmem:$0x1E580] =	vst v63  }
0x416: {  	_ = 	snop  }
0x417: {  	[spmem:s4] =	stream.indirect.scatter.add.f32 [tilespmem:s15], [sflag:$0x4], $0x80, s7, s10, $0xb8;
	[tilespmem:$0x1E580] =	vst v63  }
0x418: {  	_ = 	snop  }
0x419: {  	[spmem:s5] =	stream.indirect.scatter.add.f32 [tilespmem:s18], [sflag:$0x4], $0x1, s7, s10, $0xb8;
	[tilespmem:$0x1E580] =	vst v63  }
0x41a: {  	_ =	swait.ge [sflag:s17], $0x4000  }
0x41b: {  	[sflag:s17] =	ssyncset.done $0x0  }
0x41c: {  	[sflag:s17] =	ssyncadd.s32 $0xFFFFC000  }
0x41d: {  	_ =	swait.ge [sflag:s17], $0x80  }
0x41e: {  	[sflag:s17] =	ssyncset.done $0x0  }
0x41f: {  	s22 =	simm.s32 $0x1780;
	[sflag:s17] =	ssyncadd.s32 $0xFFFFFF80  }
0x420: {  	[tilespmem:s15], [sflag:$0x2] =	stream.indirect.gather [hbm4b:s2+s10], $0x80, s22, s10, $0xb8;
	[tilespmem:$0x1E580] =	vst v63  }
0x421: {  	_ =	swait.ge [sflag:s16], $0x4000  }
0x422: {  	[sflag:s16] =	ssyncset.done $0x0  }
0x423: {  	[sflag:s16] =	ssyncadd.s32 $0xFFFFC000  }
0x424: {  	[spmem:s4] =	stream.indirect.scatter.add.f32 [tilespmem:s31], [sflag:$0x3], $0x80, s23, s10, $0xb8;
	[tilespmem:$0x1E580] =	vst v63  }
0x425: {  	_ = 	snop  }
0x426: {  	[spmem:s5] =	stream.indirect.scatter.add.f32 [tilespmem:s18], [sflag:$0x3], $0x1, s23, s10, $0xb8;
	[tilespmem:$0x1E580] =	vst v63  }
0x427: {  	_ =	swait.ge [sflag:s19], $0x4000  }
0x428: {  	[sflag:s19] =	ssyncset.done $0x0  }
0x429: {  	[sflag:s19] =	ssyncadd.s32 $0xFFFFC000  }
0x42a: {  	_ =	swait.ge [sflag:s28], $0x4000  }
.Ltmp6:
0x42b: {  	[sflag:s28] =	ssyncset.done $0x0;
	(pc) =	sbr.rel @p1 .LBB2_10-.Ltmp6, $4  }
0x42c: {  	[sflag:s28] =	ssyncadd.s32 $0xFFFFC000  }
0x42d: {  	_ =	swait.ge [sflag:s28], $0x80  }
0x42e: {  	[sflag:s28] =	ssyncset.done $0x0  }
0x42f: {  	s25 =	simm.s32 $0x800;
	s29 =	simm.s32 $0x1000;
	[sflag:s28] =	ssyncadd.s32 $0xFFFFFF80  }
0x430: {  	_ =	swait.ge [sflag:s21], $0x800  }
0x431: {  	[sflag:s21] =	ssyncset.done $0x0  }
0x432: {  	[sflag:s21] =	ssyncadd.s32 $0xFFFFF800  }
0x433: {  	_ =	swait.ge [sflag:s21], $0x800  }
0x434: {  	[sflag:s21] =	ssyncset.done $0x0  }
0x435: {  	[sflag:s21] =	ssyncadd.s32 $0xFFFFF800  }
0x436: {  	[tilespmem:s31], [sflag:$0x1] =	stream.indirect.gather [hbm4b:s2+s10], $0x80, s6, s10, $0xb8;
	[tilespmem:$0x1E580] =	vst v63  }
0x437: {  	_ = 	snop  }
0x438: {  	[spmem:s4] =	stream.indirect.scatter.add.f32 [tilespmem:s15], [sflag:$0x4], $0x80, s20, s10, $0xb8;
	[tilespmem:$0x1E580] =	vst v63  }
0x439: {  	_ = 	snop  }
0x43a: {  	[spmem:s5] =	stream.indirect.scatter.add.f32 [tilespmem:s18], [sflag:$0x4], $0x1, s20, s10, $0xb8;
	[tilespmem:$0x1E580] =	vst v63  }
0x43b: {  	_ =	swait.ge [sflag:s17], $0x4000  }
0x43c: {  	[sflag:s17] =	ssyncset.done $0x0  }
0x43d: {  	[sflag:s17] =	ssyncadd.s32 $0xFFFFC000  }
0x43e: {  	_ =	swait.ge [sflag:s17], $0x80  }
0x43f: {  	[sflag:s17] =	ssyncset.done $0x0  }
0x440: {  	s12 =	sadd.s32 s8, s3;
	[sflag:s17] =	ssyncadd.s32 $0xFFFFFF80  }
0x441: {  	[tilespmem:s15], [sflag:$0x2] =	stream.indirect.gather [hbm4b:s2+s10], $0x80, s10, s10, $0xb8;
	[tilespmem:$0x1E580] =	vst v63  }
.Ltmp7:
0x442: {  	s14 =	sadd.s32 $0xB00, s12;
	(pc) =	sbr.rel .LBB2_9-.Ltmp7, $4  }
0x443: {  	[tilespmem:s29], [sflag:$0x5] =	stream.linear.gather [hbm4b:s14+s6], $0x800, $0x38;
	[tilespmem:$0x1E580] =	vst v63  }
0x444: {  	s12 =	sadd.s32 $0xAB00, s12  }
0x445: {  	[tilespmem:s9], [sflag:$0x5] =	stream.linear.gather [hbm4b:s12+s6], $0x800, $0x38;
	[tilespmem:$0x1E580] =	vst v63  }
0x446: {  	s8 =	sadd.s32 $0x200, s8;
	s22 =	smov.u32 s3;
	s12 =	simm.s32 $0x1000  }
.LBB2_6:
.Ltmp8:
0x447: {  	(pc) =	sbr.rel .LBB2_11-.Ltmp8, $4  }
0x448: {  	_ = 	snop  }
0x449: {  	s14 =	rddreg [dreg:$0x4]  }
0x44a: {  	s8 =	rddreg [dreg:$0x8]  }
0x44b: {  	s29 =	rddreg [dreg:$0x1e]  }
.LBB2_12:
0x44c: {  	_ =	sfence.sel $0x180000  }
0x44d: {  	[bflag:$0x0] =	sbarrier.arrive $0xFFFF  }
0x44e: {  	_ =	strace $0x90000047  }
0x44f: {  	s0 =	stileid.u32;
	[bflag:$0x2] =	sbarrier.arrive $0xFFFF  }
0x450: {  	p0 =	sne.s32 s0, $0x0;
	s0 =	rddreg [dreg:$0x7]  }
0x451: {  	s0 =	sadd.s32 @!p0 $0x100000, s0  }
0x452: {  	[sflag:s0] =	ssyncadd.tile.s32 @!p0 $0x1;
	_ =	shalt  }
.Lfunc_end2:
_tile_overlayer_lowered:
.L_overlay_start_2:
0x453: {  	(tag) =	ssettag $0x2  }
0x454: {  	s0 =	rddreg [dreg:$0x0];
	s2 =	stileid.u32  }
0x455: {  	s1 =	rddreg [dreg:$0x1];
	p0 =	sne.s32 s2, $0x0  }
0x456: {  	s3 =	rddreg [dreg:$0x2];
	[bflag:$0x3] =	sbarrier.arrive $0xFFFF;
	s2 =	simm.s32 @!p0 $0x1C06  }
0x457: {  	[timem:s3], [sflag:s2] =	dma.local @!p0 [hbm:s0], s1  }
0x458: {  	s0 =	simm.s32 @!p0 $0x6  }
0x459: {  	_ =	swait.ge @!p0 [sflag:s0], s1  }
0x45a: {  	s1 =	ssub.s32 @!p0 $0x0, s1;
	[sflag:s0] =	ssyncset.done @!p0 $0x0  }
0x45b: {  	[sflag:s0] =	ssyncadd.s32 @!p0 s1  }
0x45c: {  	[bflag:$0x3] =	sbarrier.arrive $0xFFFF  }
0x45d: {  	_ =	shalt  }

</sc_bundles>
